<compile_context>
chip_gen: v7x
topology: tpu7x:2x2x1
jax: 0.10.2.dev20260603
libtpu: 0.0.44.dev20260713+nightly
codegen_flags: <defaults>
</compile_context>

<pallas_src>
import functools

import jax
import jax.numpy as jnp
from jax import lax
from jax.experimental import pallas as pl
from jax.experimental.pallas import tpu as pltpu
from jax.experimental.pallas import tpu_sc as plsc

N = 10000
D = 128
NNZ = 320000
TILES = 32
CH = 128
PER_TILE = 10240
NCHT = PER_TILE // CH
NNZ_PAD = TILES * PER_TILE
IDX_ROWS = NNZ_PAD // CH
NCHT0 = 120
NCHT1 = 160 - NCHT0
NCHT_MAX = max(NCHT0, NCHT1)
ROWS_PAD = 10240
TRASH = N
RPS = ROWS_PAD // 16

_mesh = plsc.VectorSubcoreMesh(core_axis_name="c", subcore_axis_name="s")



@functools.partial(
    pl.kernel,
    mesh=_mesh,
    out_type=jax.ShapeDtypeStruct((2, ROWS_PAD, D), jnp.float32),
    scratch_types=[
        pltpu.VMEM((NCHT_MAX, CH), jnp.int32),
        pltpu.VMEM((NCHT_MAX, CH), jnp.int32),
        pltpu.VMEM((CH, D), jnp.float32),
        pltpu.VMEM_SHARED((ROWS_PAD, D), jnp.float32),
        pltpu.SemaphoreType.DMA,
    ],
)
def _spmm(table_hbm, gidx_hbm, sidx_hbm, zrows_hbm, out_hbm,
          gidx_v, sidx_v, rows_v, acc_sh, sem):
    cid = lax.axis_index("c")
    sid = lax.axis_index("s")
    ncht = lax.select(cid == 0, NCHT0, NCHT1)
    base = cid * 16 * NCHT0 + sid * ncht
    pltpu.sync_copy(gidx_hbm.at[pl.ds(base, NCHT_MAX)], gidx_v)
    pltpu.sync_copy(sidx_hbm.at[pl.ds(base, NCHT_MAX)], sidx_v)
    pltpu.sync_copy(zrows_hbm, acc_sh.at[pl.ds(sid * RPS, RPS)])
    plsc.subcore_barrier()

    def body(j, carry):
        pltpu.async_copy(table_hbm.at[gidx_v.at[j]], rows_v, sem).wait()
        pltpu.sync_copy(rows_v, acc_sh.at[sidx_v.at[j]], add=True)
        return carry

    lax.fori_loop(0, ncht, body, 0)
    plsc.subcore_barrier()
    pltpu.sync_copy(acc_sh.at[pl.ds(sid * RPS, RPS)],
                    out_hbm.at[cid, pl.ds(sid * RPS, RPS)])


@functools.partial(
    pl.kernel,
    mesh=_mesh,
    out_type=(jax.ShapeDtypeStruct((2, ROWS_PAD, 16), jnp.float32),
              jax.ShapeDtypeStruct((2, ROWS_PAD, 16), jnp.float32)),
    scratch_types=[
        pltpu.VMEM((NCHT, CH), jnp.int32),
        pltpu.VMEM((NCHT, CH), jnp.int32),
        pltpu.VMEM((CH, 16), jnp.float32),
        pltpu.VMEM_SHARED((ROWS_PAD, 16), jnp.float32),
        pltpu.VMEM_SHARED((ROWS_PAD, 16), jnp.float32),
    ],
    compiler_params=pltpu.CompilerParams(use_tc_tiling_on_sc=False),
)
def _degrees(srcs_hbm, eids_hbm, ones_hbm, z16_hbm, dv_out, de_out,
             srcs_v, eids_v, ones_v, accv_sh, acce_sh):
    cid = lax.axis_index("c")
    sid = lax.axis_index("s")
    wid = sid * 2 + cid
    pltpu.sync_copy(srcs_hbm.at[pl.ds(wid * NCHT, NCHT)], srcs_v)
    pltpu.sync_copy(eids_hbm.at[pl.ds(wid * NCHT, NCHT)], eids_v)
    pltpu.sync_copy(ones_hbm, ones_v)
    pltpu.sync_copy(z16_hbm, accv_sh.at[pl.ds(sid * RPS, RPS)])
    pltpu.sync_copy(z16_hbm, acce_sh.at[pl.ds(sid * RPS, RPS)])
    plsc.subcore_barrier()

    def body(j, carry):
        pltpu.sync_copy(ones_v, accv_sh.at[srcs_v.at[j]], add=True)
        pltpu.sync_copy(ones_v, acce_sh.at[eids_v.at[j]], add=True)
        return carry

    lax.fori_loop(0, NCHT, body, 0)
    plsc.subcore_barrier()
    pltpu.sync_copy(accv_sh.at[pl.ds(sid * RPS, RPS)],
                    dv_out.at[cid, pl.ds(sid * RPS, RPS)])
    pltpu.sync_copy(acce_sh.at[pl.ds(sid * RPS, RPS)],
                    de_out.at[cid, pl.ds(sid * RPS, RPS)])


@functools.partial(
    pl.kernel,
    mesh=_mesh,
    out_type=(jax.ShapeDtypeStruct((2, ROWS_PAD, 16), jnp.float32),
              jax.ShapeDtypeStruct((2, ROWS_PAD, 16), jnp.float32)),
    scratch_types=[
        pltpu.VMEM((NCHT, CH), jnp.int32),
        pltpu.VMEM((NCHT, CH), jnp.int32),
        pltpu.VMEM((NCHT, CH), jnp.int32),
        pltpu.VMEM((NCHT, CH), jnp.int32),
        pltpu.VMEM((CH, 16), jnp.float32),
        pltpu.VMEM_SHARED((ROWS_PAD, 16), jnp.float32),
        pltpu.VMEM_SHARED((ROWS_PAD, 16), jnp.float32),
        pltpu.SemaphoreType.DMA,
    ],
    compiler_params=pltpu.CompilerParams(use_tc_tiling_on_sc=False),
)
def _wsums(tdv_hbm, tde_hbm, srcg_hbm, srcs_hbm, eidg_hbm, eids_hbm, z16_hbm,
           en_out, vn_out, srcg_v, srcs_v, eidg_v, eids_v, rows_v,
           accv_sh, acce_sh, sem):
    cid = lax.axis_index("c")
    sid = lax.axis_index("s")
    wid = sid * 2 + cid
    pltpu.sync_copy(srcg_hbm.at[pl.ds(wid * NCHT, NCHT)], srcg_v)
    pltpu.sync_copy(srcs_hbm.at[pl.ds(wid * NCHT, NCHT)], srcs_v)
    pltpu.sync_copy(eidg_hbm.at[pl.ds(wid * NCHT, NCHT)], eidg_v)
    pltpu.sync_copy(eids_hbm.at[pl.ds(wid * NCHT, NCHT)], eids_v)
    pltpu.sync_copy(z16_hbm, accv_sh.at[pl.ds(sid * RPS, RPS)])
    pltpu.sync_copy(z16_hbm, acce_sh.at[pl.ds(sid * RPS, RPS)])
    plsc.subcore_barrier()

    def body(j, carry):
        pltpu.async_copy(tdv_hbm.at[srcg_v.at[j]], rows_v, sem).wait()
        pltpu.sync_copy(rows_v, acce_sh.at[eids_v.at[j]], add=True)
        pltpu.async_copy(tde_hbm.at[eidg_v.at[j]], rows_v, sem).wait()
        pltpu.sync_copy(rows_v, accv_sh.at[srcs_v.at[j]], add=True)
        return carry

    lax.fori_loop(0, NCHT, body, 0)
    plsc.subcore_barrier()
    pltpu.sync_copy(acce_sh.at[pl.ds(sid * RPS, RPS)],
                    en_out.at[cid, pl.ds(sid * RPS, RPS)])
    pltpu.sync_copy(accv_sh.at[pl.ds(sid * RPS, RPS)],
                    vn_out.at[cid, pl.ds(sid * RPS, RPS)])



def _deg_body(dvp_ref, dep_ref, tdv_ref, tde_ref, dvb_ref, dea_ref):
    d_v = jnp.maximum(dvp_ref[0, :, 0:1] + dvp_ref[1, :, 0:1], 1.0)
    d_e = jnp.maximum(dep_ref[0, :, 0:1] + dep_ref[1, :, 0:1], 1.0)
    dv_beta = lax.rsqrt(d_v)
    de_alpha = lax.rsqrt(d_e) / d_e
    dvb_ref[...] = dv_beta
    dea_ref[...] = de_alpha
    tdv_ref[...] = jnp.broadcast_to(dv_beta, (ROWS_PAD, 16))
    tde_ref[...] = jnp.broadcast_to(de_alpha, (ROWS_PAD, 16))


def _deg_tc(dv_p, de_p):
    return pl.pallas_call(
        _deg_body,
        out_shape=(jax.ShapeDtypeStruct((ROWS_PAD, 16), jnp.float32),
                   jax.ShapeDtypeStruct((ROWS_PAD, 16), jnp.float32),
                   jax.ShapeDtypeStruct((ROWS_PAD, 1), jnp.float32),
                   jax.ShapeDtypeStruct((ROWS_PAD, 1), jnp.float32)),
    )(dv_p, de_p)


def _inv_body(enp_ref, vnp_ref, ei_ref, vi_ref):
    en = enp_ref[0, :, 0:1] + enp_ref[1, :, 0:1]
    vn = vnp_ref[0, :, 0:1] + vnp_ref[1, :, 0:1]
    ei_ref[...] = 1.0 / jnp.maximum(en, 1e-12)
    vi_ref[...] = 1.0 / jnp.maximum(vn, 1e-12)


def _inv_tc(en_p, vn_p):
    return pl.pallas_call(
        _inv_body,
        out_shape=(jax.ShapeDtypeStruct((ROWS_PAD, 1), jnp.float32),
                   jax.ShapeDtypeStruct((ROWS_PAD, 1), jnp.float32)),
    )(en_p, vn_p)


def _mm_body(p_ref, spre_ref, w_ref, b_ref, spost_ref, o_ref, *, relu_pre):
    v = jnp.sum(p_ref[...], axis=0) * spre_ref[...]
    if relu_pre:
        v = jnp.maximum(v, 0.0)
    h = jnp.dot(v, w_ref[...], preferred_element_type=jnp.float32) + b_ref[...]
    o_ref[...] = h * spost_ref[...]


_MM_R = 1000


def _mm(p, spre, w, b, spost, relu_pre):
    np_ = p.shape[0]
    return pl.pallas_call(
        functools.partial(_mm_body, relu_pre=relu_pre),
        grid=(N // _MM_R,),
        in_specs=[
            pl.BlockSpec((np_, _MM_R, D), lambda i: (0, i, 0)),
            pl.BlockSpec((_MM_R, 1), lambda i: (i, 0)),
            pl.BlockSpec((D, D), lambda i: (0, 0)),
            pl.BlockSpec((1, D), lambda i: (0, 0)),
            pl.BlockSpec((_MM_R, 1), lambda i: (i, 0)),
        ],
        out_specs=pl.BlockSpec((_MM_R, D), lambda i: (i, 0)),
        out_shape=jax.ShapeDtypeStruct((N, D), jnp.float32),
    )(p, spre, w, b, spost)


def _scale_body(p_ref, s_ref, o_ref):
    o_ref[...] = jnp.sum(p_ref[...], axis=0) * s_ref[...]


def _scale_out(p, s):
    return pl.pallas_call(
        _scale_body,
        grid=(N // _MM_R,),
        in_specs=[
            pl.BlockSpec((2, _MM_R, D), lambda i: (0, i, 0)),
            pl.BlockSpec((_MM_R, 1), lambda i: (i, 0)),
        ],
        out_specs=pl.BlockSpec((_MM_R, D), lambda i: (i, 0)),
        out_shape=jax.ShapeDtypeStruct((N, D), jnp.float32),
    )(p, s)



def kernel(x, hyperedge_index, W0v, b0v, W0e, b0e, W1v, b1v, W1e, b1e):
    src = hyperedge_index[0].astype(jnp.int32)
    eid = hyperedge_index[1].astype(jnp.int32)
    padn = NNZ_PAD - NNZ
    pad0 = jnp.zeros((padn,), jnp.int32)
    padt = jnp.full((padn,), TRASH, jnp.int32)
    slack = jnp.zeros((NCHT_MAX * CH,), jnp.int32)
    srcg = jnp.concatenate([src, pad0, slack]).reshape(-1, CH)
    srcs = jnp.concatenate([src, padt, slack]).reshape(-1, CH)
    eidg = jnp.concatenate([eid, pad0, slack]).reshape(-1, CH)
    eids = jnp.concatenate([eid, padt, slack]).reshape(-1, CH)
    zrows = jnp.zeros((RPS, D), jnp.float32)
    z16 = jnp.zeros((RPS, 16), jnp.float32)
    ones16 = jnp.ones((CH, 16), jnp.float32)
    ones_n = jnp.ones((N, 1), jnp.float32)

    dv_p, de_p = _degrees(srcs, eids, ones16, z16)
    tdv, tde, dv_beta, de_alpha = _deg_tc(dv_p, de_p)
    en_p, vn_p = _wsums(tdv, tde, srcg, srcs, eidg, eids, z16)
    e_inv, v_inv = _inv_tc(en_p, vn_p)
    dv_b, de_a = dv_beta[:N], de_alpha[:N]
    e_i, v_i = e_inv[:N], v_inv[:N]

    h0 = _mm(x[None], ones_n, W0v, b0v.reshape(1, D), dv_b, relu_pre=False)
    pe0 = _spmm(h0, srcg, eids, zrows)
    g0 = _mm(pe0, e_i, W0e, b0e.reshape(1, D), de_a, relu_pre=True)
    pv0 = _spmm(g0, eidg, srcs, zrows)
    h1 = _mm(pv0, v_i, W1v, b1v.reshape(1, D), dv_b, relu_pre=True)
    pe1 = _spmm(h1, srcg, eids, zrows)
    g1 = _mm(pe1, e_i, W1e, b1e.reshape(1, D), de_a, relu_pre=True)
    pv1 = _spmm(g1, eidg, srcs, zrows)
    return _scale_out(pv1, v_i)

# --- scband reference (transcript-rebuilt; emitter-appended) ---
"""Pipeline reference for scband-hnhn-23493471109501 (READ-ONLY COPY).

The authoritative reference and input builder live on the scoring server;
editing this copy changes nothing except your own understanding.
"""

import jax, jax.numpy as jnp
import numpy as np

N_NODES = 10000
N_HEDGES = 10000
NNZ = 320000
D = 128
ALPHA = -1.5
BETA = -0.5


def _glorot(k, shape):
    lim = float(np.sqrt(6.0 / (shape[0] + shape[1])))
    return jax.random.uniform(k, shape, jnp.float32, -lim, lim)


def setup_inputs(seed: int = 0) -> dict:
    key = jax.random.key(seed)
    ks = jax.random.split(key, 8)
    x = jax.random.normal(ks[0], (N_NODES, D), dtype=jnp.float32)
    hyperedge_index = jax.random.randint(ks[1], (2, NNZ), 0, N_NODES).astype(jnp.int32)
    return {
        "x": x,
        "hyperedge_index": hyperedge_index,
        "W0v": _glorot(ks[2], (D, D)), "b0v": jnp.zeros((D,), jnp.float32),
        "W0e": _glorot(ks[3], (D, D)), "b0e": jnp.zeros((D,), jnp.float32),
        "W1v": _glorot(ks[4], (D, D)), "b1v": jnp.zeros((D,), jnp.float32),
        "W1e": _glorot(ks[5], (D, D)), "b1e": jnp.zeros((D,), jnp.float32),
    }


def _conv(x, src, eid, Wv, bv, We, be, dv_beta, e_norm_inv, de_alpha, v_norm_inv, nonlinear):
    # node -> hyperedge (HNHN edge update with d(v)^beta weights)
    h = x @ Wv + bv
    msg = h[src] * dv_beta[src][:, None]
    e = jax.ops.segment_sum(msg, eid, num_segments=N_HEDGES) * e_norm_inv[:, None]
    if nonlinear:
        e = jax.nn.relu(e)
    # hyperedge -> node (HNHN node update with |e|^alpha weights)
    h2 = e @ We + be
    msg2 = h2[eid] * de_alpha[eid][:, None]
    out = jax.ops.segment_sum(msg2, src, num_segments=N_NODES) * v_norm_inv[:, None]
    return out


def reference(x, hyperedge_index, W0v, b0v, W0e, b0e, W1v, b1v, W1e, b1e):
    src = hyperedge_index[0]
    eid = hyperedge_index[1]
    d_v = jnp.maximum(jnp.bincount(src, length=N_NODES).astype(jnp.float32), 1.0)
    d_e = jnp.maximum(jnp.bincount(eid, length=N_HEDGES).astype(jnp.float32), 1.0)
    dv_beta = d_v ** BETA
    de_alpha = d_e ** ALPHA
    e_norm_inv = 1.0 / jnp.maximum(jax.ops.segment_sum(dv_beta[src], eid, num_segments=N_HEDGES), 1e-12)
    v_norm_inv = 1.0 / jnp.maximum(jax.ops.segment_sum(de_alpha[eid], src, num_segments=N_NODES), 1e-12)
    # layer 0 + relu (dropout is identity in eval mode)
    h = _conv(x, src, eid, W0v, b0v, W0e, b0e, dv_beta, e_norm_inv, de_alpha, v_norm_inv, True)
    h = jax.nn.relu(h)
    # layer 1 (output layer)
    out = _conv(h, src, eid, W1v, b1v, W1e, b1e, dv_beta, e_norm_inv, de_alpha, v_norm_inv, True)
    return out

if __name__ == "__main__":
    import jax
    _d = setup_inputs()
    print(jax.jit(kernel)(*tuple(_d.values())))

</pallas_src>

<mosaic_0001>
#map = affine_map<(d0, d1) -> (0, 0)>
#map1 = affine_map<(d0, d1) -> (0, 0, 0)>
module attributes {stable_mosaic.version = 14 : i64} {
  func.func @_degrees(%arg0: i32, %arg1: i32, %arg2: memref<2680x128xi32, #tpu.memory_space<hbm>>, %arg3: memref<2680x128xi32, #tpu.memory_space<hbm>>, %arg4: memref<128x16xf32, #tpu.memory_space<hbm>>, %arg5: memref<640x16xf32, #tpu.memory_space<hbm>>, %arg6: memref<2x10240x16xf32, #tpu.memory_space<hbm>>, %arg7: memref<2x10240x16xf32, #tpu.memory_space<hbm>>, %arg8: memref<80x128xi32, #tpu.memory_space<vmem>>, %arg9: memref<80x128xi32, #tpu.memory_space<vmem>>, %arg10: memref<128x16xf32, #tpu.memory_space<vmem>>, %arg11: memref<10240x16xf32, #tpu.memory_space<vmem_shared>>, %arg12: memref<10240x16xf32, #tpu.memory_space<vmem_shared>>) attributes {dimension_semantics = [#tpu.dimension_semantics<core_parallel>, #tpu.dimension_semantics<subcore_parallel>], iteration_bounds = array<i64: 2, 16>, scalar_prefetch = 0 : i64, scratch_operands = 5 : i64, tpu.core_type = #tpu.core_type<sc_vector_subcore>, window_params = [{transform_indices = #map}, {transform_indices = #map}, {transform_indices = #map}, {transform_indices = #map}, {transform_indices = #map1}, {transform_indices = #map1}]} {
    %mul3A = arith.constant 2 : i32
    %mul3A_0 = arith.muli %arg1, %mul3A : i32
    %add3A = arith.addi %mul3A_0, %arg0 : i32
    %mul3A_1 = arith.constant 80 : i32
    %mul3A_2 = arith.muli %add3A, %mul3A_1 : i32
    "tpu.region"() ({
      %run_scoped3A = tpu.sem_alloc : memref<!tpu.dma_semaphore, #tpu.memory_space<semaphore_mem>>
      %dma_start3A = arith.constant 0 : i32
      %dma_start3A_23 = tpu.memref_slice %arg2[%mul3A_2, %dma_start3A] : memref<2680x128xi32, #tpu.memory_space<hbm>> -> memref<80x128xi32, #tpu.memory_space<hbm>>
      %dma_start3A_24 = arith.constant 0 : i32
      %dma_start3A_25 = tpu.memref_slice %arg2[%mul3A_2, %dma_start3A_24] : memref<2680x128xi32, #tpu.memory_space<hbm>> -> memref<80x128xi32, #tpu.memory_space<hbm>>
      tpu.enqueue_dma source(%dma_start3A_25 : memref<80x128xi32, #tpu.memory_space<hbm>>) target(%arg8 : memref<80x128xi32, #tpu.memory_space<vmem>>) target_semaphore(%run_scoped3A : memref<!tpu.dma_semaphore, #tpu.memory_space<semaphore_mem>>)
      %dma_wait3A = arith.constant 0 : i32
      %dma_wait3A_26 = tpu.memref_slice %arg2[%mul3A_2, %dma_wait3A] : memref<2680x128xi32, #tpu.memory_space<hbm>> -> memref<80x128xi32, #tpu.memory_space<hbm>>
      %dma_wait3A_27 = arith.constant 0 : i32
      %dma_wait3A_28 = tpu.memref_slice %arg2[%mul3A_2, %dma_wait3A_27] : memref<2680x128xi32, #tpu.memory_space<hbm>> -> memref<80x128xi32, #tpu.memory_space<hbm>>
      tpu.wait_dma2 semaphore(%run_scoped3A : memref<!tpu.dma_semaphore, #tpu.memory_space<semaphore_mem>>) src(%dma_wait3A_28 : memref<80x128xi32, #tpu.memory_space<hbm>>) dst(%arg8 : memref<80x128xi32, #tpu.memory_space<vmem>>)
      tpu.yield
    }) : () -> ()
    %mul3A_3 = arith.constant 80 : i32
    %mul3A_4 = arith.muli %add3A, %mul3A_3 : i32
    "tpu.region"() ({
      %run_scoped3A = tpu.sem_alloc : memref<!tpu.dma_semaphore, #tpu.memory_space<semaphore_mem>>
      %dma_start3A = arith.constant 0 : i32
      %dma_start3A_23 = tpu.memref_slice %arg3[%mul3A_4, %dma_start3A] : memref<2680x128xi32, #tpu.memory_space<hbm>> -> memref<80x128xi32, #tpu.memory_space<hbm>>
      %dma_start3A_24 = arith.constant 0 : i32
      %dma_start3A_25 = tpu.memref_slice %arg3[%mul3A_4, %dma_start3A_24] : memref<2680x128xi32, #tpu.memory_space<hbm>> -> memref<80x128xi32, #tpu.memory_space<hbm>>
      tpu.enqueue_dma source(%dma_start3A_25 : memref<80x128xi32, #tpu.memory_space<hbm>>) target(%arg9 : memref<80x128xi32, #tpu.memory_space<vmem>>) target_semaphore(%run_scoped3A : memref<!tpu.dma_semaphore, #tpu.memory_space<semaphore_mem>>)
      %dma_wait3A = arith.constant 0 : i32
      %dma_wait3A_26 = tpu.memref_slice %arg3[%mul3A_4, %dma_wait3A] : memref<2680x128xi32, #tpu.memory_space<hbm>> -> memref<80x128xi32, #tpu.memory_space<hbm>>
      %dma_wait3A_27 = arith.constant 0 : i32
      %dma_wait3A_28 = tpu.memref_slice %arg3[%mul3A_4, %dma_wait3A_27] : memref<2680x128xi32, #tpu.memory_space<hbm>> -> memref<80x128xi32, #tpu.memory_space<hbm>>
      tpu.wait_dma2 semaphore(%run_scoped3A : memref<!tpu.dma_semaphore, #tpu.memory_space<semaphore_mem>>) src(%dma_wait3A_28 : memref<80x128xi32, #tpu.memory_space<hbm>>) dst(%arg9 : memref<80x128xi32, #tpu.memory_space<vmem>>)
      tpu.yield
    }) : () -> ()
    "tpu.region"() ({
      %run_scoped3A = tpu.sem_alloc : memref<!tpu.dma_semaphore, #tpu.memory_space<semaphore_mem>>
      tpu.enqueue_dma source(%arg4 : memref<128x16xf32, #tpu.memory_space<hbm>>) target(%arg10 : memref<128x16xf32, #tpu.memory_space<vmem>>) target_semaphore(%run_scoped3A : memref<!tpu.dma_semaphore, #tpu.memory_space<semaphore_mem>>)
      tpu.wait_dma2 semaphore(%run_scoped3A : memref<!tpu.dma_semaphore, #tpu.memory_space<semaphore_mem>>) src(%arg4 : memref<128x16xf32, #tpu.memory_space<hbm>>) dst(%arg10 : memref<128x16xf32, #tpu.memory_space<vmem>>)
      tpu.yield
    }) : () -> ()
    %mul3A_5 = arith.constant 640 : i32
    %mul3A_6 = arith.muli %arg1, %mul3A_5 : i32
    "tpu.region"() ({
      %run_scoped3A = tpu.sem_alloc : memref<!tpu.dma_semaphore, #tpu.memory_space<semaphore_mem>>
      %dma_start3A = arith.constant 0 : i32
      %dma_start3A_23 = tpu.memref_slice %arg11[%mul3A_6, %dma_start3A] : memref<10240x16xf32, #tpu.memory_space<vmem_shared>> -> memref<640x16xf32, #tpu.memory_space<vmem_shared>>
      tpu.enqueue_dma source(%arg5 : memref<640x16xf32, #tpu.memory_space<hbm>>) target(%dma_start3A_23 : memref<640x16xf32, #tpu.memory_space<vmem_shared>>) target_semaphore(%run_scoped3A : memref<!tpu.dma_semaphore, #tpu.memory_space<semaphore_mem>>)
      %dma_wait3A = arith.constant 0 : i32
      %dma_wait3A_24 = tpu.memref_slice %arg11[%mul3A_6, %dma_wait3A] : memref<10240x16xf32, #tpu.memory_space<vmem_shared>> -> memref<640x16xf32, #tpu.memory_space<vmem_shared>>
      tpu.wait_dma2 semaphore(%run_scoped3A : memref<!tpu.dma_semaphore, #tpu.memory_space<semaphore_mem>>) src(%arg5 : memref<640x16xf32, #tpu.memory_space<hbm>>) dst(%dma_wait3A_24 : memref<640x16xf32, #tpu.memory_space<vmem_shared>>)
      tpu.yield
    }) : () -> ()
    %mul3A_7 = arith.constant 640 : i32
    %mul3A_8 = arith.muli %arg1, %mul3A_7 : i32
    "tpu.region"() ({
      %run_scoped3A = tpu.sem_alloc : memref<!tpu.dma_semaphore, #tpu.memory_space<semaphore_mem>>
      %dma_start3A = arith.constant 0 : i32
      %dma_start3A_23 = tpu.memref_slice %arg12[%mul3A_8, %dma_start3A] : memref<10240x16xf32, #tpu.memory_space<vmem_shared>> -> memref<640x16xf32, #tpu.memory_space<vmem_shared>>
      tpu.enqueue_dma source(%arg5 : memref<640x16xf32, #tpu.memory_space<hbm>>) target(%dma_start3A_23 : memref<640x16xf32, #tpu.memory_space<vmem_shared>>) target_semaphore(%run_scoped3A : memref<!tpu.dma_semaphore, #tpu.memory_space<semaphore_mem>>)
      %dma_wait3A = arith.constant 0 : i32
      %dma_wait3A_24 = tpu.memref_slice %arg12[%mul3A_8, %dma_wait3A] : memref<10240x16xf32, #tpu.memory_space<vmem_shared>> -> memref<640x16xf32, #tpu.memory_space<vmem_shared>>
      tpu.wait_dma2 semaphore(%run_scoped3A : memref<!tpu.dma_semaphore, #tpu.memory_space<semaphore_mem>>) src(%arg5 : memref<640x16xf32, #tpu.memory_space<hbm>>) dst(%dma_wait3A_24 : memref<640x16xf32, #tpu.memory_space<vmem_shared>>)
      tpu.yield
    }) : () -> ()
    %barrier3A = arith.constant 0 : index
    tpu.barrier barrier_id(%barrier3A)
    %scan3A = arith.constant 0 : i32
    %scan3A_9 = arith.constant 0 : i32
    %scan3A_10 = arith.constant 80 : i32
    %scan3A_11 = arith.addi %scan3A_9, %scan3A_10 : i32
    %scan3A_12 = arith.constant 1 : i32
    scf.for %scan3A_23 = %scan3A_9 to %scan3A_11 step %scan3A_12  : i32 {
      "tpu.region"() ({
        %run_scoped3A = tpu.sem_alloc : memref<!tpu.dma_semaphore, #tpu.memory_space<semaphore_mem>>
        %dma_start3A = arith.constant 0 : i32
        %dma_start3A_24 = tpu.memref_slice %arg8[%scan3A_23, %dma_start3A] : memref<80x128xi32, #tpu.memory_space<vmem>> -> memref<1x128xi32, #tpu.memory_space<vmem>>
        %dma_start3A_25 = tpu.memref_squeeze %dma_start3A_24 : memref<1x128xi32, #tpu.memory_space<vmem>> -> memref<128xi32, #tpu.memory_space<vmem>>
        %dma_start3A_26 = arith.constant 0 : i32
        %dma_start3A_27 = arith.constant 0 : i32
        %dma_start3A_28 = tpu.memref_slice %arg11[%dma_start3A_26, %dma_start3A_27] : memref<10240x16xf32, #tpu.memory_space<vmem_shared>> -> memref<10240x16xf32, #tpu.memory_space<vmem_shared>>
        tpu.enqueue_indirect_dma source(%arg10 : memref<128x16xf32, #tpu.memory_space<vmem>>) target(%dma_start3A_28 : memref<10240x16xf32, #tpu.memory_space<vmem_shared>>) offsets(%dma_start3A_25 : memref<128xi32, #tpu.memory_space<vmem>>) semaphore(%run_scoped3A : memref<!tpu.dma_semaphore, #tpu.memory_space<semaphore_mem>>) {add = true}
        %dma_wait3A = arith.constant 0 : i32
        %dma_wait3A_29 = tpu.memref_slice %arg8[%scan3A_23, %dma_wait3A] : memref<80x128xi32, #tpu.memory_space<vmem>> -> memref<1x128xi32, #tpu.memory_space<vmem>>
        %dma_wait3A_30 = tpu.memref_squeeze %dma_wait3A_29 : memref<1x128xi32, #tpu.memory_space<vmem>> -> memref<128xi32, #tpu.memory_space<vmem>>
        %dma_wait3A_31 = arith.constant 0 : i32
        %dma_wait3A_32 = arith.constant 0 : i32
        %dma_wait3A_33 = tpu.memref_slice %arg11[%dma_wait3A_31, %dma_wait3A_32] : memref<10240x16xf32, #tpu.memory_space<vmem_shared>> -> memref<10240x16xf32, #tpu.memory_space<vmem_shared>>
        tpu.wait_indirect_dma semaphore(%run_scoped3A : memref<!tpu.dma_semaphore, #tpu.memory_space<semaphore_mem>>) src(%arg10 : memref<128x16xf32, #tpu.memory_space<vmem>>) dst(%dma_wait3A_33 : memref<10240x16xf32, #tpu.memory_space<vmem_shared>>)
        tpu.yield
      }) : () -> ()
      "tpu.region"() ({
        %run_scoped3A = tpu.sem_alloc : memref<!tpu.dma_semaphore, #tpu.memory_space<semaphore_mem>>
        %dma_start3A = arith.constant 0 : i32
        %dma_start3A_24 = tpu.memref_slice %arg9[%scan3A_23, %dma_start3A] : memref<80x128xi32, #tpu.memory_space<vmem>> -> memref<1x128xi32, #tpu.memory_space<vmem>>
        %dma_start3A_25 = tpu.memref_squeeze %dma_start3A_24 : memref<1x128xi32, #tpu.memory_space<vmem>> -> memref<128xi32, #tpu.memory_space<vmem>>
        %dma_start3A_26 = arith.constant 0 : i32
        %dma_start3A_27 = arith.constant 0 : i32
        %dma_start3A_28 = tpu.memref_slice %arg12[%dma_start3A_26, %dma_start3A_27] : memref<10240x16xf32, #tpu.memory_space<vmem_shared>> -> memref<10240x16xf32, #tpu.memory_space<vmem_shared>>
        tpu.enqueue_indirect_dma source(%arg10 : memref<128x16xf32, #tpu.memory_space<vmem>>) target(%dma_start3A_28 : memref<10240x16xf32, #tpu.memory_space<vmem_shared>>) offsets(%dma_start3A_25 : memref<128xi32, #tpu.memory_space<vmem>>) semaphore(%run_scoped3A : memref<!tpu.dma_semaphore, #tpu.memory_space<semaphore_mem>>) {add = true}
        %dma_wait3A = arith.constant 0 : i32
        %dma_wait3A_29 = tpu.memref_slice %arg9[%scan3A_23, %dma_wait3A] : memref<80x128xi32, #tpu.memory_space<vmem>> -> memref<1x128xi32, #tpu.memory_space<vmem>>
        %dma_wait3A_30 = tpu.memref_squeeze %dma_wait3A_29 : memref<1x128xi32, #tpu.memory_space<vmem>> -> memref<128xi32, #tpu.memory_space<vmem>>
        %dma_wait3A_31 = arith.constant 0 : i32
        %dma_wait3A_32 = arith.constant 0 : i32
        %dma_wait3A_33 = tpu.memref_slice %arg12[%dma_wait3A_31, %dma_wait3A_32] : memref<10240x16xf32, #tpu.memory_space<vmem_shared>> -> memref<10240x16xf32, #tpu.memory_space<vmem_shared>>
        tpu.wait_indirect_dma semaphore(%run_scoped3A : memref<!tpu.dma_semaphore, #tpu.memory_space<semaphore_mem>>) src(%arg10 : memref<128x16xf32, #tpu.memory_space<vmem>>) dst(%dma_wait3A_33 : memref<10240x16xf32, #tpu.memory_space<vmem_shared>>)
        tpu.yield
      }) : () -> ()
    }
    %scan3A_13 = arith.constant 80 : i32
    %barrier3A_14 = arith.constant 0 : index
    tpu.barrier barrier_id(%barrier3A_14)
    %mul3A_15 = arith.constant 640 : i32
    %mul3A_16 = arith.muli %arg1, %mul3A_15 : i32
    %mul3A_17 = arith.constant 640 : i32
    %mul3A_18 = arith.muli %arg1, %mul3A_17 : i32
    "tpu.region"() ({
      %run_scoped3A = tpu.sem_alloc : memref<!tpu.dma_semaphore, #tpu.memory_space<semaphore_mem>>
      %dma_start3A = arith.constant 0 : i32
      %dma_start3A_23 = tpu.memref_slice %arg6[%arg0, %mul3A_18, %dma_start3A] : memref<2x10240x16xf32, #tpu.memory_space<hbm>> -> memref<1x640x16xf32, #tpu.memory_space<hbm>>
      %dma_start3A_24 = tpu.memref_squeeze %dma_start3A_23 : memref<1x640x16xf32, #tpu.memory_space<hbm>> -> memref<640x16xf32, #tpu.memory_space<hbm>>
      %dma_start3A_25 = arith.constant 0 : i32
      %dma_start3A_26 = tpu.memref_slice %arg11[%mul3A_16, %dma_start3A_25] : memref<10240x16xf32, #tpu.memory_space<vmem_shared>> -> memref<640x16xf32, #tpu.memory_space<vmem_shared>>
      tpu.enqueue_dma source(%dma_start3A_26 : memref<640x16xf32, #tpu.memory_space<vmem_shared>>) target(%dma_start3A_24 : memref<640x16xf32, #tpu.memory_space<hbm>>) target_semaphore(%run_scoped3A : memref<!tpu.dma_semaphore, #tpu.memory_space<semaphore_mem>>)
      %dma_wait3A = arith.constant 0 : i32
      %dma_wait3A_27 = tpu.memref_slice %arg6[%arg0, %mul3A_18, %dma_wait3A] : memref<2x10240x16xf32, #tpu.memory_space<hbm>> -> memref<1x640x16xf32, #tpu.memory_space<hbm>>
      %dma_wait3A_28 = tpu.memref_squeeze %dma_wait3A_27 : memref<1x640x16xf32, #tpu.memory_space<hbm>> -> memref<640x16xf32, #tpu.memory_space<hbm>>
      %dma_wait3A_29 = arith.constant 0 : i32
      %dma_wait3A_30 = tpu.memref_slice %arg11[%mul3A_16, %dma_wait3A_29] : memref<10240x16xf32, #tpu.memory_space<vmem_shared>> -> memref<640x16xf32, #tpu.memory_space<vmem_shared>>
      tpu.wait_dma2 semaphore(%run_scoped3A : memref<!tpu.dma_semaphore, #tpu.memory_space<semaphore_mem>>) src(%dma_wait3A_30 : memref<640x16xf32, #tpu.memory_space<vmem_shared>>) dst(%dma_wait3A_28 : memref<640x16xf32, #tpu.memory_space<hbm>>)
      tpu.yield
    }) : () -> ()
    %mul3A_19 = arith.constant 640 : i32
    %mul3A_20 = arith.muli %arg1, %mul3A_19 : i32
    %mul3A_21 = arith.constant 640 : i32
    %mul3A_22 = arith.muli %arg1, %mul3A_21 : i32
    "tpu.region"() ({
      %run_scoped3A = tpu.sem_alloc : memref<!tpu.dma_semaphore, #tpu.memory_space<semaphore_mem>>
      %dma_start3A = arith.constant 0 : i32
      %dma_start3A_23 = tpu.memref_slice %arg7[%arg0, %mul3A_22, %dma_start3A] : memref<2x10240x16xf32, #tpu.memory_space<hbm>> -> memref<1x640x16xf32, #tpu.memory_space<hbm>>
      %dma_start3A_24 = tpu.memref_squeeze %dma_start3A_23 : memref<1x640x16xf32, #tpu.memory_space<hbm>> -> memref<640x16xf32, #tpu.memory_space<hbm>>
      %dma_start3A_25 = arith.constant 0 : i32
      %dma_start3A_26 = tpu.memref_slice %arg12[%mul3A_20, %dma_start3A_25] : memref<10240x16xf32, #tpu.memory_space<vmem_shared>> -> memref<640x16xf32, #tpu.memory_space<vmem_shared>>
      tpu.enqueue_dma source(%dma_start3A_26 : memref<640x16xf32, #tpu.memory_space<vmem_shared>>) target(%dma_start3A_24 : memref<640x16xf32, #tpu.memory_space<hbm>>) target_semaphore(%run_scoped3A : memref<!tpu.dma_semaphore, #tpu.memory_space<semaphore_mem>>)
      %dma_wait3A = arith.constant 0 : i32
      %dma_wait3A_27 = tpu.memref_slice %arg7[%arg0, %mul3A_22, %dma_wait3A] : memref<2x10240x16xf32, #tpu.memory_space<hbm>> -> memref<1x640x16xf32, #tpu.memory_space<hbm>>
      %dma_wait3A_28 = tpu.memref_squeeze %dma_wait3A_27 : memref<1x640x16xf32, #tpu.memory_space<hbm>> -> memref<640x16xf32, #tpu.memory_space<hbm>>
      %dma_wait3A_29 = arith.constant 0 : i32
      %dma_wait3A_30 = tpu.memref_slice %arg12[%mul3A_20, %dma_wait3A_29] : memref<10240x16xf32, #tpu.memory_space<vmem_shared>> -> memref<640x16xf32, #tpu.memory_space<vmem_shared>>
      tpu.wait_dma2 semaphore(%run_scoped3A : memref<!tpu.dma_semaphore, #tpu.memory_space<semaphore_mem>>) src(%dma_wait3A_30 : memref<640x16xf32, #tpu.memory_space<vmem_shared>>) dst(%dma_wait3A_28 : memref<640x16xf32, #tpu.memory_space<hbm>>)
      tpu.yield
    }) : () -> ()
    return
  }
}

#map = affine_map<(d0, d1) -> (0, 0)>
#map1 = affine_map<(d0, d1) -> (0, 0, 0)>
module attributes {stable_mosaic.version = 14 : i64} {
  func.func @_spmm(%arg0: i32, %arg1: i32, %arg2: memref<10000x128xf32, #tpu.memory_space<hbm>>, %arg3: memref<2680x128xi32, #tpu.memory_space<hbm>>, %arg4: memref<2680x128xi32, #tpu.memory_space<hbm>>, %arg5: memref<640x128xf32, #tpu.memory_space<hbm>>, %arg6: memref<2x10240x128xf32, #tpu.memory_space<hbm>>, %arg7: memref<120x128xi32, #tpu.memory_space<vmem>>, %arg8: memref<120x128xi32, #tpu.memory_space<vmem>>, %arg9: memref<128x128xf32, #tpu.memory_space<vmem>>, %arg10: memref<10240x128xf32, #tpu.memory_space<vmem_shared>>, %arg11: memref<!tpu.dma_semaphore, #tpu.memory_space<semaphore_mem>>) attributes {dimension_semantics = [#tpu.dimension_semantics<core_parallel>, #tpu.dimension_semantics<subcore_parallel>], iteration_bounds = array<i64: 2, 16>, scalar_prefetch = 0 : i64, scratch_operands = 5 : i64, tpu.core_type = #tpu.core_type<sc_vector_subcore>, window_params = [{transform_indices = #map}, {transform_indices = #map}, {transform_indices = #map}, {transform_indices = #map}, {transform_indices = #map1}]} {
    %eq3A = arith.constant 0 : i32
    %eq3A_0 = arith.cmpi eq, %arg0, %eq3A : i32
    %select_n3A = arith.constant 40 : i32
    %select_n3A_1 = arith.constant 120 : i32
    %select_n3A_2 = arith.select %eq3A_0, %select_n3A_1, %select_n3A : i32
    %mul3A = arith.constant 16 : i32
    %mul3A_3 = arith.muli %arg0, %mul3A : i32
    %mul3A_4 = arith.constant 120 : i32
    %mul3A_5 = arith.muli %mul3A_3, %mul3A_4 : i32
    %mul3A_6 = arith.muli %arg1, %select_n3A_2 : i32
    %add3A = arith.addi %mul3A_5, %mul3A_6 : i32
    "tpu.region"() ({
      %run_scoped3A = tpu.sem_alloc : memref<!tpu.dma_semaphore, #tpu.memory_space<semaphore_mem>>
      %dma_start3A = arith.constant 0 : i32
      %dma_start3A_23 = tpu.memref_slice %arg3[%add3A, %dma_start3A] : memref<2680x128xi32, #tpu.memory_space<hbm>> -> memref<120x128xi32, #tpu.memory_space<hbm>>
      %dma_start3A_24 = arith.constant 0 : i32
      %dma_start3A_25 = tpu.memref_slice %arg3[%add3A, %dma_start3A_24] : memref<2680x128xi32, #tpu.memory_space<hbm>> -> memref<120x128xi32, #tpu.memory_space<hbm>>
      tpu.enqueue_dma source(%dma_start3A_25 : memref<120x128xi32, #tpu.memory_space<hbm>>) target(%arg7 : memref<120x128xi32, #tpu.memory_space<vmem>>) target_semaphore(%run_scoped3A : memref<!tpu.dma_semaphore, #tpu.memory_space<semaphore_mem>>)
      %dma_wait3A = arith.constant 0 : i32
      %dma_wait3A_26 = tpu.memref_slice %arg3[%add3A, %dma_wait3A] : memref<2680x128xi32, #tpu.memory_space<hbm>> -> memref<120x128xi32, #tpu.memory_space<hbm>>
      %dma_wait3A_27 = arith.constant 0 : i32
      %dma_wait3A_28 = tpu.memref_slice %arg3[%add3A, %dma_wait3A_27] : memref<2680x128xi32, #tpu.memory_space<hbm>> -> memref<120x128xi32, #tpu.memory_space<hbm>>
      tpu.wait_dma2 semaphore(%run_scoped3A : memref<!tpu.dma_semaphore, #tpu.memory_space<semaphore_mem>>) src(%dma_wait3A_28 : memref<120x128xi32, #tpu.memory_space<hbm>>) dst(%arg7 : memref<120x128xi32, #tpu.memory_space<vmem>>)
      tpu.yield
    }) : () -> ()
    "tpu.region"() ({
      %run_scoped3A = tpu.sem_alloc : memref<!tpu.dma_semaphore, #tpu.memory_space<semaphore_mem>>
      %dma_start3A = arith.constant 0 : i32
      %dma_start3A_23 = tpu.memref_slice %arg4[%add3A, %dma_start3A] : memref<2680x128xi32, #tpu.memory_space<hbm>> -> memref<120x128xi32, #tpu.memory_space<hbm>>
      %dma_start3A_24 = arith.constant 0 : i32
      %dma_start3A_25 = tpu.memref_slice %arg4[%add3A, %dma_start3A_24] : memref<2680x128xi32, #tpu.memory_space<hbm>> -> memref<120x128xi32, #tpu.memory_space<hbm>>
      tpu.enqueue_dma source(%dma_start3A_25 : memref<120x128xi32, #tpu.memory_space<hbm>>) target(%arg8 : memref<120x128xi32, #tpu.memory_space<vmem>>) target_semaphore(%run_scoped3A : memref<!tpu.dma_semaphore, #tpu.memory_space<semaphore_mem>>)
      %dma_wait3A = arith.constant 0 : i32
      %dma_wait3A_26 = tpu.memref_slice %arg4[%add3A, %dma_wait3A] : memref<2680x128xi32, #tpu.memory_space<hbm>> -> memref<120x128xi32, #tpu.memory_space<hbm>>
      %dma_wait3A_27 = arith.constant 0 : i32
      %dma_wait3A_28 = tpu.memref_slice %arg4[%add3A, %dma_wait3A_27] : memref<2680x128xi32, #tpu.memory_space<hbm>> -> memref<120x128xi32, #tpu.memory_space<hbm>>
      tpu.wait_dma2 semaphore(%run_scoped3A : memref<!tpu.dma_semaphore, #tpu.memory_space<semaphore_mem>>) src(%dma_wait3A_28 : memref<120x128xi32, #tpu.memory_space<hbm>>) dst(%arg8 : memref<120x128xi32, #tpu.memory_space<vmem>>)
      tpu.yield
    }) : () -> ()
    %mul3A_7 = arith.constant 640 : i32
    %mul3A_8 = arith.muli %arg1, %mul3A_7 : i32
    "tpu.region"() ({
      %run_scoped3A = tpu.sem_alloc : memref<!tpu.dma_semaphore, #tpu.memory_space<semaphore_mem>>
      %dma_start3A = arith.constant 0 : i32
      %dma_start3A_23 = tpu.memref_slice %arg10[%mul3A_8, %dma_start3A] : memref<10240x128xf32, #tpu.memory_space<vmem_shared>> -> memref<640x128xf32, #tpu.memory_space<vmem_shared>>
      tpu.enqueue_dma source(%arg5 : memref<640x128xf32, #tpu.memory_space<hbm>>) target(%dma_start3A_23 : memref<640x128xf32, #tpu.memory_space<vmem_shared>>) target_semaphore(%run_scoped3A : memref<!tpu.dma_semaphore, #tpu.memory_space<semaphore_mem>>)
      %dma_wait3A = arith.constant 0 : i32
      %dma_wait3A_24 = tpu.memref_slice %arg10[%mul3A_8, %dma_wait3A] : memref<10240x128xf32, #tpu.memory_space<vmem_shared>> -> memref<640x128xf32, #tpu.memory_space<vmem_shared>>
      tpu.wait_dma2 semaphore(%run_scoped3A : memref<!tpu.dma_semaphore, #tpu.memory_space<semaphore_mem>>) src(%arg5 : memref<640x128xf32, #tpu.memory_space<hbm>>) dst(%dma_wait3A_24 : memref<640x128xf32, #tpu.memory_space<vmem_shared>>)
      tpu.yield
    }) : () -> ()
    %barrier3A = arith.constant 0 : index
    tpu.barrier barrier_id(%barrier3A)
    %while3A = arith.constant 0 : i32
    %while3A_9 = arith.constant 0 : i32
    %while3A_10 = arith.subi %select_n3A_2, %while3A_9 : i32
    %while3A_11 = arith.addi %while3A_9, %while3A_10 : i32
    %while3A_12 = arith.constant 1 : i32
    %while3A_13 = arith.divsi %while3A_10, %while3A_12 : i32
    %while3A_14 = arith.muli %while3A_13, %while3A_12 : i32
    %while3A_15 = arith.addi %while3A_9, %while3A_14 : i32
    %while3A_16 = arith.constant 1 : i32
    scf.for %while3A_23 = %while3A_9 to %while3A_15 step %while3A_16  : i32 {
      %dma_start3A = arith.constant 0 : i32
      %dma_start3A_24 = tpu.memref_slice %arg7[%while3A_23, %dma_start3A] : memref<120x128xi32, #tpu.memory_space<vmem>> -> memref<1x128xi32, #tpu.memory_space<vmem>>
      %dma_start3A_25 = tpu.memref_squeeze %dma_start3A_24 : memref<1x128xi32, #tpu.memory_space<vmem>> -> memref<128xi32, #tpu.memory_space<vmem>>
      %dma_start3A_26 = arith.constant 0 : i32
      %dma_start3A_27 = arith.constant 0 : i32
      %dma_start3A_28 = tpu.memref_slice %arg2[%dma_start3A_26, %dma_start3A_27] : memref<10000x128xf32, #tpu.memory_space<hbm>> -> memref<10000x128xf32, #tpu.memory_space<hbm>>
      tpu.enqueue_indirect_dma source(%dma_start3A_28 : memref<10000x128xf32, #tpu.memory_space<hbm>>) target(%arg9 : memref<128x128xf32, #tpu.memory_space<vmem>>) offsets(%dma_start3A_25 : memref<128xi32, #tpu.memory_space<vmem>>) semaphore(%arg11 : memref<!tpu.dma_semaphore, #tpu.memory_space<semaphore_mem>>)
      %dma_wait3A = arith.constant 0 : i32
      %dma_wait3A_29 = tpu.memref_slice %arg7[%while3A_23, %dma_wait3A] : memref<120x128xi32, #tpu.memory_space<vmem>> -> memref<1x128xi32, #tpu.memory_space<vmem>>
      %dma_wait3A_30 = tpu.memref_squeeze %dma_wait3A_29 : memref<1x128xi32, #tpu.memory_space<vmem>> -> memref<128xi32, #tpu.memory_space<vmem>>
      %dma_wait3A_31 = arith.constant 0 : i32
      %dma_wait3A_32 = arith.constant 0 : i32
      %dma_wait3A_33 = tpu.memref_slice %arg2[%dma_wait3A_31, %dma_wait3A_32] : memref<10000x128xf32, #tpu.memory_space<hbm>> -> memref<10000x128xf32, #tpu.memory_space<hbm>>
      tpu.wait_indirect_dma semaphore(%arg11 : memref<!tpu.dma_semaphore, #tpu.memory_space<semaphore_mem>>) src(%dma_wait3A_33 : memref<10000x128xf32, #tpu.memory_space<hbm>>) dst(%arg9 : memref<128x128xf32, #tpu.memory_space<vmem>>)
      "tpu.region"() ({
        %run_scoped3A = tpu.sem_alloc : memref<!tpu.dma_semaphore, #tpu.memory_space<semaphore_mem>>
        %dma_start3A_34 = arith.constant 0 : i32
        %dma_start3A_35 = tpu.memref_slice %arg8[%while3A_23, %dma_start3A_34] : memref<120x128xi32, #tpu.memory_space<vmem>> -> memref<1x128xi32, #tpu.memory_space<vmem>>
        %dma_start3A_36 = tpu.memref_squeeze %dma_start3A_35 : memref<1x128xi32, #tpu.memory_space<vmem>> -> memref<128xi32, #tpu.memory_space<vmem>>
        %dma_start3A_37 = arith.constant 0 : i32
        %dma_start3A_38 = arith.constant 0 : i32
        %dma_start3A_39 = tpu.memref_slice %arg10[%dma_start3A_37, %dma_start3A_38] : memref<10240x128xf32, #tpu.memory_space<vmem_shared>> -> memref<10240x128xf32, #tpu.memory_space<vmem_shared>>
        tpu.enqueue_indirect_dma source(%arg9 : memref<128x128xf32, #tpu.memory_space<vmem>>) target(%dma_start3A_39 : memref<10240x128xf32, #tpu.memory_space<vmem_shared>>) offsets(%dma_start3A_36 : memref<128xi32, #tpu.memory_space<vmem>>) semaphore(%run_scoped3A : memref<!tpu.dma_semaphore, #tpu.memory_space<semaphore_mem>>) {add = true}
        %dma_wait3A_40 = arith.constant 0 : i32
        %dma_wait3A_41 = tpu.memref_slice %arg8[%while3A_23, %dma_wait3A_40] : memref<120x128xi32, #tpu.memory_space<vmem>> -> memref<1x128xi32, #tpu.memory_space<vmem>>
        %dma_wait3A_42 = tpu.memref_squeeze %dma_wait3A_41 : memref<1x128xi32, #tpu.memory_space<vmem>> -> memref<128xi32, #tpu.memory_space<vmem>>
        %dma_wait3A_43 = arith.constant 0 : i32
        %dma_wait3A_44 = arith.constant 0 : i32
        %dma_wait3A_45 = tpu.memref_slice %arg10[%dma_wait3A_43, %dma_wait3A_44] : memref<10240x128xf32, #tpu.memory_space<vmem_shared>> -> memref<10240x128xf32, #tpu.memory_space<vmem_shared>>
        tpu.wait_indirect_dma semaphore(%run_scoped3A : memref<!tpu.dma_semaphore, #tpu.memory_space<semaphore_mem>>) src(%arg9 : memref<128x128xf32, #tpu.memory_space<vmem>>) dst(%dma_wait3A_45 : memref<10240x128xf32, #tpu.memory_space<vmem_shared>>)
        tpu.yield
      }) : () -> ()
    }
    %while3A_17 = arith.constant 1 : i32
    scf.for %while3A_23 = %while3A_15 to %while3A_11 step %while3A_17  : i32 {
      %dma_start3A = arith.constant 0 : i32
      %dma_start3A_24 = tpu.memref_slice %arg7[%while3A_23, %dma_start3A] : memref<120x128xi32, #tpu.memory_space<vmem>> -> memref<1x128xi32, #tpu.memory_space<vmem>>
      %dma_start3A_25 = tpu.memref_squeeze %dma_start3A_24 : memref<1x128xi32, #tpu.memory_space<vmem>> -> memref<128xi32, #tpu.memory_space<vmem>>
      %dma_start3A_26 = arith.constant 0 : i32
      %dma_start3A_27 = arith.constant 0 : i32
      %dma_start3A_28 = tpu.memref_slice %arg2[%dma_start3A_26, %dma_start3A_27] : memref<10000x128xf32, #tpu.memory_space<hbm>> -> memref<10000x128xf32, #tpu.memory_space<hbm>>
      tpu.enqueue_indirect_dma source(%dma_start3A_28 : memref<10000x128xf32, #tpu.memory_space<hbm>>) target(%arg9 : memref<128x128xf32, #tpu.memory_space<vmem>>) offsets(%dma_start3A_25 : memref<128xi32, #tpu.memory_space<vmem>>) semaphore(%arg11 : memref<!tpu.dma_semaphore, #tpu.memory_space<semaphore_mem>>)
      %dma_wait3A = arith.constant 0 : i32
      %dma_wait3A_29 = tpu.memref_slice %arg7[%while3A_23, %dma_wait3A] : memref<120x128xi32, #tpu.memory_space<vmem>> -> memref<1x128xi32, #tpu.memory_space<vmem>>
      %dma_wait3A_30 = tpu.memref_squeeze %dma_wait3A_29 : memref<1x128xi32, #tpu.memory_space<vmem>> -> memref<128xi32, #tpu.memory_space<vmem>>
      %dma_wait3A_31 = arith.constant 0 : i32
      %dma_wait3A_32 = arith.constant 0 : i32
      %dma_wait3A_33 = tpu.memref_slice %arg2[%dma_wait3A_31, %dma_wait3A_32] : memref<10000x128xf32, #tpu.memory_space<hbm>> -> memref<10000x128xf32, #tpu.memory_space<hbm>>
      tpu.wait_indirect_dma semaphore(%arg11 : memref<!tpu.dma_semaphore, #tpu.memory_space<semaphore_mem>>) src(%dma_wait3A_33 : memref<10000x128xf32, #tpu.memory_space<hbm>>) dst(%arg9 : memref<128x128xf32, #tpu.memory_space<vmem>>)
      "tpu.region"() ({
        %run_scoped3A = tpu.sem_alloc : memref<!tpu.dma_semaphore, #tpu.memory_space<semaphore_mem>>
        %dma_start3A_34 = arith.constant 0 : i32
        %dma_start3A_35 = tpu.memref_slice %arg8[%while3A_23, %dma_start3A_34] : memref<120x128xi32, #tpu.memory_space<vmem>> -> memref<1x128xi32, #tpu.memory_space<vmem>>
        %dma_start3A_36 = tpu.memref_squeeze %dma_start3A_35 : memref<1x128xi32, #tpu.memory_space<vmem>> -> memref<128xi32, #tpu.memory_space<vmem>>
        %dma_start3A_37 = arith.constant 0 : i32
        %dma_start3A_38 = arith.constant 0 : i32
        %dma_start3A_39 = tpu.memref_slice %arg10[%dma_start3A_37, %dma_start3A_38] : memref<10240x128xf32, #tpu.memory_space<vmem_shared>> -> memref<10240x128xf32, #tpu.memory_space<vmem_shared>>
        tpu.enqueue_indirect_dma source(%arg9 : memref<128x128xf32, #tpu.memory_space<vmem>>) target(%dma_start3A_39 : memref<10240x128xf32, #tpu.memory_space<vmem_shared>>) offsets(%dma_start3A_36 : memref<128xi32, #tpu.memory_space<vmem>>) semaphore(%run_scoped3A : memref<!tpu.dma_semaphore, #tpu.memory_space<semaphore_mem>>) {add = true}
        %dma_wait3A_40 = arith.constant 0 : i32
        %dma_wait3A_41 = tpu.memref_slice %arg8[%while3A_23, %dma_wait3A_40] : memref<120x128xi32, #tpu.memory_space<vmem>> -> memref<1x128xi32, #tpu.memory_space<vmem>>
        %dma_wait3A_42 = tpu.memref_squeeze %dma_wait3A_41 : memref<1x128xi32, #tpu.memory_space<vmem>> -> memref<128xi32, #tpu.memory_space<vmem>>
        %dma_wait3A_43 = arith.constant 0 : i32
        %dma_wait3A_44 = arith.constant 0 : i32
        %dma_wait3A_45 = tpu.memref_slice %arg10[%dma_wait3A_43, %dma_wait3A_44] : memref<10240x128xf32, #tpu.memory_space<vmem_shared>> -> memref<10240x128xf32, #tpu.memory_space<vmem_shared>>
        tpu.wait_indirect_dma semaphore(%run_scoped3A : memref<!tpu.dma_semaphore, #tpu.memory_space<semaphore_mem>>) src(%arg9 : memref<128x128xf32, #tpu.memory_space<vmem>>) dst(%dma_wait3A_45 : memref<10240x128xf32, #tpu.memory_space<vmem_shared>>)
        tpu.yield
      }) : () -> ()
    }
    %barrier3A_18 = arith.constant 0 : index
    tpu.barrier barrier_id(%barrier3A_18)
    %mul3A_19 = arith.constant 640 : i32
    %mul3A_20 = arith.muli %arg1, %mul3A_19 : i32
    %mul3A_21 = arith.constant 640 : i32
    %mul3A_22 = arith.muli %arg1, %mul3A_21 : i32
    "tpu.region"() ({
      %run_scoped3A = tpu.sem_alloc : memref<!tpu.dma_semaphore, #tpu.memory_space<semaphore_mem>>
      %dma_start3A = arith.constant 0 : i32
      %dma_start3A_23 = tpu.memref_slice %arg6[%arg0, %mul3A_22, %dma_start3A] : memref<2x10240x128xf32, #tpu.memory_space<hbm>> -> memref<1x640x128xf32, #tpu.memory_space<hbm>>
      %dma_start3A_24 = tpu.memref_squeeze %dma_start3A_23 : memref<1x640x128xf32, #tpu.memory_space<hbm>> -> memref<640x128xf32, #tpu.memory_space<hbm>>
      %dma_start3A_25 = arith.constant 0 : i32
      %dma_start3A_26 = tpu.memref_slice %arg10[%mul3A_20, %dma_start3A_25] : memref<10240x128xf32, #tpu.memory_space<vmem_shared>> -> memref<640x128xf32, #tpu.memory_space<vmem_shared>>
      tpu.enqueue_dma source(%dma_start3A_26 : memref<640x128xf32, #tpu.memory_space<vmem_shared>>) target(%dma_start3A_24 : memref<640x128xf32, #tpu.memory_space<hbm>>) target_semaphore(%run_scoped3A : memref<!tpu.dma_semaphore, #tpu.memory_space<semaphore_mem>>)
      %dma_wait3A = arith.constant 0 : i32
      %dma_wait3A_27 = tpu.memref_slice %arg6[%arg0, %mul3A_22, %dma_wait3A] : memref<2x10240x128xf32, #tpu.memory_space<hbm>> -> memref<1x640x128xf32, #tpu.memory_space<hbm>>
      %dma_wait3A_28 = tpu.memref_squeeze %dma_wait3A_27 : memref<1x640x128xf32, #tpu.memory_space<hbm>> -> memref<640x128xf32, #tpu.memory_space<hbm>>
      %dma_wait3A_29 = arith.constant 0 : i32
      %dma_wait3A_30 = tpu.memref_slice %arg10[%mul3A_20, %dma_wait3A_29] : memref<10240x128xf32, #tpu.memory_space<vmem_shared>> -> memref<640x128xf32, #tpu.memory_space<vmem_shared>>
      tpu.wait_dma2 semaphore(%run_scoped3A : memref<!tpu.dma_semaphore, #tpu.memory_space<semaphore_mem>>) src(%dma_wait3A_30 : memref<640x128xf32, #tpu.memory_space<vmem_shared>>) dst(%dma_wait3A_28 : memref<640x128xf32, #tpu.memory_space<hbm>>)
      tpu.yield
    }) : () -> ()
    return
  }
}

#map = affine_map<(d0, d1) -> (0, 0)>
#map1 = affine_map<(d0, d1) -> (0, 0, 0)>
module attributes {stable_mosaic.version = 14 : i64} {
  func.func @_spmm(%arg0: i32, %arg1: i32, %arg2: memref<10000x128xf32, #tpu.memory_space<hbm>>, %arg3: memref<2680x128xi32, #tpu.memory_space<hbm>>, %arg4: memref<2680x128xi32, #tpu.memory_space<hbm>>, %arg5: memref<640x128xf32, #tpu.memory_space<hbm>>, %arg6: memref<2x10240x128xf32, #tpu.memory_space<hbm>>, %arg7: memref<120x128xi32, #tpu.memory_space<vmem>>, %arg8: memref<120x128xi32, #tpu.memory_space<vmem>>, %arg9: memref<128x128xf32, #tpu.memory_space<vmem>>, %arg10: memref<10240x128xf32, #tpu.memory_space<vmem_shared>>, %arg11: memref<!tpu.dma_semaphore, #tpu.memory_space<semaphore_mem>>) attributes {dimension_semantics = [#tpu.dimension_semantics<core_parallel>, #tpu.dimension_semantics<subcore_parallel>], iteration_bounds = array<i64: 2, 16>, scalar_prefetch = 0 : i64, scratch_operands = 5 : i64, tpu.core_type = #tpu.core_type<sc_vector_subcore>, window_params = [{transform_indices = #map}, {transform_indices = #map}, {transform_indices = #map}, {transform_indices = #map}, {transform_indices = #map1}]} {
    %eq3A = arith.constant 0 : i32
    %eq3A_0 = arith.cmpi eq, %arg0, %eq3A : i32
    %select_n3A = arith.constant 40 : i32
    %select_n3A_1 = arith.constant 120 : i32
    %select_n3A_2 = arith.select %eq3A_0, %select_n3A_1, %select_n3A : i32
    %mul3A = arith.constant 16 : i32
    %mul3A_3 = arith.muli %arg0, %mul3A : i32
    %mul3A_4 = arith.constant 120 : i32
    %mul3A_5 = arith.muli %mul3A_3, %mul3A_4 : i32
    %mul3A_6 = arith.muli %arg1, %select_n3A_2 : i32
    %add3A = arith.addi %mul3A_5, %mul3A_6 : i32
    "tpu.region"() ({
      %run_scoped3A = tpu.sem_alloc : memref<!tpu.dma_semaphore, #tpu.memory_space<semaphore_mem>>
      %dma_start3A = arith.constant 0 : i32
      %dma_start3A_23 = tpu.memref_slice %arg3[%add3A, %dma_start3A] : memref<2680x128xi32, #tpu.memory_space<hbm>> -> memref<120x128xi32, #tpu.memory_space<hbm>>
      %dma_start3A_24 = arith.constant 0 : i32
      %dma_start3A_25 = tpu.memref_slice %arg3[%add3A, %dma_start3A_24] : memref<2680x128xi32, #tpu.memory_space<hbm>> -> memref<120x128xi32, #tpu.memory_space<hbm>>
      tpu.enqueue_dma source(%dma_start3A_25 : memref<120x128xi32, #tpu.memory_space<hbm>>) target(%arg7 : memref<120x128xi32, #tpu.memory_space<vmem>>) target_semaphore(%run_scoped3A : memref<!tpu.dma_semaphore, #tpu.memory_space<semaphore_mem>>)
      %dma_wait3A = arith.constant 0 : i32
      %dma_wait3A_26 = tpu.memref_slice %arg3[%add3A, %dma_wait3A] : memref<2680x128xi32, #tpu.memory_space<hbm>> -> memref<120x128xi32, #tpu.memory_space<hbm>>
      %dma_wait3A_27 = arith.constant 0 : i32
      %dma_wait3A_28 = tpu.memref_slice %arg3[%add3A, %dma_wait3A_27] : memref<2680x128xi32, #tpu.memory_space<hbm>> -> memref<120x128xi32, #tpu.memory_space<hbm>>
      tpu.wait_dma2 semaphore(%run_scoped3A : memref<!tpu.dma_semaphore, #tpu.memory_space<semaphore_mem>>) src(%dma_wait3A_28 : memref<120x128xi32, #tpu.memory_space<hbm>>) dst(%arg7 : memref<120x128xi32, #tpu.memory_space<vmem>>)
      tpu.yield
    }) : () -> ()
    "tpu.region"() ({
      %run_scoped3A = tpu.sem_alloc : memref<!tpu.dma_semaphore, #tpu.memory_space<semaphore_mem>>
      %dma_start3A = arith.constant 0 : i32
      %dma_start3A_23 = tpu.memref_slice %arg4[%add3A, %dma_start3A] : memref<2680x128xi32, #tpu.memory_space<hbm>> -> memref<120x128xi32, #tpu.memory_space<hbm>>
      %dma_start3A_24 = arith.constant 0 : i32
      %dma_start3A_25 = tpu.memref_slice %arg4[%add3A, %dma_start3A_24] : memref<2680x128xi32, #tpu.memory_space<hbm>> -> memref<120x128xi32, #tpu.memory_space<hbm>>
      tpu.enqueue_dma source(%dma_start3A_25 : memref<120x128xi32, #tpu.memory_space<hbm>>) target(%arg8 : memref<120x128xi32, #tpu.memory_space<vmem>>) target_semaphore(%run_scoped3A : memref<!tpu.dma_semaphore, #tpu.memory_space<semaphore_mem>>)
      %dma_wait3A = arith.constant 0 : i32
      %dma_wait3A_26 = tpu.memref_slice %arg4[%add3A, %dma_wait3A] : memref<2680x128xi32, #tpu.memory_space<hbm>> -> memref<120x128xi32, #tpu.memory_space<hbm>>
      %dma_wait3A_27 = arith.constant 0 : i32
      %dma_wait3A_28 = tpu.memref_slice %arg4[%add3A, %dma_wait3A_27] : memref<2680x128xi32, #tpu.memory_space<hbm>> -> memref<120x128xi32, #tpu.memory_space<hbm>>
      tpu.wait_dma2 semaphore(%run_scoped3A : memref<!tpu.dma_semaphore, #tpu.memory_space<semaphore_mem>>) src(%dma_wait3A_28 : memref<120x128xi32, #tpu.memory_space<hbm>>) dst(%arg8 : memref<120x128xi32, #tpu.memory_space<vmem>>)
      tpu.yield
    }) : () -> ()
    %mul3A_7 = arith.constant 640 : i32
    %mul3A_8 = arith.muli %arg1, %mul3A_7 : i32
    "tpu.region"() ({
      %run_scoped3A = tpu.sem_alloc : memref<!tpu.dma_semaphore, #tpu.memory_space<semaphore_mem>>
      %dma_start3A = arith.constant 0 : i32
      %dma_start3A_23 = tpu.memref_slice %arg10[%mul3A_8, %dma_start3A] : memref<10240x128xf32, #tpu.memory_space<vmem_shared>> -> memref<640x128xf32, #tpu.memory_space<vmem_shared>>
      tpu.enqueue_dma source(%arg5 : memref<640x128xf32, #tpu.memory_space<hbm>>) target(%dma_start3A_23 : memref<640x128xf32, #tpu.memory_space<vmem_shared>>) target_semaphore(%run_scoped3A : memref<!tpu.dma_semaphore, #tpu.memory_space<semaphore_mem>>)
      %dma_wait3A = arith.constant 0 : i32
      %dma_wait3A_24 = tpu.memref_slice %arg10[%mul3A_8, %dma_wait3A] : memref<10240x128xf32, #tpu.memory_space<vmem_shared>> -> memref<640x128xf32, #tpu.memory_space<vmem_shared>>
      tpu.wait_dma2 semaphore(%run_scoped3A : memref<!tpu.dma_semaphore, #tpu.memory_space<semaphore_mem>>) src(%arg5 : memref<640x128xf32, #tpu.memory_space<hbm>>) dst(%dma_wait3A_24 : memref<640x128xf32, #tpu.memory_space<vmem_shared>>)
      tpu.yield
    }) : () -> ()
    %barrier3A = arith.constant 0 : index
    tpu.barrier barrier_id(%barrier3A)
    %while3A = arith.constant 0 : i32
    %while3A_9 = arith.constant 0 : i32
    %while3A_10 = arith.subi %select_n3A_2, %while3A_9 : i32
    %while3A_11 = arith.addi %while3A_9, %while3A_10 : i32
    %while3A_12 = arith.constant 1 : i32
    %while3A_13 = arith.divsi %while3A_10, %while3A_12 : i32
    %while3A_14 = arith.muli %while3A_13, %while3A_12 : i32
    %while3A_15 = arith.addi %while3A_9, %while3A_14 : i32
    %while3A_16 = arith.constant 1 : i32
    scf.for %while3A_23 = %while3A_9 to %while3A_15 step %while3A_16  : i32 {
      %dma_start3A = arith.constant 0 : i32
      %dma_start3A_24 = tpu.memref_slice %arg7[%while3A_23, %dma_start3A] : memref<120x128xi32, #tpu.memory_space<vmem>> -> memref<1x128xi32, #tpu.memory_space<vmem>>
      %dma_start3A_25 = tpu.memref_squeeze %dma_start3A_24 : memref<1x128xi32, #tpu.memory_space<vmem>> -> memref<128xi32, #tpu.memory_space<vmem>>
      %dma_start3A_26 = arith.constant 0 : i32
      %dma_start3A_27 = arith.constant 0 : i32
      %dma_start3A_28 = tpu.memref_slice %arg2[%dma_start3A_26, %dma_start3A_27] : memref<10000x128xf32, #tpu.memory_space<hbm>> -> memref<10000x128xf32, #tpu.memory_space<hbm>>
      tpu.enqueue_indirect_dma source(%dma_start3A_28 : memref<10000x128xf32, #tpu.memory_space<hbm>>) target(%arg9 : memref<128x128xf32, #tpu.memory_space<vmem>>) offsets(%dma_start3A_25 : memref<128xi32, #tpu.memory_space<vmem>>) semaphore(%arg11 : memref<!tpu.dma_semaphore, #tpu.memory_space<semaphore_mem>>)
      %dma_wait3A = arith.constant 0 : i32
      %dma_wait3A_29 = tpu.memref_slice %arg7[%while3A_23, %dma_wait3A] : memref<120x128xi32, #tpu.memory_space<vmem>> -> memref<1x128xi32, #tpu.memory_space<vmem>>
      %dma_wait3A_30 = tpu.memref_squeeze %dma_wait3A_29 : memref<1x128xi32, #tpu.memory_space<vmem>> -> memref<128xi32, #tpu.memory_space<vmem>>
      %dma_wait3A_31 = arith.constant 0 : i32
      %dma_wait3A_32 = arith.constant 0 : i32
      %dma_wait3A_33 = tpu.memref_slice %arg2[%dma_wait3A_31, %dma_wait3A_32] : memref<10000x128xf32, #tpu.memory_space<hbm>> -> memref<10000x128xf32, #tpu.memory_space<hbm>>
      tpu.wait_indirect_dma semaphore(%arg11 : memref<!tpu.dma_semaphore, #tpu.memory_space<semaphore_mem>>) src(%dma_wait3A_33 : memref<10000x128xf32, #tpu.memory_space<hbm>>) dst(%arg9 : memref<128x128xf32, #tpu.memory_space<vmem>>)
      "tpu.region"() ({
        %run_scoped3A = tpu.sem_alloc : memref<!tpu.dma_semaphore, #tpu.memory_space<semaphore_mem>>
        %dma_start3A_34 = arith.constant 0 : i32
        %dma_start3A_35 = tpu.memref_slice %arg8[%while3A_23, %dma_start3A_34] : memref<120x128xi32, #tpu.memory_space<vmem>> -> memref<1x128xi32, #tpu.memory_space<vmem>>
        %dma_start3A_36 = tpu.memref_squeeze %dma_start3A_35 : memref<1x128xi32, #tpu.memory_space<vmem>> -> memref<128xi32, #tpu.memory_space<vmem>>
        %dma_start3A_37 = arith.constant 0 : i32
        %dma_start3A_38 = arith.constant 0 : i32
        %dma_start3A_39 = tpu.memref_slice %arg10[%dma_start3A_37, %dma_start3A_38] : memref<10240x128xf32, #tpu.memory_space<vmem_shared>> -> memref<10240x128xf32, #tpu.memory_space<vmem_shared>>
        tpu.enqueue_indirect_dma source(%arg9 : memref<128x128xf32, #tpu.memory_space<vmem>>) target(%dma_start3A_39 : memref<10240x128xf32, #tpu.memory_space<vmem_shared>>) offsets(%dma_start3A_36 : memref<128xi32, #tpu.memory_space<vmem>>) semaphore(%run_scoped3A : memref<!tpu.dma_semaphore, #tpu.memory_space<semaphore_mem>>) {add = true}
        %dma_wait3A_40 = arith.constant 0 : i32
        %dma_wait3A_41 = tpu.memref_slice %arg8[%while3A_23, %dma_wait3A_40] : memref<120x128xi32, #tpu.memory_space<vmem>> -> memref<1x128xi32, #tpu.memory_space<vmem>>
        %dma_wait3A_42 = tpu.memref_squeeze %dma_wait3A_41 : memref<1x128xi32, #tpu.memory_space<vmem>> -> memref<128xi32, #tpu.memory_space<vmem>>
        %dma_wait3A_43 = arith.constant 0 : i32
        %dma_wait3A_44 = arith.constant 0 : i32
        %dma_wait3A_45 = tpu.memref_slice %arg10[%dma_wait3A_43, %dma_wait3A_44] : memref<10240x128xf32, #tpu.memory_space<vmem_shared>> -> memref<10240x128xf32, #tpu.memory_space<vmem_shared>>
        tpu.wait_indirect_dma semaphore(%run_scoped3A : memref<!tpu.dma_semaphore, #tpu.memory_space<semaphore_mem>>) src(%arg9 : memref<128x128xf32, #tpu.memory_space<vmem>>) dst(%dma_wait3A_45 : memref<10240x128xf32, #tpu.memory_space<vmem_shared>>)
        tpu.yield
      }) : () -> ()
    }
    %while3A_17 = arith.constant 1 : i32
    scf.for %while3A_23 = %while3A_15 to %while3A_11 step %while3A_17  : i32 {
      %dma_start3A = arith.constant 0 : i32
      %dma_start3A_24 = tpu.memref_slice %arg7[%while3A_23, %dma_start3A] : memref<120x128xi32, #tpu.memory_space<vmem>> -> memref<1x128xi32, #tpu.memory_space<vmem>>
      %dma_start3A_25 = tpu.memref_squeeze %dma_start3A_24 : memref<1x128xi32, #tpu.memory_space<vmem>> -> memref<128xi32, #tpu.memory_space<vmem>>
      %dma_start3A_26 = arith.constant 0 : i32
      %dma_start3A_27 = arith.constant 0 : i32
      %dma_start3A_28 = tpu.memref_slice %arg2[%dma_start3A_26, %dma_start3A_27] : memref<10000x128xf32, #tpu.memory_space<hbm>> -> memref<10000x128xf32, #tpu.memory_space<hbm>>
      tpu.enqueue_indirect_dma source(%dma_start3A_28 : memref<10000x128xf32, #tpu.memory_space<hbm>>) target(%arg9 : memref<128x128xf32, #tpu.memory_space<vmem>>) offsets(%dma_start3A_25 : memref<128xi32, #tpu.memory_space<vmem>>) semaphore(%arg11 : memref<!tpu.dma_semaphore, #tpu.memory_space<semaphore_mem>>)
      %dma_wait3A = arith.constant 0 : i32
      %dma_wait3A_29 = tpu.memref_slice %arg7[%while3A_23, %dma_wait3A] : memref<120x128xi32, #tpu.memory_space<vmem>> -> memref<1x128xi32, #tpu.memory_space<vmem>>
      %dma_wait3A_30 = tpu.memref_squeeze %dma_wait3A_29 : memref<1x128xi32, #tpu.memory_space<vmem>> -> memref<128xi32, #tpu.memory_space<vmem>>
      %dma_wait3A_31 = arith.constant 0 : i32
      %dma_wait3A_32 = arith.constant 0 : i32
      %dma_wait3A_33 = tpu.memref_slice %arg2[%dma_wait3A_31, %dma_wait3A_32] : memref<10000x128xf32, #tpu.memory_space<hbm>> -> memref<10000x128xf32, #tpu.memory_space<hbm>>
      tpu.wait_indirect_dma semaphore(%arg11 : memref<!tpu.dma_semaphore, #tpu.memory_space<semaphore_mem>>) src(%dma_wait3A_33 : memref<10000x128xf32, #tpu.memory_space<hbm>>) dst(%arg9 : memref<128x128xf32, #tpu.memory_space<vmem>>)
      "tpu.region"() ({
        %run_scoped3A = tpu.sem_alloc : memref<!tpu.dma_semaphore, #tpu.memory_space<semaphore_mem>>
        %dma_start3A_34 = arith.constant 0 : i32
        %dma_start3A_35 = tpu.memref_slice %arg8[%while3A_23, %dma_start3A_34] : memref<120x128xi32, #tpu.memory_space<vmem>> -> memref<1x128xi32, #tpu.memory_space<vmem>>
        %dma_start3A_36 = tpu.memref_squeeze %dma_start3A_35 : memref<1x128xi32, #tpu.memory_space<vmem>> -> memref<128xi32, #tpu.memory_space<vmem>>
        %dma_start3A_37 = arith.constant 0 : i32
        %dma_start3A_38 = arith.constant 0 : i32
        %dma_start3A_39 = tpu.memref_slice %arg10[%dma_start3A_37, %dma_start3A_38] : memref<10240x128xf32, #tpu.memory_space<vmem_shared>> -> memref<10240x128xf32, #tpu.memory_space<vmem_shared>>
        tpu.enqueue_indirect_dma source(%arg9 : memref<128x128xf32, #tpu.memory_space<vmem>>) target(%dma_start3A_39 : memref<10240x128xf32, #tpu.memory_space<vmem_shared>>) offsets(%dma_start3A_36 : memref<128xi32, #tpu.memory_space<vmem>>) semaphore(%run_scoped3A : memref<!tpu.dma_semaphore, #tpu.memory_space<semaphore_mem>>) {add = true}
        %dma_wait3A_40 = arith.constant 0 : i32
        %dma_wait3A_41 = tpu.memref_slice %arg8[%while3A_23, %dma_wait3A_40] : memref<120x128xi32, #tpu.memory_space<vmem>> -> memref<1x128xi32, #tpu.memory_space<vmem>>
        %dma_wait3A_42 = tpu.memref_squeeze %dma_wait3A_41 : memref<1x128xi32, #tpu.memory_space<vmem>> -> memref<128xi32, #tpu.memory_space<vmem>>
        %dma_wait3A_43 = arith.constant 0 : i32
        %dma_wait3A_44 = arith.constant 0 : i32
        %dma_wait3A_45 = tpu.memref_slice %arg10[%dma_wait3A_43, %dma_wait3A_44] : memref<10240x128xf32, #tpu.memory_space<vmem_shared>> -> memref<10240x128xf32, #tpu.memory_space<vmem_shared>>
        tpu.wait_indirect_dma semaphore(%run_scoped3A : memref<!tpu.dma_semaphore, #tpu.memory_space<semaphore_mem>>) src(%arg9 : memref<128x128xf32, #tpu.memory_space<vmem>>) dst(%dma_wait3A_45 : memref<10240x128xf32, #tpu.memory_space<vmem_shared>>)
        tpu.yield
      }) : () -> ()
    }
    %barrier3A_18 = arith.constant 0 : index
    tpu.barrier barrier_id(%barrier3A_18)
    %mul3A_19 = arith.constant 640 : i32
    %mul3A_20 = arith.muli %arg1, %mul3A_19 : i32
    %mul3A_21 = arith.constant 640 : i32
    %mul3A_22 = arith.muli %arg1, %mul3A_21 : i32
    "tpu.region"() ({
      %run_scoped3A = tpu.sem_alloc : memref<!tpu.dma_semaphore, #tpu.memory_space<semaphore_mem>>
      %dma_start3A = arith.constant 0 : i32
      %dma_start3A_23 = tpu.memref_slice %arg6[%arg0, %mul3A_22, %dma_start3A] : memref<2x10240x128xf32, #tpu.memory_space<hbm>> -> memref<1x640x128xf32, #tpu.memory_space<hbm>>
      %dma_start3A_24 = tpu.memref_squeeze %dma_start3A_23 : memref<1x640x128xf32, #tpu.memory_space<hbm>> -> memref<640x128xf32, #tpu.memory_space<hbm>>
      %dma_start3A_25 = arith.constant 0 : i32
      %dma_start3A_26 = tpu.memref_slice %arg10[%mul3A_20, %dma_start3A_25] : memref<10240x128xf32, #tpu.memory_space<vmem_shared>> -> memref<640x128xf32, #tpu.memory_space<vmem_shared>>
      tpu.enqueue_dma source(%dma_start3A_26 : memref<640x128xf32, #tpu.memory_space<vmem_shared>>) target(%dma_start3A_24 : memref<640x128xf32, #tpu.memory_space<hbm>>) target_semaphore(%run_scoped3A : memref<!tpu.dma_semaphore, #tpu.memory_space<semaphore_mem>>)
      %dma_wait3A = arith.constant 0 : i32
      %dma_wait3A_27 = tpu.memref_slice %arg6[%arg0, %mul3A_22, %dma_wait3A] : memref<2x10240x128xf32, #tpu.memory_space<hbm>> -> memref<1x640x128xf32, #tpu.memory_space<hbm>>
      %dma_wait3A_28 = tpu.memref_squeeze %dma_wait3A_27 : memref<1x640x128xf32, #tpu.memory_space<hbm>> -> memref<640x128xf32, #tpu.memory_space<hbm>>
      %dma_wait3A_29 = arith.constant 0 : i32
      %dma_wait3A_30 = tpu.memref_slice %arg10[%mul3A_20, %dma_wait3A_29] : memref<10240x128xf32, #tpu.memory_space<vmem_shared>> -> memref<640x128xf32, #tpu.memory_space<vmem_shared>>
      tpu.wait_dma2 semaphore(%run_scoped3A : memref<!tpu.dma_semaphore, #tpu.memory_space<semaphore_mem>>) src(%dma_wait3A_30 : memref<640x128xf32, #tpu.memory_space<vmem_shared>>) dst(%dma_wait3A_28 : memref<640x128xf32, #tpu.memory_space<hbm>>)
      tpu.yield
    }) : () -> ()
    return
  }
}

#map = affine_map<(d0, d1) -> (0, 0)>
#map1 = affine_map<(d0, d1) -> (0, 0, 0)>
module attributes {stable_mosaic.version = 14 : i64} {
  func.func @_wsums(%arg0: i32, %arg1: i32, %arg2: memref<10240x16xf32, #tpu.memory_space<hbm>>, %arg3: memref<10240x16xf32, #tpu.memory_space<hbm>>, %arg4: memref<2680x128xi32, #tpu.memory_space<hbm>>, %arg5: memref<2680x128xi32, #tpu.memory_space<hbm>>, %arg6: memref<2680x128xi32, #tpu.memory_space<hbm>>, %arg7: memref<2680x128xi32, #tpu.memory_space<hbm>>, %arg8: memref<640x16xf32, #tpu.memory_space<hbm>>, %arg9: memref<2x10240x16xf32, #tpu.memory_space<hbm>>, %arg10: memref<2x10240x16xf32, #tpu.memory_space<hbm>>, %arg11: memref<80x128xi32, #tpu.memory_space<vmem>>, %arg12: memref<80x128xi32, #tpu.memory_space<vmem>>, %arg13: memref<80x128xi32, #tpu.memory_space<vmem>>, %arg14: memref<80x128xi32, #tpu.memory_space<vmem>>, %arg15: memref<128x16xf32, #tpu.memory_space<vmem>>, %arg16: memref<10240x16xf32, #tpu.memory_space<vmem_shared>>, %arg17: memref<10240x16xf32, #tpu.memory_space<vmem_shared>>, %arg18: memref<!tpu.dma_semaphore, #tpu.memory_space<semaphore_mem>>) attributes {dimension_semantics = [#tpu.dimension_semantics<core_parallel>, #tpu.dimension_semantics<subcore_parallel>], iteration_bounds = array<i64: 2, 16>, scalar_prefetch = 0 : i64, scratch_operands = 8 : i64, tpu.core_type = #tpu.core_type<sc_vector_subcore>, window_params = [{transform_indices = #map}, {transform_indices = #map}, {transform_indices = #map}, {transform_indices = #map}, {transform_indices = #map}, {transform_indices = #map}, {transform_indices = #map}, {transform_indices = #map1}, {transform_indices = #map1}]} {
    %mul3A = arith.constant 2 : i32
    %mul3A_0 = arith.muli %arg1, %mul3A : i32
    %add3A = arith.addi %mul3A_0, %arg0 : i32
    %mul3A_1 = arith.constant 80 : i32
    %mul3A_2 = arith.muli %add3A, %mul3A_1 : i32
    "tpu.region"() ({
      %run_scoped3A = tpu.sem_alloc : memref<!tpu.dma_semaphore, #tpu.memory_space<semaphore_mem>>
      %dma_start3A = arith.constant 0 : i32
      %dma_start3A_27 = tpu.memref_slice %arg4[%mul3A_2, %dma_start3A] : memref<2680x128xi32, #tpu.memory_space<hbm>> -> memref<80x128xi32, #tpu.memory_space<hbm>>
      %dma_start3A_28 = arith.constant 0 : i32
      %dma_start3A_29 = tpu.memref_slice %arg4[%mul3A_2, %dma_start3A_28] : memref<2680x128xi32, #tpu.memory_space<hbm>> -> memref<80x128xi32, #tpu.memory_space<hbm>>
      tpu.enqueue_dma source(%dma_start3A_29 : memref<80x128xi32, #tpu.memory_space<hbm>>) target(%arg11 : memref<80x128xi32, #tpu.memory_space<vmem>>) target_semaphore(%run_scoped3A : memref<!tpu.dma_semaphore, #tpu.memory_space<semaphore_mem>>)
      %dma_wait3A = arith.constant 0 : i32
      %dma_wait3A_30 = tpu.memref_slice %arg4[%mul3A_2, %dma_wait3A] : memref<2680x128xi32, #tpu.memory_space<hbm>> -> memref<80x128xi32, #tpu.memory_space<hbm>>
      %dma_wait3A_31 = arith.constant 0 : i32
      %dma_wait3A_32 = tpu.memref_slice %arg4[%mul3A_2, %dma_wait3A_31] : memref<2680x128xi32, #tpu.memory_space<hbm>> -> memref<80x128xi32, #tpu.memory_space<hbm>>
      tpu.wait_dma2 semaphore(%run_scoped3A : memref<!tpu.dma_semaphore, #tpu.memory_space<semaphore_mem>>) src(%dma_wait3A_32 : memref<80x128xi32, #tpu.memory_space<hbm>>) dst(%arg11 : memref<80x128xi32, #tpu.memory_space<vmem>>)
      tpu.yield
    }) : () -> ()
    %mul3A_3 = arith.constant 80 : i32
    %mul3A_4 = arith.muli %add3A, %mul3A_3 : i32
    "tpu.region"() ({
      %run_scoped3A = tpu.sem_alloc : memref<!tpu.dma_semaphore, #tpu.memory_space<semaphore_mem>>
      %dma_start3A = arith.constant 0 : i32
      %dma_start3A_27 = tpu.memref_slice %arg5[%mul3A_4, %dma_start3A] : memref<2680x128xi32, #tpu.memory_space<hbm>> -> memref<80x128xi32, #tpu.memory_space<hbm>>
      %dma_start3A_28 = arith.constant 0 : i32
      %dma_start3A_29 = tpu.memref_slice %arg5[%mul3A_4, %dma_start3A_28] : memref<2680x128xi32, #tpu.memory_space<hbm>> -> memref<80x128xi32, #tpu.memory_space<hbm>>
      tpu.enqueue_dma source(%dma_start3A_29 : memref<80x128xi32, #tpu.memory_space<hbm>>) target(%arg12 : memref<80x128xi32, #tpu.memory_space<vmem>>) target_semaphore(%run_scoped3A : memref<!tpu.dma_semaphore, #tpu.memory_space<semaphore_mem>>)
      %dma_wait3A = arith.constant 0 : i32
      %dma_wait3A_30 = tpu.memref_slice %arg5[%mul3A_4, %dma_wait3A] : memref<2680x128xi32, #tpu.memory_space<hbm>> -> memref<80x128xi32, #tpu.memory_space<hbm>>
      %dma_wait3A_31 = arith.constant 0 : i32
      %dma_wait3A_32 = tpu.memref_slice %arg5[%mul3A_4, %dma_wait3A_31] : memref<2680x128xi32, #tpu.memory_space<hbm>> -> memref<80x128xi32, #tpu.memory_space<hbm>>
      tpu.wait_dma2 semaphore(%run_scoped3A : memref<!tpu.dma_semaphore, #tpu.memory_space<semaphore_mem>>) src(%dma_wait3A_32 : memref<80x128xi32, #tpu.memory_space<hbm>>) dst(%arg12 : memref<80x128xi32, #tpu.memory_space<vmem>>)
      tpu.yield
    }) : () -> ()
    %mul3A_5 = arith.constant 80 : i32
    %mul3A_6 = arith.muli %add3A, %mul3A_5 : i32
    "tpu.region"() ({
      %run_scoped3A = tpu.sem_alloc : memref<!tpu.dma_semaphore, #tpu.memory_space<semaphore_mem>>
      %dma_start3A = arith.constant 0 : i32
      %dma_start3A_27 = tpu.memref_slice %arg6[%mul3A_6, %dma_start3A] : memref<2680x128xi32, #tpu.memory_space<hbm>> -> memref<80x128xi32, #tpu.memory_space<hbm>>
      %dma_start3A_28 = arith.constant 0 : i32
      %dma_start3A_29 = tpu.memref_slice %arg6[%mul3A_6, %dma_start3A_28] : memref<2680x128xi32, #tpu.memory_space<hbm>> -> memref<80x128xi32, #tpu.memory_space<hbm>>
      tpu.enqueue_dma source(%dma_start3A_29 : memref<80x128xi32, #tpu.memory_space<hbm>>) target(%arg13 : memref<80x128xi32, #tpu.memory_space<vmem>>) target_semaphore(%run_scoped3A : memref<!tpu.dma_semaphore, #tpu.memory_space<semaphore_mem>>)
      %dma_wait3A = arith.constant 0 : i32
      %dma_wait3A_30 = tpu.memref_slice %arg6[%mul3A_6, %dma_wait3A] : memref<2680x128xi32, #tpu.memory_space<hbm>> -> memref<80x128xi32, #tpu.memory_space<hbm>>
      %dma_wait3A_31 = arith.constant 0 : i32
      %dma_wait3A_32 = tpu.memref_slice %arg6[%mul3A_6, %dma_wait3A_31] : memref<2680x128xi32, #tpu.memory_space<hbm>> -> memref<80x128xi32, #tpu.memory_space<hbm>>
      tpu.wait_dma2 semaphore(%run_scoped3A : memref<!tpu.dma_semaphore, #tpu.memory_space<semaphore_mem>>) src(%dma_wait3A_32 : memref<80x128xi32, #tpu.memory_space<hbm>>) dst(%arg13 : memref<80x128xi32, #tpu.memory_space<vmem>>)
      tpu.yield
    }) : () -> ()
    %mul3A_7 = arith.constant 80 : i32
    %mul3A_8 = arith.muli %add3A, %mul3A_7 : i32
    "tpu.region"() ({
      %run_scoped3A = tpu.sem_alloc : memref<!tpu.dma_semaphore, #tpu.memory_space<semaphore_mem>>
      %dma_start3A = arith.constant 0 : i32
      %dma_start3A_27 = tpu.memref_slice %arg7[%mul3A_8, %dma_start3A] : memref<2680x128xi32, #tpu.memory_space<hbm>> -> memref<80x128xi32, #tpu.memory_space<hbm>>
      %dma_start3A_28 = arith.constant 0 : i32
      %dma_start3A_29 = tpu.memref_slice %arg7[%mul3A_8, %dma_start3A_28] : memref<2680x128xi32, #tpu.memory_space<hbm>> -> memref<80x128xi32, #tpu.memory_space<hbm>>
      tpu.enqueue_dma source(%dma_start3A_29 : memref<80x128xi32, #tpu.memory_space<hbm>>) target(%arg14 : memref<80x128xi32, #tpu.memory_space<vmem>>) target_semaphore(%run_scoped3A : memref<!tpu.dma_semaphore, #tpu.memory_space<semaphore_mem>>)
      %dma_wait3A = arith.constant 0 : i32
      %dma_wait3A_30 = tpu.memref_slice %arg7[%mul3A_8, %dma_wait3A] : memref<2680x128xi32, #tpu.memory_space<hbm>> -> memref<80x128xi32, #tpu.memory_space<hbm>>
      %dma_wait3A_31 = arith.constant 0 : i32
      %dma_wait3A_32 = tpu.memref_slice %arg7[%mul3A_8, %dma_wait3A_31] : memref<2680x128xi32, #tpu.memory_space<hbm>> -> memref<80x128xi32, #tpu.memory_space<hbm>>
      tpu.wait_dma2 semaphore(%run_scoped3A : memref<!tpu.dma_semaphore, #tpu.memory_space<semaphore_mem>>) src(%dma_wait3A_32 : memref<80x128xi32, #tpu.memory_space<hbm>>) dst(%arg14 : memref<80x128xi32, #tpu.memory_space<vmem>>)
      tpu.yield
    }) : () -> ()
    %mul3A_9 = arith.constant 640 : i32
    %mul3A_10 = arith.muli %arg1, %mul3A_9 : i32
    "tpu.region"() ({
      %run_scoped3A = tpu.sem_alloc : memref<!tpu.dma_semaphore, #tpu.memory_space<semaphore_mem>>
      %dma_start3A = arith.constant 0 : i32
      %dma_start3A_27 = tpu.memref_slice %arg16[%mul3A_10, %dma_start3A] : memref<10240x16xf32, #tpu.memory_space<vmem_shared>> -> memref<640x16xf32, #tpu.memory_space<vmem_shared>>
      tpu.enqueue_dma source(%arg8 : memref<640x16xf32, #tpu.memory_space<hbm>>) target(%dma_start3A_27 : memref<640x16xf32, #tpu.memory_space<vmem_shared>>) target_semaphore(%run_scoped3A : memref<!tpu.dma_semaphore, #tpu.memory_space<semaphore_mem>>)
      %dma_wait3A = arith.constant 0 : i32
      %dma_wait3A_28 = tpu.memref_slice %arg16[%mul3A_10, %dma_wait3A] : memref<10240x16xf32, #tpu.memory_space<vmem_shared>> -> memref<640x16xf32, #tpu.memory_space<vmem_shared>>
      tpu.wait_dma2 semaphore(%run_scoped3A : memref<!tpu.dma_semaphore, #tpu.memory_space<semaphore_mem>>) src(%arg8 : memref<640x16xf32, #tpu.memory_space<hbm>>) dst(%dma_wait3A_28 : memref<640x16xf32, #tpu.memory_space<vmem_shared>>)
      tpu.yield
    }) : () -> ()
    %mul3A_11 = arith.constant 640 : i32
    %mul3A_12 = arith.muli %arg1, %mul3A_11 : i32
    "tpu.region"() ({
      %run_scoped3A = tpu.sem_alloc : memref<!tpu.dma_semaphore, #tpu.memory_space<semaphore_mem>>
      %dma_start3A = arith.constant 0 : i32
      %dma_start3A_27 = tpu.memref_slice %arg17[%mul3A_12, %dma_start3A] : memref<10240x16xf32, #tpu.memory_space<vmem_shared>> -> memref<640x16xf32, #tpu.memory_space<vmem_shared>>
      tpu.enqueue_dma source(%arg8 : memref<640x16xf32, #tpu.memory_space<hbm>>) target(%dma_start3A_27 : memref<640x16xf32, #tpu.memory_space<vmem_shared>>) target_semaphore(%run_scoped3A : memref<!tpu.dma_semaphore, #tpu.memory_space<semaphore_mem>>)
      %dma_wait3A = arith.constant 0 : i32
      %dma_wait3A_28 = tpu.memref_slice %arg17[%mul3A_12, %dma_wait3A] : memref<10240x16xf32, #tpu.memory_space<vmem_shared>> -> memref<640x16xf32, #tpu.memory_space<vmem_shared>>
      tpu.wait_dma2 semaphore(%run_scoped3A : memref<!tpu.dma_semaphore, #tpu.memory_space<semaphore_mem>>) src(%arg8 : memref<640x16xf32, #tpu.memory_space<hbm>>) dst(%dma_wait3A_28 : memref<640x16xf32, #tpu.memory_space<vmem_shared>>)
      tpu.yield
    }) : () -> ()
    %barrier3A = arith.constant 0 : index
    tpu.barrier barrier_id(%barrier3A)
    %scan3A = arith.constant 0 : i32
    %scan3A_13 = arith.constant 0 : i32
    %scan3A_14 = arith.constant 80 : i32
    %scan3A_15 = arith.addi %scan3A_13, %scan3A_14 : i32
    %scan3A_16 = arith.constant 1 : i32
    scf.for %scan3A_27 = %scan3A_13 to %scan3A_15 step %scan3A_16  : i32 {
      %dma_start3A = arith.constant 0 : i32
      %dma_start3A_28 = tpu.memref_slice %arg11[%scan3A_27, %dma_start3A] : memref<80x128xi32, #tpu.memory_space<vmem>> -> memref<1x128xi32, #tpu.memory_space<vmem>>
      %dma_start3A_29 = tpu.memref_squeeze %dma_start3A_28 : memref<1x128xi32, #tpu.memory_space<vmem>> -> memref<128xi32, #tpu.memory_space<vmem>>
      %dma_start3A_30 = arith.constant 0 : i32
      %dma_start3A_31 = arith.constant 0 : i32
      %dma_start3A_32 = tpu.memref_slice %arg2[%dma_start3A_30, %dma_start3A_31] : memref<10240x16xf32, #tpu.memory_space<hbm>> -> memref<10240x16xf32, #tpu.memory_space<hbm>>
      tpu.enqueue_indirect_dma source(%dma_start3A_32 : memref<10240x16xf32, #tpu.memory_space<hbm>>) target(%arg15 : memref<128x16xf32, #tpu.memory_space<vmem>>) offsets(%dma_start3A_29 : memref<128xi32, #tpu.memory_space<vmem>>) semaphore(%arg18 : memref<!tpu.dma_semaphore, #tpu.memory_space<semaphore_mem>>)
      %dma_wait3A = arith.constant 0 : i32
      %dma_wait3A_33 = tpu.memref_slice %arg11[%scan3A_27, %dma_wait3A] : memref<80x128xi32, #tpu.memory_space<vmem>> -> memref<1x128xi32, #tpu.memory_space<vmem>>
      %dma_wait3A_34 = tpu.memref_squeeze %dma_wait3A_33 : memref<1x128xi32, #tpu.memory_space<vmem>> -> memref<128xi32, #tpu.memory_space<vmem>>
      %dma_wait3A_35 = arith.constant 0 : i32
      %dma_wait3A_36 = arith.constant 0 : i32
      %dma_wait3A_37 = tpu.memref_slice %arg2[%dma_wait3A_35, %dma_wait3A_36] : memref<10240x16xf32, #tpu.memory_space<hbm>> -> memref<10240x16xf32, #tpu.memory_space<hbm>>
      tpu.wait_indirect_dma semaphore(%arg18 : memref<!tpu.dma_semaphore, #tpu.memory_space<semaphore_mem>>) src(%dma_wait3A_37 : memref<10240x16xf32, #tpu.memory_space<hbm>>) dst(%arg15 : memref<128x16xf32, #tpu.memory_space<vmem>>)
      "tpu.region"() ({
        %run_scoped3A = tpu.sem_alloc : memref<!tpu.dma_semaphore, #tpu.memory_space<semaphore_mem>>
        %dma_start3A_50 = arith.constant 0 : i32
        %dma_start3A_51 = tpu.memref_slice %arg14[%scan3A_27, %dma_start3A_50] : memref<80x128xi32, #tpu.memory_space<vmem>> -> memref<1x128xi32, #tpu.memory_space<vmem>>
        %dma_start3A_52 = tpu.memref_squeeze %dma_start3A_51 : memref<1x128xi32, #tpu.memory_space<vmem>> -> memref<128xi32, #tpu.memory_space<vmem>>
        %dma_start3A_53 = arith.constant 0 : i32
        %dma_start3A_54 = arith.constant 0 : i32
        %dma_start3A_55 = tpu.memref_slice %arg17[%dma_start3A_53, %dma_start3A_54] : memref<10240x16xf32, #tpu.memory_space<vmem_shared>> -> memref<10240x16xf32, #tpu.memory_space<vmem_shared>>
        tpu.enqueue_indirect_dma source(%arg15 : memref<128x16xf32, #tpu.memory_space<vmem>>) target(%dma_start3A_55 : memref<10240x16xf32, #tpu.memory_space<vmem_shared>>) offsets(%dma_start3A_52 : memref<128xi32, #tpu.memory_space<vmem>>) semaphore(%run_scoped3A : memref<!tpu.dma_semaphore, #tpu.memory_space<semaphore_mem>>) {add = true}
        %dma_wait3A_56 = arith.constant 0 : i32
        %dma_wait3A_57 = tpu.memref_slice %arg14[%scan3A_27, %dma_wait3A_56] : memref<80x128xi32, #tpu.memory_space<vmem>> -> memref<1x128xi32, #tpu.memory_space<vmem>>
        %dma_wait3A_58 = tpu.memref_squeeze %dma_wait3A_57 : memref<1x128xi32, #tpu.memory_space<vmem>> -> memref<128xi32, #tpu.memory_space<vmem>>
        %dma_wait3A_59 = arith.constant 0 : i32
        %dma_wait3A_60 = arith.constant 0 : i32
        %dma_wait3A_61 = tpu.memref_slice %arg17[%dma_wait3A_59, %dma_wait3A_60] : memref<10240x16xf32, #tpu.memory_space<vmem_shared>> -> memref<10240x16xf32, #tpu.memory_space<vmem_shared>>
        tpu.wait_indirect_dma semaphore(%run_scoped3A : memref<!tpu.dma_semaphore, #tpu.memory_space<semaphore_mem>>) src(%arg15 : memref<128x16xf32, #tpu.memory_space<vmem>>) dst(%dma_wait3A_61 : memref<10240x16xf32, #tpu.memory_space<vmem_shared>>)
        tpu.yield
      }) : () -> ()
      %dma_start3A_38 = arith.constant 0 : i32
      %dma_start3A_39 = tpu.memref_slice %arg13[%scan3A_27, %dma_start3A_38] : memref<80x128xi32, #tpu.memory_space<vmem>> -> memref<1x128xi32, #tpu.memory_space<vmem>>
      %dma_start3A_40 = tpu.memref_squeeze %dma_start3A_39 : memref<1x128xi32, #tpu.memory_space<vmem>> -> memref<128xi32, #tpu.memory_space<vmem>>
      %dma_start3A_41 = arith.constant 0 : i32
      %dma_start3A_42 = arith.constant 0 : i32
      %dma_start3A_43 = tpu.memref_slice %arg3[%dma_start3A_41, %dma_start3A_42] : memref<10240x16xf32, #tpu.memory_space<hbm>> -> memref<10240x16xf32, #tpu.memory_space<hbm>>
      tpu.enqueue_indirect_dma source(%dma_start3A_43 : memref<10240x16xf32, #tpu.memory_space<hbm>>) target(%arg15 : memref<128x16xf32, #tpu.memory_space<vmem>>) offsets(%dma_start3A_40 : memref<128xi32, #tpu.memory_space<vmem>>) semaphore(%arg18 : memref<!tpu.dma_semaphore, #tpu.memory_space<semaphore_mem>>)
      %dma_wait3A_44 = arith.constant 0 : i32
      %dma_wait3A_45 = tpu.memref_slice %arg13[%scan3A_27, %dma_wait3A_44] : memref<80x128xi32, #tpu.memory_space<vmem>> -> memref<1x128xi32, #tpu.memory_space<vmem>>
      %dma_wait3A_46 = tpu.memref_squeeze %dma_wait3A_45 : memref<1x128xi32, #tpu.memory_space<vmem>> -> memref<128xi32, #tpu.memory_space<vmem>>
      %dma_wait3A_47 = arith.constant 0 : i32
      %dma_wait3A_48 = arith.constant 0 : i32
      %dma_wait3A_49 = tpu.memref_slice %arg3[%dma_wait3A_47, %dma_wait3A_48] : memref<10240x16xf32, #tpu.memory_space<hbm>> -> memref<10240x16xf32, #tpu.memory_space<hbm>>
      tpu.wait_indirect_dma semaphore(%arg18 : memref<!tpu.dma_semaphore, #tpu.memory_space<semaphore_mem>>) src(%dma_wait3A_49 : memref<10240x16xf32, #tpu.memory_space<hbm>>) dst(%arg15 : memref<128x16xf32, #tpu.memory_space<vmem>>)
      "tpu.region"() ({
        %run_scoped3A = tpu.sem_alloc : memref<!tpu.dma_semaphore, #tpu.memory_space<semaphore_mem>>
        %dma_start3A_50 = arith.constant 0 : i32
        %dma_start3A_51 = tpu.memref_slice %arg12[%scan3A_27, %dma_start3A_50] : memref<80x128xi32, #tpu.memory_space<vmem>> -> memref<1x128xi32, #tpu.memory_space<vmem>>
        %dma_start3A_52 = tpu.memref_squeeze %dma_start3A_51 : memref<1x128xi32, #tpu.memory_space<vmem>> -> memref<128xi32, #tpu.memory_space<vmem>>
        %dma_start3A_53 = arith.constant 0 : i32
        %dma_start3A_54 = arith.constant 0 : i32
        %dma_start3A_55 = tpu.memref_slice %arg16[%dma_start3A_53, %dma_start3A_54] : memref<10240x16xf32, #tpu.memory_space<vmem_shared>> -> memref<10240x16xf32, #tpu.memory_space<vmem_shared>>
        tpu.enqueue_indirect_dma source(%arg15 : memref<128x16xf32, #tpu.memory_space<vmem>>) target(%dma_start3A_55 : memref<10240x16xf32, #tpu.memory_space<vmem_shared>>) offsets(%dma_start3A_52 : memref<128xi32, #tpu.memory_space<vmem>>) semaphore(%run_scoped3A : memref<!tpu.dma_semaphore, #tpu.memory_space<semaphore_mem>>) {add = true}
        %dma_wait3A_56 = arith.constant 0 : i32
        %dma_wait3A_57 = tpu.memref_slice %arg12[%scan3A_27, %dma_wait3A_56] : memref<80x128xi32, #tpu.memory_space<vmem>> -> memref<1x128xi32, #tpu.memory_space<vmem>>
        %dma_wait3A_58 = tpu.memref_squeeze %dma_wait3A_57 : memref<1x128xi32, #tpu.memory_space<vmem>> -> memref<128xi32, #tpu.memory_space<vmem>>
        %dma_wait3A_59 = arith.constant 0 : i32
        %dma_wait3A_60 = arith.constant 0 : i32
        %dma_wait3A_61 = tpu.memref_slice %arg16[%dma_wait3A_59, %dma_wait3A_60] : memref<10240x16xf32, #tpu.memory_space<vmem_shared>> -> memref<10240x16xf32, #tpu.memory_space<vmem_shared>>
        tpu.wait_indirect_dma semaphore(%run_scoped3A : memref<!tpu.dma_semaphore, #tpu.memory_space<semaphore_mem>>) src(%arg15 : memref<128x16xf32, #tpu.memory_space<vmem>>) dst(%dma_wait3A_61 : memref<10240x16xf32, #tpu.memory_space<vmem_shared>>)
        tpu.yield
      }) : () -> ()
    }
    %scan3A_17 = arith.constant 80 : i32
    %barrier3A_18 = arith.constant 0 : index
    tpu.barrier barrier_id(%barrier3A_18)
    %mul3A_19 = arith.constant 640 : i32
    %mul3A_20 = arith.muli %arg1, %mul3A_19 : i32
    %mul3A_21 = arith.constant 640 : i32
    %mul3A_22 = arith.muli %arg1, %mul3A_21 : i32
    "tpu.region"() ({
      %run_scoped3A = tpu.sem_alloc : memref<!tpu.dma_semaphore, #tpu.memory_space<semaphore_mem>>
      %dma_start3A = arith.constant 0 : i32
      %dma_start3A_27 = tpu.memref_slice %arg9[%arg0, %mul3A_22, %dma_start3A] : memref<2x10240x16xf32, #tpu.memory_space<hbm>> -> memref<1x640x16xf32, #tpu.memory_space<hbm>>
      %dma_start3A_28 = tpu.memref_squeeze %dma_start3A_27 : memref<1x640x16xf32, #tpu.memory_space<hbm>> -> memref<640x16xf32, #tpu.memory_space<hbm>>
      %dma_start3A_29 = arith.constant 0 : i32
      %dma_start3A_30 = tpu.memref_slice %arg17[%mul3A_20, %dma_start3A_29] : memref<10240x16xf32, #tpu.memory_space<vmem_shared>> -> memref<640x16xf32, #tpu.memory_space<vmem_shared>>
      tpu.enqueue_dma source(%dma_start3A_30 : memref<640x16xf32, #tpu.memory_space<vmem_shared>>) target(%dma_start3A_28 : memref<640x16xf32, #tpu.memory_space<hbm>>) target_semaphore(%run_scoped3A : memref<!tpu.dma_semaphore, #tpu.memory_space<semaphore_mem>>)
      %dma_wait3A = arith.constant 0 : i32
      %dma_wait3A_31 = tpu.memref_slice %arg9[%arg0, %mul3A_22, %dma_wait3A] : memref<2x10240x16xf32, #tpu.memory_space<hbm>> -> memref<1x640x16xf32, #tpu.memory_space<hbm>>
      %dma_wait3A_32 = tpu.memref_squeeze %dma_wait3A_31 : memref<1x640x16xf32, #tpu.memory_space<hbm>> -> memref<640x16xf32, #tpu.memory_space<hbm>>
      %dma_wait3A_33 = arith.constant 0 : i32
      %dma_wait3A_34 = tpu.memref_slice %arg17[%mul3A_20, %dma_wait3A_33] : memref<10240x16xf32, #tpu.memory_space<vmem_shared>> -> memref<640x16xf32, #tpu.memory_space<vmem_shared>>
      tpu.wait_dma2 semaphore(%run_scoped3A : memref<!tpu.dma_semaphore, #tpu.memory_space<semaphore_mem>>) src(%dma_wait3A_34 : memref<640x16xf32, #tpu.memory_space<vmem_shared>>) dst(%dma_wait3A_32 : memref<640x16xf32, #tpu.memory_space<hbm>>)
      tpu.yield
    }) : () -> ()
    %mul3A_23 = arith.constant 640 : i32
    %mul3A_24 = arith.muli %arg1, %mul3A_23 : i32
    %mul3A_25 = arith.constant 640 : i32
    %mul3A_26 = arith.muli %arg1, %mul3A_25 : i32
    "tpu.region"() ({
      %run_scoped3A = tpu.sem_alloc : memref<!tpu.dma_semaphore, #tpu.memory_space<semaphore_mem>>
      %dma_start3A = arith.constant 0 : i32
      %dma_start3A_27 = tpu.memref_slice %arg10[%arg0, %mul3A_26, %dma_start3A] : memref<2x10240x16xf32, #tpu.memory_space<hbm>> -> memref<1x640x16xf32, #tpu.memory_space<hbm>>
      %dma_start3A_28 = tpu.memref_squeeze %dma_start3A_27 : memref<1x640x16xf32, #tpu.memory_space<hbm>> -> memref<640x16xf32, #tpu.memory_space<hbm>>
      %dma_start3A_29 = arith.constant 0 : i32
      %dma_start3A_30 = tpu.memref_slice %arg16[%mul3A_24, %dma_start3A_29] : memref<10240x16xf32, #tpu.memory_space<vmem_shared>> -> memref<640x16xf32, #tpu.memory_space<vmem_shared>>
      tpu.enqueue_dma source(%dma_start3A_30 : memref<640x16xf32, #tpu.memory_space<vmem_shared>>) target(%dma_start3A_28 : memref<640x16xf32, #tpu.memory_space<hbm>>) target_semaphore(%run_scoped3A : memref<!tpu.dma_semaphore, #tpu.memory_space<semaphore_mem>>)
      %dma_wait3A = arith.constant 0 : i32
      %dma_wait3A_31 = tpu.memref_slice %arg10[%arg0, %mul3A_26, %dma_wait3A] : memref<2x10240x16xf32, #tpu.memory_space<hbm>> -> memref<1x640x16xf32, #tpu.memory_space<hbm>>
      %dma_wait3A_32 = tpu.memref_squeeze %dma_wait3A_31 : memref<1x640x16xf32, #tpu.memory_space<hbm>> -> memref<640x16xf32, #tpu.memory_space<hbm>>
      %dma_wait3A_33 = arith.constant 0 : i32
      %dma_wait3A_34 = tpu.memref_slice %arg16[%mul3A_24, %dma_wait3A_33] : memref<10240x16xf32, #tpu.memory_space<vmem_shared>> -> memref<640x16xf32, #tpu.memory_space<vmem_shared>>
      tpu.wait_dma2 semaphore(%run_scoped3A : memref<!tpu.dma_semaphore, #tpu.memory_space<semaphore_mem>>) src(%dma_wait3A_34 : memref<640x16xf32, #tpu.memory_space<vmem_shared>>) dst(%dma_wait3A_32 : memref<640x16xf32, #tpu.memory_space<hbm>>)
      tpu.yield
    }) : () -> ()
    return
  }
}

#map = affine_map<(d0, d1) -> (0, 0)>
#map1 = affine_map<(d0, d1) -> (0, 0, 0)>
module attributes {stable_mosaic.version = 14 : i64} {
  func.func @_spmm(%arg0: i32, %arg1: i32, %arg2: memref<10000x128xf32, #tpu.memory_space<hbm>>, %arg3: memref<2680x128xi32, #tpu.memory_space<hbm>>, %arg4: memref<2680x128xi32, #tpu.memory_space<hbm>>, %arg5: memref<640x128xf32, #tpu.memory_space<hbm>>, %arg6: memref<2x10240x128xf32, #tpu.memory_space<hbm>>, %arg7: memref<120x128xi32, #tpu.memory_space<vmem>>, %arg8: memref<120x128xi32, #tpu.memory_space<vmem>>, %arg9: memref<128x128xf32, #tpu.memory_space<vmem>>, %arg10: memref<10240x128xf32, #tpu.memory_space<vmem_shared>>, %arg11: memref<!tpu.dma_semaphore, #tpu.memory_space<semaphore_mem>>) attributes {dimension_semantics = [#tpu.dimension_semantics<core_parallel>, #tpu.dimension_semantics<subcore_parallel>], iteration_bounds = array<i64: 2, 16>, scalar_prefetch = 0 : i64, scratch_operands = 5 : i64, tpu.core_type = #tpu.core_type<sc_vector_subcore>, window_params = [{transform_indices = #map}, {transform_indices = #map}, {transform_indices = #map}, {transform_indices = #map}, {transform_indices = #map1}]} {
    %eq3A = arith.constant 0 : i32
    %eq3A_0 = arith.cmpi eq, %arg0, %eq3A : i32
    %select_n3A = arith.constant 40 : i32
    %select_n3A_1 = arith.constant 120 : i32
    %select_n3A_2 = arith.select %eq3A_0, %select_n3A_1, %select_n3A : i32
    %mul3A = arith.constant 16 : i32
    %mul3A_3 = arith.muli %arg0, %mul3A : i32
    %mul3A_4 = arith.constant 120 : i32
    %mul3A_5 = arith.muli %mul3A_3, %mul3A_4 : i32
    %mul3A_6 = arith.muli %arg1, %select_n3A_2 : i32
    %add3A = arith.addi %mul3A_5, %mul3A_6 : i32
    "tpu.region"() ({
      %run_scoped3A = tpu.sem_alloc : memref<!tpu.dma_semaphore, #tpu.memory_space<semaphore_mem>>
      %dma_start3A = arith.constant 0 : i32
      %dma_start3A_23 = tpu.memref_slice %arg3[%add3A, %dma_start3A] : memref<2680x128xi32, #tpu.memory_space<hbm>> -> memref<120x128xi32, #tpu.memory_space<hbm>>
      %dma_start3A_24 = arith.constant 0 : i32
      %dma_start3A_25 = tpu.memref_slice %arg3[%add3A, %dma_start3A_24] : memref<2680x128xi32, #tpu.memory_space<hbm>> -> memref<120x128xi32, #tpu.memory_space<hbm>>
      tpu.enqueue_dma source(%dma_start3A_25 : memref<120x128xi32, #tpu.memory_space<hbm>>) target(%arg7 : memref<120x128xi32, #tpu.memory_space<vmem>>) target_semaphore(%run_scoped3A : memref<!tpu.dma_semaphore, #tpu.memory_space<semaphore_mem>>)
      %dma_wait3A = arith.constant 0 : i32
      %dma_wait3A_26 = tpu.memref_slice %arg3[%add3A, %dma_wait3A] : memref<2680x128xi32, #tpu.memory_space<hbm>> -> memref<120x128xi32, #tpu.memory_space<hbm>>
      %dma_wait3A_27 = arith.constant 0 : i32
      %dma_wait3A_28 = tpu.memref_slice %arg3[%add3A, %dma_wait3A_27] : memref<2680x128xi32, #tpu.memory_space<hbm>> -> memref<120x128xi32, #tpu.memory_space<hbm>>
      tpu.wait_dma2 semaphore(%run_scoped3A : memref<!tpu.dma_semaphore, #tpu.memory_space<semaphore_mem>>) src(%dma_wait3A_28 : memref<120x128xi32, #tpu.memory_space<hbm>>) dst(%arg7 : memref<120x128xi32, #tpu.memory_space<vmem>>)
      tpu.yield
    }) : () -> ()
    "tpu.region"() ({
      %run_scoped3A = tpu.sem_alloc : memref<!tpu.dma_semaphore, #tpu.memory_space<semaphore_mem>>
      %dma_start3A = arith.constant 0 : i32
      %dma_start3A_23 = tpu.memref_slice %arg4[%add3A, %dma_start3A] : memref<2680x128xi32, #tpu.memory_space<hbm>> -> memref<120x128xi32, #tpu.memory_space<hbm>>
      %dma_start3A_24 = arith.constant 0 : i32
      %dma_start3A_25 = tpu.memref_slice %arg4[%add3A, %dma_start3A_24] : memref<2680x128xi32, #tpu.memory_space<hbm>> -> memref<120x128xi32, #tpu.memory_space<hbm>>
      tpu.enqueue_dma source(%dma_start3A_25 : memref<120x128xi32, #tpu.memory_space<hbm>>) target(%arg8 : memref<120x128xi32, #tpu.memory_space<vmem>>) target_semaphore(%run_scoped3A : memref<!tpu.dma_semaphore, #tpu.memory_space<semaphore_mem>>)
      %dma_wait3A = arith.constant 0 : i32
      %dma_wait3A_26 = tpu.memref_slice %arg4[%add3A, %dma_wait3A] : memref<2680x128xi32, #tpu.memory_space<hbm>> -> memref<120x128xi32, #tpu.memory_space<hbm>>
      %dma_wait3A_27 = arith.constant 0 : i32
      %dma_wait3A_28 = tpu.memref_slice %arg4[%add3A, %dma_wait3A_27] : memref<2680x128xi32, #tpu.memory_space<hbm>> -> memref<120x128xi32, #tpu.memory_space<hbm>>
      tpu.wait_dma2 semaphore(%run_scoped3A : memref<!tpu.dma_semaphore, #tpu.memory_space<semaphore_mem>>) src(%dma_wait3A_28 : memref<120x128xi32, #tpu.memory_space<hbm>>) dst(%arg8 : memref<120x128xi32, #tpu.memory_space<vmem>>)
      tpu.yield
    }) : () -> ()
    %mul3A_7 = arith.constant 640 : i32
    %mul3A_8 = arith.muli %arg1, %mul3A_7 : i32
    "tpu.region"() ({
      %run_scoped3A = tpu.sem_alloc : memref<!tpu.dma_semaphore, #tpu.memory_space<semaphore_mem>>
      %dma_start3A = arith.constant 0 : i32
      %dma_start3A_23 = tpu.memref_slice %arg10[%mul3A_8, %dma_start3A] : memref<10240x128xf32, #tpu.memory_space<vmem_shared>> -> memref<640x128xf32, #tpu.memory_space<vmem_shared>>
      tpu.enqueue_dma source(%arg5 : memref<640x128xf32, #tpu.memory_space<hbm>>) target(%dma_start3A_23 : memref<640x128xf32, #tpu.memory_space<vmem_shared>>) target_semaphore(%run_scoped3A : memref<!tpu.dma_semaphore, #tpu.memory_space<semaphore_mem>>)
      %dma_wait3A = arith.constant 0 : i32
      %dma_wait3A_24 = tpu.memref_slice %arg10[%mul3A_8, %dma_wait3A] : memref<10240x128xf32, #tpu.memory_space<vmem_shared>> -> memref<640x128xf32, #tpu.memory_space<vmem_shared>>
      tpu.wait_dma2 semaphore(%run_scoped3A : memref<!tpu.dma_semaphore, #tpu.memory_space<semaphore_mem>>) src(%arg5 : memref<640x128xf32, #tpu.memory_space<hbm>>) dst(%dma_wait3A_24 : memref<640x128xf32, #tpu.memory_space<vmem_shared>>)
      tpu.yield
    }) : () -> ()
    %barrier3A = arith.constant 0 : index
    tpu.barrier barrier_id(%barrier3A)
    %while3A = arith.constant 0 : i32
    %while3A_9 = arith.constant 0 : i32
    %while3A_10 = arith.subi %select_n3A_2, %while3A_9 : i32
    %while3A_11 = arith.addi %while3A_9, %while3A_10 : i32
    %while3A_12 = arith.constant 1 : i32
    %while3A_13 = arith.divsi %while3A_10, %while3A_12 : i32
    %while3A_14 = arith.muli %while3A_13, %while3A_12 : i32
    %while3A_15 = arith.addi %while3A_9, %while3A_14 : i32
    %while3A_16 = arith.constant 1 : i32
    scf.for %while3A_23 = %while3A_9 to %while3A_15 step %while3A_16  : i32 {
      %dma_start3A = arith.constant 0 : i32
      %dma_start3A_24 = tpu.memref_slice %arg7[%while3A_23, %dma_start3A] : memref<120x128xi32, #tpu.memory_space<vmem>> -> memref<1x128xi32, #tpu.memory_space<vmem>>
      %dma_start3A_25 = tpu.memref_squeeze %dma_start3A_24 : memref<1x128xi32, #tpu.memory_space<vmem>> -> memref<128xi32, #tpu.memory_space<vmem>>
      %dma_start3A_26 = arith.constant 0 : i32
      %dma_start3A_27 = arith.constant 0 : i32
      %dma_start3A_28 = tpu.memref_slice %arg2[%dma_start3A_26, %dma_start3A_27] : memref<10000x128xf32, #tpu.memory_space<hbm>> -> memref<10000x128xf32, #tpu.memory_space<hbm>>
      tpu.enqueue_indirect_dma source(%dma_start3A_28 : memref<10000x128xf32, #tpu.memory_space<hbm>>) target(%arg9 : memref<128x128xf32, #tpu.memory_space<vmem>>) offsets(%dma_start3A_25 : memref<128xi32, #tpu.memory_space<vmem>>) semaphore(%arg11 : memref<!tpu.dma_semaphore, #tpu.memory_space<semaphore_mem>>)
      %dma_wait3A = arith.constant 0 : i32
      %dma_wait3A_29 = tpu.memref_slice %arg7[%while3A_23, %dma_wait3A] : memref<120x128xi32, #tpu.memory_space<vmem>> -> memref<1x128xi32, #tpu.memory_space<vmem>>
      %dma_wait3A_30 = tpu.memref_squeeze %dma_wait3A_29 : memref<1x128xi32, #tpu.memory_space<vmem>> -> memref<128xi32, #tpu.memory_space<vmem>>
      %dma_wait3A_31 = arith.constant 0 : i32
      %dma_wait3A_32 = arith.constant 0 : i32
      %dma_wait3A_33 = tpu.memref_slice %arg2[%dma_wait3A_31, %dma_wait3A_32] : memref<10000x128xf32, #tpu.memory_space<hbm>> -> memref<10000x128xf32, #tpu.memory_space<hbm>>
      tpu.wait_indirect_dma semaphore(%arg11 : memref<!tpu.dma_semaphore, #tpu.memory_space<semaphore_mem>>) src(%dma_wait3A_33 : memref<10000x128xf32, #tpu.memory_space<hbm>>) dst(%arg9 : memref<128x128xf32, #tpu.memory_space<vmem>>)
      "tpu.region"() ({
        %run_scoped3A = tpu.sem_alloc : memref<!tpu.dma_semaphore, #tpu.memory_space<semaphore_mem>>
        %dma_start3A_34 = arith.constant 0 : i32
        %dma_start3A_35 = tpu.memref_slice %arg8[%while3A_23, %dma_start3A_34] : memref<120x128xi32, #tpu.memory_space<vmem>> -> memref<1x128xi32, #tpu.memory_space<vmem>>
        %dma_start3A_36 = tpu.memref_squeeze %dma_start3A_35 : memref<1x128xi32, #tpu.memory_space<vmem>> -> memref<128xi32, #tpu.memory_space<vmem>>
        %dma_start3A_37 = arith.constant 0 : i32
        %dma_start3A_38 = arith.constant 0 : i32
        %dma_start3A_39 = tpu.memref_slice %arg10[%dma_start3A_37, %dma_start3A_38] : memref<10240x128xf32, #tpu.memory_space<vmem_shared>> -> memref<10240x128xf32, #tpu.memory_space<vmem_shared>>
        tpu.enqueue_indirect_dma source(%arg9 : memref<128x128xf32, #tpu.memory_space<vmem>>) target(%dma_start3A_39 : memref<10240x128xf32, #tpu.memory_space<vmem_shared>>) offsets(%dma_start3A_36 : memref<128xi32, #tpu.memory_space<vmem>>) semaphore(%run_scoped3A : memref<!tpu.dma_semaphore, #tpu.memory_space<semaphore_mem>>) {add = true}
        %dma_wait3A_40 = arith.constant 0 : i32
        %dma_wait3A_41 = tpu.memref_slice %arg8[%while3A_23, %dma_wait3A_40] : memref<120x128xi32, #tpu.memory_space<vmem>> -> memref<1x128xi32, #tpu.memory_space<vmem>>
        %dma_wait3A_42 = tpu.memref_squeeze %dma_wait3A_41 : memref<1x128xi32, #tpu.memory_space<vmem>> -> memref<128xi32, #tpu.memory_space<vmem>>
        %dma_wait3A_43 = arith.constant 0 : i32
        %dma_wait3A_44 = arith.constant 0 : i32
        %dma_wait3A_45 = tpu.memref_slice %arg10[%dma_wait3A_43, %dma_wait3A_44] : memref<10240x128xf32, #tpu.memory_space<vmem_shared>> -> memref<10240x128xf32, #tpu.memory_space<vmem_shared>>
        tpu.wait_indirect_dma semaphore(%run_scoped3A : memref<!tpu.dma_semaphore, #tpu.memory_space<semaphore_mem>>) src(%arg9 : memref<128x128xf32, #tpu.memory_space<vmem>>) dst(%dma_wait3A_45 : memref<10240x128xf32, #tpu.memory_space<vmem_shared>>)
        tpu.yield
      }) : () -> ()
    }
    %while3A_17 = arith.constant 1 : i32
    scf.for %while3A_23 = %while3A_15 to %while3A_11 step %while3A_17  : i32 {
      %dma_start3A = arith.constant 0 : i32
      %dma_start3A_24 = tpu.memref_slice %arg7[%while3A_23, %dma_start3A] : memref<120x128xi32, #tpu.memory_space<vmem>> -> memref<1x128xi32, #tpu.memory_space<vmem>>
      %dma_start3A_25 = tpu.memref_squeeze %dma_start3A_24 : memref<1x128xi32, #tpu.memory_space<vmem>> -> memref<128xi32, #tpu.memory_space<vmem>>
      %dma_start3A_26 = arith.constant 0 : i32
      %dma_start3A_27 = arith.constant 0 : i32
      %dma_start3A_28 = tpu.memref_slice %arg2[%dma_start3A_26, %dma_start3A_27] : memref<10000x128xf32, #tpu.memory_space<hbm>> -> memref<10000x128xf32, #tpu.memory_space<hbm>>
      tpu.enqueue_indirect_dma source(%dma_start3A_28 : memref<10000x128xf32, #tpu.memory_space<hbm>>) target(%arg9 : memref<128x128xf32, #tpu.memory_space<vmem>>) offsets(%dma_start3A_25 : memref<128xi32, #tpu.memory_space<vmem>>) semaphore(%arg11 : memref<!tpu.dma_semaphore, #tpu.memory_space<semaphore_mem>>)
      %dma_wait3A = arith.constant 0 : i32
      %dma_wait3A_29 = tpu.memref_slice %arg7[%while3A_23, %dma_wait3A] : memref<120x128xi32, #tpu.memory_space<vmem>> -> memref<1x128xi32, #tpu.memory_space<vmem>>
      %dma_wait3A_30 = tpu.memref_squeeze %dma_wait3A_29 : memref<1x128xi32, #tpu.memory_space<vmem>> -> memref<128xi32, #tpu.memory_space<vmem>>
      %dma_wait3A_31 = arith.constant 0 : i32
      %dma_wait3A_32 = arith.constant 0 : i32
      %dma_wait3A_33 = tpu.memref_slice %arg2[%dma_wait3A_31, %dma_wait3A_32] : memref<10000x128xf32, #tpu.memory_space<hbm>> -> memref<10000x128xf32, #tpu.memory_space<hbm>>
      tpu.wait_indirect_dma semaphore(%arg11 : memref<!tpu.dma_semaphore, #tpu.memory_space<semaphore_mem>>) src(%dma_wait3A_33 : memref<10000x128xf32, #tpu.memory_space<hbm>>) dst(%arg9 : memref<128x128xf32, #tpu.memory_space<vmem>>)
      "tpu.region"() ({
        %run_scoped3A = tpu.sem_alloc : memref<!tpu.dma_semaphore, #tpu.memory_space<semaphore_mem>>
        %dma_start3A_34 = arith.constant 0 : i32
        %dma_start3A_35 = tpu.memref_slice %arg8[%while3A_23, %dma_start3A_34] : memref<120x128xi32, #tpu.memory_space<vmem>> -> memref<1x128xi32, #tpu.memory_space<vmem>>
        %dma_start3A_36 = tpu.memref_squeeze %dma_start3A_35 : memref<1x128xi32, #tpu.memory_space<vmem>> -> memref<128xi32, #tpu.memory_space<vmem>>
        %dma_start3A_37 = arith.constant 0 : i32
        %dma_start3A_38 = arith.constant 0 : i32
        %dma_start3A_39 = tpu.memref_slice %arg10[%dma_start3A_37, %dma_start3A_38] : memref<10240x128xf32, #tpu.memory_space<vmem_shared>> -> memref<10240x128xf32, #tpu.memory_space<vmem_shared>>
        tpu.enqueue_indirect_dma source(%arg9 : memref<128x128xf32, #tpu.memory_space<vmem>>) target(%dma_start3A_39 : memref<10240x128xf32, #tpu.memory_space<vmem_shared>>) offsets(%dma_start3A_36 : memref<128xi32, #tpu.memory_space<vmem>>) semaphore(%run_scoped3A : memref<!tpu.dma_semaphore, #tpu.memory_space<semaphore_mem>>) {add = true}
        %dma_wait3A_40 = arith.constant 0 : i32
        %dma_wait3A_41 = tpu.memref_slice %arg8[%while3A_23, %dma_wait3A_40] : memref<120x128xi32, #tpu.memory_space<vmem>> -> memref<1x128xi32, #tpu.memory_space<vmem>>
        %dma_wait3A_42 = tpu.memref_squeeze %dma_wait3A_41 : memref<1x128xi32, #tpu.memory_space<vmem>> -> memref<128xi32, #tpu.memory_space<vmem>>
        %dma_wait3A_43 = arith.constant 0 : i32
        %dma_wait3A_44 = arith.constant 0 : i32
        %dma_wait3A_45 = tpu.memref_slice %arg10[%dma_wait3A_43, %dma_wait3A_44] : memref<10240x128xf32, #tpu.memory_space<vmem_shared>> -> memref<10240x128xf32, #tpu.memory_space<vmem_shared>>
        tpu.wait_indirect_dma semaphore(%run_scoped3A : memref<!tpu.dma_semaphore, #tpu.memory_space<semaphore_mem>>) src(%arg9 : memref<128x128xf32, #tpu.memory_space<vmem>>) dst(%dma_wait3A_45 : memref<10240x128xf32, #tpu.memory_space<vmem_shared>>)
        tpu.yield
      }) : () -> ()
    }
    %barrier3A_18 = arith.constant 0 : index
    tpu.barrier barrier_id(%barrier3A_18)
    %mul3A_19 = arith.constant 640 : i32
    %mul3A_20 = arith.muli %arg1, %mul3A_19 : i32
    %mul3A_21 = arith.constant 640 : i32
    %mul3A_22 = arith.muli %arg1, %mul3A_21 : i32
    "tpu.region"() ({
      %run_scoped3A = tpu.sem_alloc : memref<!tpu.dma_semaphore, #tpu.memory_space<semaphore_mem>>
      %dma_start3A = arith.constant 0 : i32
      %dma_start3A_23 = tpu.memref_slice %arg6[%arg0, %mul3A_22, %dma_start3A] : memref<2x10240x128xf32, #tpu.memory_space<hbm>> -> memref<1x640x128xf32, #tpu.memory_space<hbm>>
      %dma_start3A_24 = tpu.memref_squeeze %dma_start3A_23 : memref<1x640x128xf32, #tpu.memory_space<hbm>> -> memref<640x128xf32, #tpu.memory_space<hbm>>
      %dma_start3A_25 = arith.constant 0 : i32
      %dma_start3A_26 = tpu.memref_slice %arg10[%mul3A_20, %dma_start3A_25] : memref<10240x128xf32, #tpu.memory_space<vmem_shared>> -> memref<640x128xf32, #tpu.memory_space<vmem_shared>>
      tpu.enqueue_dma source(%dma_start3A_26 : memref<640x128xf32, #tpu.memory_space<vmem_shared>>) target(%dma_start3A_24 : memref<640x128xf32, #tpu.memory_space<hbm>>) target_semaphore(%run_scoped3A : memref<!tpu.dma_semaphore, #tpu.memory_space<semaphore_mem>>)
      %dma_wait3A = arith.constant 0 : i32
      %dma_wait3A_27 = tpu.memref_slice %arg6[%arg0, %mul3A_22, %dma_wait3A] : memref<2x10240x128xf32, #tpu.memory_space<hbm>> -> memref<1x640x128xf32, #tpu.memory_space<hbm>>
      %dma_wait3A_28 = tpu.memref_squeeze %dma_wait3A_27 : memref<1x640x128xf32, #tpu.memory_space<hbm>> -> memref<640x128xf32, #tpu.memory_space<hbm>>
      %dma_wait3A_29 = arith.constant 0 : i32
      %dma_wait3A_30 = tpu.memref_slice %arg10[%mul3A_20, %dma_wait3A_29] : memref<10240x128xf32, #tpu.memory_space<vmem_shared>> -> memref<640x128xf32, #tpu.memory_space<vmem_shared>>
      tpu.wait_dma2 semaphore(%run_scoped3A : memref<!tpu.dma_semaphore, #tpu.memory_space<semaphore_mem>>) src(%dma_wait3A_30 : memref<640x128xf32, #tpu.memory_space<vmem_shared>>) dst(%dma_wait3A_28 : memref<640x128xf32, #tpu.memory_space<hbm>>)
      tpu.yield
    }) : () -> ()
    return
  }
}

#map = affine_map<(d0, d1) -> (0, 0)>
#map1 = affine_map<(d0, d1) -> (0, 0, 0)>
module attributes {stable_mosaic.version = 14 : i64} {
  func.func @_spmm(%arg0: i32, %arg1: i32, %arg2: memref<10000x128xf32, #tpu.memory_space<hbm>>, %arg3: memref<2680x128xi32, #tpu.memory_space<hbm>>, %arg4: memref<2680x128xi32, #tpu.memory_space<hbm>>, %arg5: memref<640x128xf32, #tpu.memory_space<hbm>>, %arg6: memref<2x10240x128xf32, #tpu.memory_space<hbm>>, %arg7: memref<120x128xi32, #tpu.memory_space<vmem>>, %arg8: memref<120x128xi32, #tpu.memory_space<vmem>>, %arg9: memref<128x128xf32, #tpu.memory_space<vmem>>, %arg10: memref<10240x128xf32, #tpu.memory_space<vmem_shared>>, %arg11: memref<!tpu.dma_semaphore, #tpu.memory_space<semaphore_mem>>) attributes {dimension_semantics = [#tpu.dimension_semantics<core_parallel>, #tpu.dimension_semantics<subcore_parallel>], iteration_bounds = array<i64: 2, 16>, scalar_prefetch = 0 : i64, scratch_operands = 5 : i64, tpu.core_type = #tpu.core_type<sc_vector_subcore>, window_params = [{transform_indices = #map}, {transform_indices = #map}, {transform_indices = #map}, {transform_indices = #map}, {transform_indices = #map1}]} {
    %eq3A = arith.constant 0 : i32
    %eq3A_0 = arith.cmpi eq, %arg0, %eq3A : i32
    %select_n3A = arith.constant 40 : i32
    %select_n3A_1 = arith.constant 120 : i32
    %select_n3A_2 = arith.select %eq3A_0, %select_n3A_1, %select_n3A : i32
    %mul3A = arith.constant 16 : i32
    %mul3A_3 = arith.muli %arg0, %mul3A : i32
    %mul3A_4 = arith.constant 120 : i32
    %mul3A_5 = arith.muli %mul3A_3, %mul3A_4 : i32
    %mul3A_6 = arith.muli %arg1, %select_n3A_2 : i32
    %add3A = arith.addi %mul3A_5, %mul3A_6 : i32
    "tpu.region"() ({
      %run_scoped3A = tpu.sem_alloc : memref<!tpu.dma_semaphore, #tpu.memory_space<semaphore_mem>>
      %dma_start3A = arith.constant 0 : i32
      %dma_start3A_23 = tpu.memref_slice %arg3[%add3A, %dma_start3A] : memref<2680x128xi32, #tpu.memory_space<hbm>> -> memref<120x128xi32, #tpu.memory_space<hbm>>
      %dma_start3A_24 = arith.constant 0 : i32
      %dma_start3A_25 = tpu.memref_slice %arg3[%add3A, %dma_start3A_24] : memref<2680x128xi32, #tpu.memory_space<hbm>> -> memref<120x128xi32, #tpu.memory_space<hbm>>
      tpu.enqueue_dma source(%dma_start3A_25 : memref<120x128xi32, #tpu.memory_space<hbm>>) target(%arg7 : memref<120x128xi32, #tpu.memory_space<vmem>>) target_semaphore(%run_scoped3A : memref<!tpu.dma_semaphore, #tpu.memory_space<semaphore_mem>>)
      %dma_wait3A = arith.constant 0 : i32
      %dma_wait3A_26 = tpu.memref_slice %arg3[%add3A, %dma_wait3A] : memref<2680x128xi32, #tpu.memory_space<hbm>> -> memref<120x128xi32, #tpu.memory_space<hbm>>
      %dma_wait3A_27 = arith.constant 0 : i32
      %dma_wait3A_28 = tpu.memref_slice %arg3[%add3A, %dma_wait3A_27] : memref<2680x128xi32, #tpu.memory_space<hbm>> -> memref<120x128xi32, #tpu.memory_space<hbm>>
      tpu.wait_dma2 semaphore(%run_scoped3A : memref<!tpu.dma_semaphore, #tpu.memory_space<semaphore_mem>>) src(%dma_wait3A_28 : memref<120x128xi32, #tpu.memory_space<hbm>>) dst(%arg7 : memref<120x128xi32, #tpu.memory_space<vmem>>)
      tpu.yield
    }) : () -> ()
    "tpu.region"() ({
      %run_scoped3A = tpu.sem_alloc : memref<!tpu.dma_semaphore, #tpu.memory_space<semaphore_mem>>
      %dma_start3A = arith.constant 0 : i32
      %dma_start3A_23 = tpu.memref_slice %arg4[%add3A, %dma_start3A] : memref<2680x128xi32, #tpu.memory_space<hbm>> -> memref<120x128xi32, #tpu.memory_space<hbm>>
      %dma_start3A_24 = arith.constant 0 : i32
      %dma_start3A_25 = tpu.memref_slice %arg4[%add3A, %dma_start3A_24] : memref<2680x128xi32, #tpu.memory_space<hbm>> -> memref<120x128xi32, #tpu.memory_space<hbm>>
      tpu.enqueue_dma source(%dma_start3A_25 : memref<120x128xi32, #tpu.memory_space<hbm>>) target(%arg8 : memref<120x128xi32, #tpu.memory_space<vmem>>) target_semaphore(%run_scoped3A : memref<!tpu.dma_semaphore, #tpu.memory_space<semaphore_mem>>)
      %dma_wait3A = arith.constant 0 : i32
      %dma_wait3A_26 = tpu.memref_slice %arg4[%add3A, %dma_wait3A] : memref<2680x128xi32, #tpu.memory_space<hbm>> -> memref<120x128xi32, #tpu.memory_space<hbm>>
      %dma_wait3A_27 = arith.constant 0 : i32
      %dma_wait3A_28 = tpu.memref_slice %arg4[%add3A, %dma_wait3A_27] : memref<2680x128xi32, #tpu.memory_space<hbm>> -> memref<120x128xi32, #tpu.memory_space<hbm>>
      tpu.wait_dma2 semaphore(%run_scoped3A : memref<!tpu.dma_semaphore, #tpu.memory_space<semaphore_mem>>) src(%dma_wait3A_28 : memref<120x128xi32, #tpu.memory_space<hbm>>) dst(%arg8 : memref<120x128xi32, #tpu.memory_space<vmem>>)
      tpu.yield
    }) : () -> ()
    %mul3A_7 = arith.constant 640 : i32
    %mul3A_8 = arith.muli %arg1, %mul3A_7 : i32
    "tpu.region"() ({
      %run_scoped3A = tpu.sem_alloc : memref<!tpu.dma_semaphore, #tpu.memory_space<semaphore_mem>>
      %dma_start3A = arith.constant 0 : i32
      %dma_start3A_23 = tpu.memref_slice %arg10[%mul3A_8, %dma_start3A] : memref<10240x128xf32, #tpu.memory_space<vmem_shared>> -> memref<640x128xf32, #tpu.memory_space<vmem_shared>>
      tpu.enqueue_dma source(%arg5 : memref<640x128xf32, #tpu.memory_space<hbm>>) target(%dma_start3A_23 : memref<640x128xf32, #tpu.memory_space<vmem_shared>>) target_semaphore(%run_scoped3A : memref<!tpu.dma_semaphore, #tpu.memory_space<semaphore_mem>>)
      %dma_wait3A = arith.constant 0 : i32
      %dma_wait3A_24 = tpu.memref_slice %arg10[%mul3A_8, %dma_wait3A] : memref<10240x128xf32, #tpu.memory_space<vmem_shared>> -> memref<640x128xf32, #tpu.memory_space<vmem_shared>>
      tpu.wait_dma2 semaphore(%run_scoped3A : memref<!tpu.dma_semaphore, #tpu.memory_space<semaphore_mem>>) src(%arg5 : memref<640x128xf32, #tpu.memory_space<hbm>>) dst(%dma_wait3A_24 : memref<640x128xf32, #tpu.memory_space<vmem_shared>>)
      tpu.yield
    }) : () -> ()
    %barrier3A = arith.constant 0 : index
    tpu.barrier barrier_id(%barrier3A)
    %while3A = arith.constant 0 : i32
    %while3A_9 = arith.constant 0 : i32
    %while3A_10 = arith.subi %select_n3A_2, %while3A_9 : i32
    %while3A_11 = arith.addi %while3A_9, %while3A_10 : i32
    %while3A_12 = arith.constant 1 : i32
    %while3A_13 = arith.divsi %while3A_10, %while3A_12 : i32
    %while3A_14 = arith.muli %while3A_13, %while3A_12 : i32
    %while3A_15 = arith.addi %while3A_9, %while3A_14 : i32
    %while3A_16 = arith.constant 1 : i32
    scf.for %while3A_23 = %while3A_9 to %while3A_15 step %while3A_16  : i32 {
      %dma_start3A = arith.constant 0 : i32
      %dma_start3A_24 = tpu.memref_slice %arg7[%while3A_23, %dma_start3A] : memref<120x128xi32, #tpu.memory_space<vmem>> -> memref<1x128xi32, #tpu.memory_space<vmem>>
      %dma_start3A_25 = tpu.memref_squeeze %dma_start3A_24 : memref<1x128xi32, #tpu.memory_space<vmem>> -> memref<128xi32, #tpu.memory_space<vmem>>
      %dma_start3A_26 = arith.constant 0 : i32
      %dma_start3A_27 = arith.constant 0 : i32
      %dma_start3A_28 = tpu.memref_slice %arg2[%dma_start3A_26, %dma_start3A_27] : memref<10000x128xf32, #tpu.memory_space<hbm>> -> memref<10000x128xf32, #tpu.memory_space<hbm>>
      tpu.enqueue_indirect_dma source(%dma_start3A_28 : memref<10000x128xf32, #tpu.memory_space<hbm>>) target(%arg9 : memref<128x128xf32, #tpu.memory_space<vmem>>) offsets(%dma_start3A_25 : memref<128xi32, #tpu.memory_space<vmem>>) semaphore(%arg11 : memref<!tpu.dma_semaphore, #tpu.memory_space<semaphore_mem>>)
      %dma_wait3A = arith.constant 0 : i32
      %dma_wait3A_29 = tpu.memref_slice %arg7[%while3A_23, %dma_wait3A] : memref<120x128xi32, #tpu.memory_space<vmem>> -> memref<1x128xi32, #tpu.memory_space<vmem>>
      %dma_wait3A_30 = tpu.memref_squeeze %dma_wait3A_29 : memref<1x128xi32, #tpu.memory_space<vmem>> -> memref<128xi32, #tpu.memory_space<vmem>>
      %dma_wait3A_31 = arith.constant 0 : i32
      %dma_wait3A_32 = arith.constant 0 : i32
      %dma_wait3A_33 = tpu.memref_slice %arg2[%dma_wait3A_31, %dma_wait3A_32] : memref<10000x128xf32, #tpu.memory_space<hbm>> -> memref<10000x128xf32, #tpu.memory_space<hbm>>
      tpu.wait_indirect_dma semaphore(%arg11 : memref<!tpu.dma_semaphore, #tpu.memory_space<semaphore_mem>>) src(%dma_wait3A_33 : memref<10000x128xf32, #tpu.memory_space<hbm>>) dst(%arg9 : memref<128x128xf32, #tpu.memory_space<vmem>>)
      "tpu.region"() ({
        %run_scoped3A = tpu.sem_alloc : memref<!tpu.dma_semaphore, #tpu.memory_space<semaphore_mem>>
        %dma_start3A_34 = arith.constant 0 : i32
        %dma_start3A_35 = tpu.memref_slice %arg8[%while3A_23, %dma_start3A_34] : memref<120x128xi32, #tpu.memory_space<vmem>> -> memref<1x128xi32, #tpu.memory_space<vmem>>
        %dma_start3A_36 = tpu.memref_squeeze %dma_start3A_35 : memref<1x128xi32, #tpu.memory_space<vmem>> -> memref<128xi32, #tpu.memory_space<vmem>>
        %dma_start3A_37 = arith.constant 0 : i32
        %dma_start3A_38 = arith.constant 0 : i32
        %dma_start3A_39 = tpu.memref_slice %arg10[%dma_start3A_37, %dma_start3A_38] : memref<10240x128xf32, #tpu.memory_space<vmem_shared>> -> memref<10240x128xf32, #tpu.memory_space<vmem_shared>>
        tpu.enqueue_indirect_dma source(%arg9 : memref<128x128xf32, #tpu.memory_space<vmem>>) target(%dma_start3A_39 : memref<10240x128xf32, #tpu.memory_space<vmem_shared>>) offsets(%dma_start3A_36 : memref<128xi32, #tpu.memory_space<vmem>>) semaphore(%run_scoped3A : memref<!tpu.dma_semaphore, #tpu.memory_space<semaphore_mem>>) {add = true}
        %dma_wait3A_40 = arith.constant 0 : i32
        %dma_wait3A_41 = tpu.memref_slice %arg8[%while3A_23, %dma_wait3A_40] : memref<120x128xi32, #tpu.memory_space<vmem>> -> memref<1x128xi32, #tpu.memory_space<vmem>>
        %dma_wait3A_42 = tpu.memref_squeeze %dma_wait3A_41 : memref<1x128xi32, #tpu.memory_space<vmem>> -> memref<128xi32, #tpu.memory_space<vmem>>
        %dma_wait3A_43 = arith.constant 0 : i32
        %dma_wait3A_44 = arith.constant 0 : i32
        %dma_wait3A_45 = tpu.memref_slice %arg10[%dma_wait3A_43, %dma_wait3A_44] : memref<10240x128xf32, #tpu.memory_space<vmem_shared>> -> memref<10240x128xf32, #tpu.memory_space<vmem_shared>>
        tpu.wait_indirect_dma semaphore(%run_scoped3A : memref<!tpu.dma_semaphore, #tpu.memory_space<semaphore_mem>>) src(%arg9 : memref<128x128xf32, #tpu.memory_space<vmem>>) dst(%dma_wait3A_45 : memref<10240x128xf32, #tpu.memory_space<vmem_shared>>)
        tpu.yield
      }) : () -> ()
    }
    %while3A_17 = arith.constant 1 : i32
    scf.for %while3A_23 = %while3A_15 to %while3A_11 step %while3A_17  : i32 {
      %dma_start3A = arith.constant 0 : i32
      %dma_start3A_24 = tpu.memref_slice %arg7[%while3A_23, %dma_start3A] : memref<120x128xi32, #tpu.memory_space<vmem>> -> memref<1x128xi32, #tpu.memory_space<vmem>>
      %dma_start3A_25 = tpu.memref_squeeze %dma_start3A_24 : memref<1x128xi32, #tpu.memory_space<vmem>> -> memref<128xi32, #tpu.memory_space<vmem>>
      %dma_start3A_26 = arith.constant 0 : i32
      %dma_start3A_27 = arith.constant 0 : i32
      %dma_start3A_28 = tpu.memref_slice %arg2[%dma_start3A_26, %dma_start3A_27] : memref<10000x128xf32, #tpu.memory_space<hbm>> -> memref<10000x128xf32, #tpu.memory_space<hbm>>
      tpu.enqueue_indirect_dma source(%dma_start3A_28 : memref<10000x128xf32, #tpu.memory_space<hbm>>) target(%arg9 : memref<128x128xf32, #tpu.memory_space<vmem>>) offsets(%dma_start3A_25 : memref<128xi32, #tpu.memory_space<vmem>>) semaphore(%arg11 : memref<!tpu.dma_semaphore, #tpu.memory_space<semaphore_mem>>)
      %dma_wait3A = arith.constant 0 : i32
      %dma_wait3A_29 = tpu.memref_slice %arg7[%while3A_23, %dma_wait3A] : memref<120x128xi32, #tpu.memory_space<vmem>> -> memref<1x128xi32, #tpu.memory_space<vmem>>
      %dma_wait3A_30 = tpu.memref_squeeze %dma_wait3A_29 : memref<1x128xi32, #tpu.memory_space<vmem>> -> memref<128xi32, #tpu.memory_space<vmem>>
      %dma_wait3A_31 = arith.constant 0 : i32
      %dma_wait3A_32 = arith.constant 0 : i32
      %dma_wait3A_33 = tpu.memref_slice %arg2[%dma_wait3A_31, %dma_wait3A_32] : memref<10000x128xf32, #tpu.memory_space<hbm>> -> memref<10000x128xf32, #tpu.memory_space<hbm>>
      tpu.wait_indirect_dma semaphore(%arg11 : memref<!tpu.dma_semaphore, #tpu.memory_space<semaphore_mem>>) src(%dma_wait3A_33 : memref<10000x128xf32, #tpu.memory_space<hbm>>) dst(%arg9 : memref<128x128xf32, #tpu.memory_space<vmem>>)
      "tpu.region"() ({
        %run_scoped3A = tpu.sem_alloc : memref<!tpu.dma_semaphore, #tpu.memory_space<semaphore_mem>>
        %dma_start3A_34 = arith.constant 0 : i32
        %dma_start3A_35 = tpu.memref_slice %arg8[%while3A_23, %dma_start3A_34] : memref<120x128xi32, #tpu.memory_space<vmem>> -> memref<1x128xi32, #tpu.memory_space<vmem>>
        %dma_start3A_36 = tpu.memref_squeeze %dma_start3A_35 : memref<1x128xi32, #tpu.memory_space<vmem>> -> memref<128xi32, #tpu.memory_space<vmem>>
        %dma_start3A_37 = arith.constant 0 : i32
        %dma_start3A_38 = arith.constant 0 : i32
        %dma_start3A_39 = tpu.memref_slice %arg10[%dma_start3A_37, %dma_start3A_38] : memref<10240x128xf32, #tpu.memory_space<vmem_shared>> -> memref<10240x128xf32, #tpu.memory_space<vmem_shared>>
        tpu.enqueue_indirect_dma source(%arg9 : memref<128x128xf32, #tpu.memory_space<vmem>>) target(%dma_start3A_39 : memref<10240x128xf32, #tpu.memory_space<vmem_shared>>) offsets(%dma_start3A_36 : memref<128xi32, #tpu.memory_space<vmem>>) semaphore(%run_scoped3A : memref<!tpu.dma_semaphore, #tpu.memory_space<semaphore_mem>>) {add = true}
        %dma_wait3A_40 = arith.constant 0 : i32
        %dma_wait3A_41 = tpu.memref_slice %arg8[%while3A_23, %dma_wait3A_40] : memref<120x128xi32, #tpu.memory_space<vmem>> -> memref<1x128xi32, #tpu.memory_space<vmem>>
        %dma_wait3A_42 = tpu.memref_squeeze %dma_wait3A_41 : memref<1x128xi32, #tpu.memory_space<vmem>> -> memref<128xi32, #tpu.memory_space<vmem>>
        %dma_wait3A_43 = arith.constant 0 : i32
        %dma_wait3A_44 = arith.constant 0 : i32
        %dma_wait3A_45 = tpu.memref_slice %arg10[%dma_wait3A_43, %dma_wait3A_44] : memref<10240x128xf32, #tpu.memory_space<vmem_shared>> -> memref<10240x128xf32, #tpu.memory_space<vmem_shared>>
        tpu.wait_indirect_dma semaphore(%run_scoped3A : memref<!tpu.dma_semaphore, #tpu.memory_space<semaphore_mem>>) src(%arg9 : memref<128x128xf32, #tpu.memory_space<vmem>>) dst(%dma_wait3A_45 : memref<10240x128xf32, #tpu.memory_space<vmem_shared>>)
        tpu.yield
      }) : () -> ()
    }
    %barrier3A_18 = arith.constant 0 : index
    tpu.barrier barrier_id(%barrier3A_18)
    %mul3A_19 = arith.constant 640 : i32
    %mul3A_20 = arith.muli %arg1, %mul3A_19 : i32
    %mul3A_21 = arith.constant 640 : i32
    %mul3A_22 = arith.muli %arg1, %mul3A_21 : i32
    "tpu.region"() ({
      %run_scoped3A = tpu.sem_alloc : memref<!tpu.dma_semaphore, #tpu.memory_space<semaphore_mem>>
      %dma_start3A = arith.constant 0 : i32
      %dma_start3A_23 = tpu.memref_slice %arg6[%arg0, %mul3A_22, %dma_start3A] : memref<2x10240x128xf32, #tpu.memory_space<hbm>> -> memref<1x640x128xf32, #tpu.memory_space<hbm>>
      %dma_start3A_24 = tpu.memref_squeeze %dma_start3A_23 : memref<1x640x128xf32, #tpu.memory_space<hbm>> -> memref<640x128xf32, #tpu.memory_space<hbm>>
      %dma_start3A_25 = arith.constant 0 : i32
      %dma_start3A_26 = tpu.memref_slice %arg10[%mul3A_20, %dma_start3A_25] : memref<10240x128xf32, #tpu.memory_space<vmem_shared>> -> memref<640x128xf32, #tpu.memory_space<vmem_shared>>
      tpu.enqueue_dma source(%dma_start3A_26 : memref<640x128xf32, #tpu.memory_space<vmem_shared>>) target(%dma_start3A_24 : memref<640x128xf32, #tpu.memory_space<hbm>>) target_semaphore(%run_scoped3A : memref<!tpu.dma_semaphore, #tpu.memory_space<semaphore_mem>>)
      %dma_wait3A = arith.constant 0 : i32
      %dma_wait3A_27 = tpu.memref_slice %arg6[%arg0, %mul3A_22, %dma_wait3A] : memref<2x10240x128xf32, #tpu.memory_space<hbm>> -> memref<1x640x128xf32, #tpu.memory_space<hbm>>
      %dma_wait3A_28 = tpu.memref_squeeze %dma_wait3A_27 : memref<1x640x128xf32, #tpu.memory_space<hbm>> -> memref<640x128xf32, #tpu.memory_space<hbm>>
      %dma_wait3A_29 = arith.constant 0 : i32
      %dma_wait3A_30 = tpu.memref_slice %arg10[%mul3A_20, %dma_wait3A_29] : memref<10240x128xf32, #tpu.memory_space<vmem_shared>> -> memref<640x128xf32, #tpu.memory_space<vmem_shared>>
      tpu.wait_dma2 semaphore(%run_scoped3A : memref<!tpu.dma_semaphore, #tpu.memory_space<semaphore_mem>>) src(%dma_wait3A_30 : memref<640x128xf32, #tpu.memory_space<vmem_shared>>) dst(%dma_wait3A_28 : memref<640x128xf32, #tpu.memory_space<hbm>>)
      tpu.yield
    }) : () -> ()
    return
  }
}

module attributes {stable_mosaic.version = 14 : i64} {
  func.func @_deg_body(%arg0: memref<2x10240x16xf32, #tpu.memory_space<vmem>>, %arg1: memref<2x10240x16xf32, #tpu.memory_space<vmem>>, %arg2: memref<10240x16xf32, #tpu.memory_space<vmem>>, %arg3: memref<10240x16xf32, #tpu.memory_space<vmem>>, %arg4: memref<10240x1xf32, #tpu.memory_space<vmem>>, %arg5: memref<10240x1xf32, #tpu.memory_space<vmem>>) attributes {dimension_semantics = [], scalar_prefetch = 0 : i64, scratch_operands = 0 : i64, tpu.core_type = #tpu.core_type<tc>} {
    %get3A = arith.constant 0 : index
    %get3A_0 = arith.constant 0 : index
    %get3A_1 = arith.constant 0 : index
    %get3A_2 = vector.load %arg0[%get3A, %get3A_0, %get3A_1] : memref<2x10240x16xf32, #tpu.memory_space<vmem>>, vector<1x10240x1xf32>
    %get3A_3 = vector.shape_cast %get3A_2 : vector<1x10240x1xf32> to vector<10240x1xf32>
    %get3A_4 = arith.constant 1 : index
    %get3A_5 = arith.constant 0 : index
    %get3A_6 = arith.constant 0 : index
    %get3A_7 = vector.load %arg0[%get3A_4, %get3A_5, %get3A_6] : memref<2x10240x16xf32, #tpu.memory_space<vmem>>, vector<1x10240x1xf32>
    %get3A_8 = vector.shape_cast %get3A_7 : vector<1x10240x1xf32> to vector<10240x1xf32>
    %add3A = arith.addf %get3A_3, %get3A_8 : vector<10240x1xf32>
    %max3A = arith.constant 1.000000e+00 : f32
    %max3A_9 = vector.broadcast %max3A : f32 to vector<10240x1xf32>
    %max3A_10 = arith.maximumf %add3A, %max3A_9 : vector<10240x1xf32>
    %get3A_11 = arith.constant 0 : index
    %get3A_12 = arith.constant 0 : index
    %get3A_13 = arith.constant 0 : index
    %get3A_14 = vector.load %arg1[%get3A_11, %get3A_12, %get3A_13] : memref<2x10240x16xf32, #tpu.memory_space<vmem>>, vector<1x10240x1xf32>
    %get3A_15 = vector.shape_cast %get3A_14 : vector<1x10240x1xf32> to vector<10240x1xf32>
    %get3A_16 = arith.constant 1 : index
    %get3A_17 = arith.constant 0 : index
    %get3A_18 = arith.constant 0 : index
    %get3A_19 = vector.load %arg1[%get3A_16, %get3A_17, %get3A_18] : memref<2x10240x16xf32, #tpu.memory_space<vmem>>, vector<1x10240x1xf32>
    %get3A_20 = vector.shape_cast %get3A_19 : vector<1x10240x1xf32> to vector<10240x1xf32>
    %add3A_21 = arith.addf %get3A_15, %get3A_20 : vector<10240x1xf32>
    %max3A_22 = arith.constant 1.000000e+00 : f32
    %max3A_23 = vector.broadcast %max3A_22 : f32 to vector<10240x1xf32>
    %max3A_24 = arith.maximumf %add3A_21, %max3A_23 : vector<10240x1xf32>
    %rsqrt3A = math.rsqrt %max3A_10 : vector<10240x1xf32>
    %rsqrt3A_25 = math.rsqrt %max3A_24 : vector<10240x1xf32>
    %div3A = arith.divf %rsqrt3A_25, %max3A_24 : vector<10240x1xf32>
    %swap3A = arith.constant 0 : index
    %swap3A_26 = arith.constant 0 : index
    %swap3A_27 = vector.load %arg4[%swap3A, %swap3A_26] : memref<10240x1xf32, #tpu.memory_space<vmem>>, vector<10240x1xf32>
    tpu.vector_store %arg4[%swap3A, %swap3A_26], %rsqrt3A {strides = array<i32>} : memref<10240x1xf32, #tpu.memory_space<vmem>>, vector<10240x1xf32>,
    %swap3A_28 = arith.constant 0 : index
    %swap3A_29 = arith.constant 0 : index
    %swap3A_30 = vector.load %arg5[%swap3A_28, %swap3A_29] : memref<10240x1xf32, #tpu.memory_space<vmem>>, vector<10240x1xf32>
    tpu.vector_store %arg5[%swap3A_28, %swap3A_29], %div3A {strides = array<i32>} : memref<10240x1xf32, #tpu.memory_space<vmem>>, vector<10240x1xf32>,
    %broadcast_in_dim3A = vector.shape_cast %rsqrt3A : vector<10240x1xf32> to vector<10240x1xf32>
    %broadcast_in_dim3A_31 = vector.broadcast %broadcast_in_dim3A : vector<10240x1xf32> to vector<10240x16xf32>
    %swap3A_32 = arith.constant 0 : index
    %swap3A_33 = arith.constant 0 : index
    %swap3A_34 = vector.load %arg2[%swap3A_32, %swap3A_33] : memref<10240x16xf32, #tpu.memory_space<vmem>>, vector<10240x16xf32>
    tpu.vector_store %arg2[%swap3A_32, %swap3A_33], %broadcast_in_dim3A_31 {strides = array<i32>} : memref<10240x16xf32, #tpu.memory_space<vmem>>, vector<10240x16xf32>,
    %broadcast_in_dim3A_35 = vector.shape_cast %div3A : vector<10240x1xf32> to vector<10240x1xf32>
    %broadcast_in_dim3A_36 = vector.broadcast %broadcast_in_dim3A_35 : vector<10240x1xf32> to vector<10240x16xf32>
    %swap3A_37 = arith.constant 0 : index
    %swap3A_38 = arith.constant 0 : index
    %swap3A_39 = vector.load %arg3[%swap3A_37, %swap3A_38] : memref<10240x16xf32, #tpu.memory_space<vmem>>, vector<10240x16xf32>
    tpu.vector_store %arg3[%swap3A_37, %swap3A_38], %broadcast_in_dim3A_36 {strides = array<i32>} : memref<10240x16xf32, #tpu.memory_space<vmem>>, vector<10240x16xf32>,
    return
  }
}

module attributes {stable_mosaic.version = 14 : i64} {
  func.func @_mm_body(%arg0: i32, %arg1: memref<1x1000x128xf32, #tpu.memory_space<vmem>>, %arg2: memref<1000x1xf32, #tpu.memory_space<vmem>>, %arg3: memref<128x128xf32, #tpu.memory_space<vmem>>, %arg4: memref<1x128xf32, #tpu.memory_space<vmem>>, %arg5: memref<1000x1xf32, #tpu.memory_space<vmem>>, %arg6: memref<1000x128xf32, #tpu.memory_space<vmem>>) attributes {dimension_semantics = [#tpu.dimension_semantics<arbitrary>], iteration_bounds = array<i64: 10>, scalar_prefetch = 0 : i64, scratch_operands = 0 : i64, tpu.core_type = #tpu.core_type<tc>, window_params = [{transform_indices = @transform_0, window_bounds = array<i64: 1, 1000, 128>}, {transform_indices = @transform_1, window_bounds = array<i64: 1000, 1>}, {pipeline_mode = #tpu.pipeline_mode<synchronous>, transform_indices = @transform_2, window_bounds = array<i64: 128, 128>}, {pipeline_mode = #tpu.pipeline_mode<synchronous>, transform_indices = @transform_3, window_bounds = array<i64: 1, 128>}, {transform_indices = @transform_4, window_bounds = array<i64: 1000, 1>}, {transform_indices = @transform_5, window_bounds = array<i64: 1000, 128>}]} {
    %get3A = arith.constant 0 : index
    %get3A_0 = arith.constant 0 : index
    %get3A_1 = arith.constant 0 : index
    %get3A_2 = vector.load %arg1[%get3A, %get3A_0, %get3A_1] : memref<1x1000x128xf32, #tpu.memory_space<vmem>>, vector<1x1000x128xf32>
    %reduce_sum3A = arith.constant dense<0.000000e+00> : vector<1000x128xf32>
    %reduce_sum3A_3 = vector.multi_reduction <add>, %get3A_2, %reduce_sum3A [0] : vector<1x1000x128xf32> to vector<1000x128xf32>
    %get3A_4 = arith.constant 0 : index
    %get3A_5 = arith.constant 0 : index
    %get3A_6 = vector.load %arg2[%get3A_4, %get3A_5] : memref<1000x1xf32, #tpu.memory_space<vmem>>, vector<1000x1xf32>
    %mul3A = vector.broadcast %get3A_6 : vector<1000x1xf32> to vector<1000x128xf32>
    %mul3A_7 = arith.mulf %reduce_sum3A_3, %mul3A : vector<1000x128xf32>
    %get3A_8 = arith.constant 0 : index
    %get3A_9 = arith.constant 0 : index
    %get3A_10 = vector.load %arg3[%get3A_8, %get3A_9] : memref<128x128xf32, #tpu.memory_space<vmem>>, vector<128x128xf32>
    %dot_general3A = arith.constant dense<0.000000e+00> : vector<1000x128xf32>
    %dot_general3A_11 = tpu.matmul %mul3A_7, %get3A_10, %dot_general3A {dimension_numbers = #tpu.dot_dimension_numbers<[1], [0], [0], [1], [0, 0, 1, 1], [], []>, transpose_lhs_hint = false} : vector<1000x128xf32>, vector<128x128xf32>, vector<1000x128xf32> -> vector<1000x128xf32>
    %get3A_12 = arith.constant 0 : index
    %get3A_13 = arith.constant 0 : index
    %get3A_14 = vector.load %arg4[%get3A_12, %get3A_13] : memref<1x128xf32, #tpu.memory_space<vmem>>, vector<1x128xf32>
    %add3A = vector.broadcast %get3A_14 : vector<1x128xf32> to vector<1000x128xf32>
    %add3A_15 = arith.addf %dot_general3A_11, %add3A : vector<1000x128xf32>
    %get3A_16 = arith.constant 0 : index
    %get3A_17 = arith.constant 0 : index
    %get3A_18 = vector.load %arg5[%get3A_16, %get3A_17] : memref<1000x1xf32, #tpu.memory_space<vmem>>, vector<1000x1xf32>
    %mul3A_19 = vector.broadcast %get3A_18 : vector<1000x1xf32> to vector<1000x128xf32>
    %mul3A_20 = arith.mulf %add3A_15, %mul3A_19 : vector<1000x128xf32>
    %swap3A = arith.constant 0 : index
    %swap3A_21 = arith.constant 0 : index
    %swap3A_22 = vector.load %arg6[%swap3A, %swap3A_21] : memref<1000x128xf32, #tpu.memory_space<vmem>>, vector<1000x128xf32>
    tpu.vector_store %arg6[%swap3A, %swap3A_21], %mul3A_20 {strides = array<i32>} : memref<1000x128xf32, #tpu.memory_space<vmem>>, vector<1000x128xf32>,
    return
  }
  func.func @transform_0(%arg0: i32) -> (i32, i32, i32) {
    %c0_i32 = arith.constant 0 : i32
    %c0_i32_0 = arith.constant 0 : i32
    %c0_i32_1 = arith.constant 0 : i32
    return %c0_i32, %arg0, %c0_i32_0 : i32, i32, i32
  }
  func.func @transform_1(%arg0: i32) -> (i32, i32) {
    %c0_i32 = arith.constant 0 : i32
    %c0_i32_0 = arith.constant 0 : i32
    return %arg0, %c0_i32 : i32, i32
  }
  func.func @transform_2(%arg0: i32) -> (i32, i32) {
    %c0_i32 = arith.constant 0 : i32
    %c0_i32_0 = arith.constant 0 : i32
    %c0_i32_1 = arith.constant 0 : i32
    return %c0_i32, %c0_i32_0 : i32, i32
  }
  func.func @transform_3(%arg0: i32) -> (i32, i32) {
    %c0_i32 = arith.constant 0 : i32
    %c0_i32_0 = arith.constant 0 : i32
    %c0_i32_1 = arith.constant 0 : i32
    return %c0_i32, %c0_i32_0 : i32, i32
  }
  func.func @transform_4(%arg0: i32) -> (i32, i32) {
    %c0_i32 = arith.constant 0 : i32
    %c0_i32_0 = arith.constant 0 : i32
    return %arg0, %c0_i32 : i32, i32
  }
  func.func @transform_5(%arg0: i32) -> (i32, i32) {
    %c0_i32 = arith.constant 0 : i32
    %c0_i32_0 = arith.constant 0 : i32
    return %arg0, %c0_i32 : i32, i32
  }
}

module attributes {stable_mosaic.version = 14 : i64} {
  func.func @_inv_body(%arg0: memref<2x10240x16xf32, #tpu.memory_space<vmem>>, %arg1: memref<2x10240x16xf32, #tpu.memory_space<vmem>>, %arg2: memref<10240x1xf32, #tpu.memory_space<vmem>>, %arg3: memref<10240x1xf32, #tpu.memory_space<vmem>>) attributes {dimension_semantics = [], scalar_prefetch = 0 : i64, scratch_operands = 0 : i64, tpu.core_type = #tpu.core_type<tc>} {
    %get3A = arith.constant 0 : index
    %get3A_0 = arith.constant 0 : index
    %get3A_1 = arith.constant 0 : index
    %get3A_2 = vector.load %arg0[%get3A, %get3A_0, %get3A_1] : memref<2x10240x16xf32, #tpu.memory_space<vmem>>, vector<1x10240x1xf32>
    %get3A_3 = vector.shape_cast %get3A_2 : vector<1x10240x1xf32> to vector<10240x1xf32>
    %get3A_4 = arith.constant 1 : index
    %get3A_5 = arith.constant 0 : index
    %get3A_6 = arith.constant 0 : index
    %get3A_7 = vector.load %arg0[%get3A_4, %get3A_5, %get3A_6] : memref<2x10240x16xf32, #tpu.memory_space<vmem>>, vector<1x10240x1xf32>
    %get3A_8 = vector.shape_cast %get3A_7 : vector<1x10240x1xf32> to vector<10240x1xf32>
    %add3A = arith.addf %get3A_3, %get3A_8 : vector<10240x1xf32>
    %get3A_9 = arith.constant 0 : index
    %get3A_10 = arith.constant 0 : index
    %get3A_11 = arith.constant 0 : index
    %get3A_12 = vector.load %arg1[%get3A_9, %get3A_10, %get3A_11] : memref<2x10240x16xf32, #tpu.memory_space<vmem>>, vector<1x10240x1xf32>
    %get3A_13 = vector.shape_cast %get3A_12 : vector<1x10240x1xf32> to vector<10240x1xf32>
    %get3A_14 = arith.constant 1 : index
    %get3A_15 = arith.constant 0 : index
    %get3A_16 = arith.constant 0 : index
    %get3A_17 = vector.load %arg1[%get3A_14, %get3A_15, %get3A_16] : memref<2x10240x16xf32, #tpu.memory_space<vmem>>, vector<1x10240x1xf32>
    %get3A_18 = vector.shape_cast %get3A_17 : vector<1x10240x1xf32> to vector<10240x1xf32>
    %add3A_19 = arith.addf %get3A_13, %get3A_18 : vector<10240x1xf32>
    %max3A = arith.constant 9.99999996E-13 : f32
    %max3A_20 = vector.broadcast %max3A : f32 to vector<10240x1xf32>
    %max3A_21 = arith.maximumf %add3A, %max3A_20 : vector<10240x1xf32>
    %div3A = arith.constant 1.000000e+00 : f32
    %div3A_22 = vector.broadcast %div3A : f32 to vector<10240x1xf32>
    %div3A_23 = arith.divf %div3A_22, %max3A_21 : vector<10240x1xf32>
    %swap3A = arith.constant 0 : index
    %swap3A_24 = arith.constant 0 : index
    %swap3A_25 = vector.load %arg2[%swap3A, %swap3A_24] : memref<10240x1xf32, #tpu.memory_space<vmem>>, vector<10240x1xf32>
    tpu.vector_store %arg2[%swap3A, %swap3A_24], %div3A_23 {strides = array<i32>} : memref<10240x1xf32, #tpu.memory_space<vmem>>, vector<10240x1xf32>,
    %max3A_26 = arith.constant 9.99999996E-13 : f32
    %max3A_27 = vector.broadcast %max3A_26 : f32 to vector<10240x1xf32>
    %max3A_28 = arith.maximumf %add3A_19, %max3A_27 : vector<10240x1xf32>
    %div3A_29 = arith.constant 1.000000e+00 : f32
    %div3A_30 = vector.broadcast %div3A_29 : f32 to vector<10240x1xf32>
    %div3A_31 = arith.divf %div3A_30, %max3A_28 : vector<10240x1xf32>
    %swap3A_32 = arith.constant 0 : index
    %swap3A_33 = arith.constant 0 : index
    %swap3A_34 = vector.load %arg3[%swap3A_32, %swap3A_33] : memref<10240x1xf32, #tpu.memory_space<vmem>>, vector<10240x1xf32>
    tpu.vector_store %arg3[%swap3A_32, %swap3A_33], %div3A_31 {strides = array<i32>} : memref<10240x1xf32, #tpu.memory_space<vmem>>, vector<10240x1xf32>,
    return
  }
}

module attributes {stable_mosaic.version = 14 : i64} {
  func.func @_mm_body(%arg0: i32, %arg1: memref<2x1000x128xf32, #tpu.memory_space<vmem>>, %arg2: memref<1000x1xf32, #tpu.memory_space<vmem>>, %arg3: memref<128x128xf32, #tpu.memory_space<vmem>>, %arg4: memref<1x128xf32, #tpu.memory_space<vmem>>, %arg5: memref<1000x1xf32, #tpu.memory_space<vmem>>, %arg6: memref<1000x128xf32, #tpu.memory_space<vmem>>) attributes {dimension_semantics = [#tpu.dimension_semantics<arbitrary>], iteration_bounds = array<i64: 10>, scalar_prefetch = 0 : i64, scratch_operands = 0 : i64, tpu.core_type = #tpu.core_type<tc>, window_params = [{transform_indices = @transform_0, window_bounds = array<i64: 2, 1000, 128>}, {transform_indices = @transform_1, window_bounds = array<i64: 1000, 1>}, {pipeline_mode = #tpu.pipeline_mode<synchronous>, transform_indices = @transform_2, window_bounds = array<i64: 128, 128>}, {pipeline_mode = #tpu.pipeline_mode<synchronous>, transform_indices = @transform_3, window_bounds = array<i64: 1, 128>}, {transform_indices = @transform_4, window_bounds = array<i64: 1000, 1>}, {transform_indices = @transform_5, window_bounds = array<i64: 1000, 128>}]} {
    %get3A = arith.constant 0 : index
    %get3A_0 = arith.constant 0 : index
    %get3A_1 = arith.constant 0 : index
    %get3A_2 = vector.load %arg1[%get3A, %get3A_0, %get3A_1] : memref<2x1000x128xf32, #tpu.memory_space<vmem>>, vector<2x1000x128xf32>
    %reduce_sum3A = arith.constant dense<0.000000e+00> : vector<1000x128xf32>
    %reduce_sum3A_3 = vector.multi_reduction <add>, %get3A_2, %reduce_sum3A [0] : vector<2x1000x128xf32> to vector<1000x128xf32>
    %get3A_4 = arith.constant 0 : index
    %get3A_5 = arith.constant 0 : index
    %get3A_6 = vector.load %arg2[%get3A_4, %get3A_5] : memref<1000x1xf32, #tpu.memory_space<vmem>>, vector<1000x1xf32>
    %mul3A = vector.broadcast %get3A_6 : vector<1000x1xf32> to vector<1000x128xf32>
    %mul3A_7 = arith.mulf %reduce_sum3A_3, %mul3A : vector<1000x128xf32>
    %max3A = arith.constant 0.000000e+00 : f32
    %max3A_8 = vector.broadcast %max3A : f32 to vector<1000x128xf32>
    %max3A_9 = arith.maximumf %mul3A_7, %max3A_8 : vector<1000x128xf32>
    %get3A_10 = arith.constant 0 : index
    %get3A_11 = arith.constant 0 : index
    %get3A_12 = vector.load %arg3[%get3A_10, %get3A_11] : memref<128x128xf32, #tpu.memory_space<vmem>>, vector<128x128xf32>
    %dot_general3A = arith.constant dense<0.000000e+00> : vector<1000x128xf32>
    %dot_general3A_13 = tpu.matmul %max3A_9, %get3A_12, %dot_general3A {dimension_numbers = #tpu.dot_dimension_numbers<[1], [0], [0], [1], [0, 0, 1, 1], [], []>, transpose_lhs_hint = false} : vector<1000x128xf32>, vector<128x128xf32>, vector<1000x128xf32> -> vector<1000x128xf32>
    %get3A_14 = arith.constant 0 : index
    %get3A_15 = arith.constant 0 : index
    %get3A_16 = vector.load %arg4[%get3A_14, %get3A_15] : memref<1x128xf32, #tpu.memory_space<vmem>>, vector<1x128xf32>
    %add3A = vector.broadcast %get3A_16 : vector<1x128xf32> to vector<1000x128xf32>
    %add3A_17 = arith.addf %dot_general3A_13, %add3A : vector<1000x128xf32>
    %get3A_18 = arith.constant 0 : index
    %get3A_19 = arith.constant 0 : index
    %get3A_20 = vector.load %arg5[%get3A_18, %get3A_19] : memref<1000x1xf32, #tpu.memory_space<vmem>>, vector<1000x1xf32>
    %mul3A_21 = vector.broadcast %get3A_20 : vector<1000x1xf32> to vector<1000x128xf32>
    %mul3A_22 = arith.mulf %add3A_17, %mul3A_21 : vector<1000x128xf32>
    %swap3A = arith.constant 0 : index
    %swap3A_23 = arith.constant 0 : index
    %swap3A_24 = vector.load %arg6[%swap3A, %swap3A_23] : memref<1000x128xf32, #tpu.memory_space<vmem>>, vector<1000x128xf32>
    tpu.vector_store %arg6[%swap3A, %swap3A_23], %mul3A_22 {strides = array<i32>} : memref<1000x128xf32, #tpu.memory_space<vmem>>, vector<1000x128xf32>,
    return
  }
  func.func @transform_0(%arg0: i32) -> (i32, i32, i32) {
    %c0_i32 = arith.constant 0 : i32
    %c0_i32_0 = arith.constant 0 : i32
    %c0_i32_1 = arith.constant 0 : i32
    return %c0_i32, %arg0, %c0_i32_0 : i32, i32, i32
  }
  func.func @transform_1(%arg0: i32) -> (i32, i32) {
    %c0_i32 = arith.constant 0 : i32
    %c0_i32_0 = arith.constant 0 : i32
    return %arg0, %c0_i32 : i32, i32
  }
  func.func @transform_2(%arg0: i32) -> (i32, i32) {
    %c0_i32 = arith.constant 0 : i32
    %c0_i32_0 = arith.constant 0 : i32
    %c0_i32_1 = arith.constant 0 : i32
    return %c0_i32, %c0_i32_0 : i32, i32
  }
  func.func @transform_3(%arg0: i32) -> (i32, i32) {
    %c0_i32 = arith.constant 0 : i32
    %c0_i32_0 = arith.constant 0 : i32
    %c0_i32_1 = arith.constant 0 : i32
    return %c0_i32, %c0_i32_0 : i32, i32
  }
  func.func @transform_4(%arg0: i32) -> (i32, i32) {
    %c0_i32 = arith.constant 0 : i32
    %c0_i32_0 = arith.constant 0 : i32
    return %arg0, %c0_i32 : i32, i32
  }
  func.func @transform_5(%arg0: i32) -> (i32, i32) {
    %c0_i32 = arith.constant 0 : i32
    %c0_i32_0 = arith.constant 0 : i32
    return %arg0, %c0_i32 : i32, i32
  }
}

module attributes {stable_mosaic.version = 14 : i64} {
  func.func @_scale_body(%arg0: i32, %arg1: memref<2x1000x128xf32, #tpu.memory_space<vmem>>, %arg2: memref<1000x1xf32, #tpu.memory_space<vmem>>, %arg3: memref<1000x128xf32, #tpu.memory_space<vmem>>) attributes {dimension_semantics = [#tpu.dimension_semantics<arbitrary>], iteration_bounds = array<i64: 10>, scalar_prefetch = 0 : i64, scratch_operands = 0 : i64, tpu.core_type = #tpu.core_type<tc>, window_params = [{transform_indices = @transform_0, window_bounds = array<i64: 2, 1000, 128>}, {transform_indices = @transform_1, window_bounds = array<i64: 1000, 1>}, {transform_indices = @transform_2, window_bounds = array<i64: 1000, 128>}]} {
    %get3A = arith.constant 0 : index
    %get3A_0 = arith.constant 0 : index
    %get3A_1 = arith.constant 0 : index
    %get3A_2 = vector.load %arg1[%get3A, %get3A_0, %get3A_1] : memref<2x1000x128xf32, #tpu.memory_space<vmem>>, vector<2x1000x128xf32>
    %reduce_sum3A = arith.constant dense<0.000000e+00> : vector<1000x128xf32>
    %reduce_sum3A_3 = vector.multi_reduction <add>, %get3A_2, %reduce_sum3A [0] : vector<2x1000x128xf32> to vector<1000x128xf32>
    %get3A_4 = arith.constant 0 : index
    %get3A_5 = arith.constant 0 : index
    %get3A_6 = vector.load %arg2[%get3A_4, %get3A_5] : memref<1000x1xf32, #tpu.memory_space<vmem>>, vector<1000x1xf32>
    %mul3A = vector.broadcast %get3A_6 : vector<1000x1xf32> to vector<1000x128xf32>
    %mul3A_7 = arith.mulf %reduce_sum3A_3, %mul3A : vector<1000x128xf32>
    %swap3A = arith.constant 0 : index
    %swap3A_8 = arith.constant 0 : index
    %swap3A_9 = vector.load %arg3[%swap3A, %swap3A_8] : memref<1000x128xf32, #tpu.memory_space<vmem>>, vector<1000x128xf32>
    tpu.vector_store %arg3[%swap3A, %swap3A_8], %mul3A_7 {strides = array<i32>} : memref<1000x128xf32, #tpu.memory_space<vmem>>, vector<1000x128xf32>,
    return
  }
  func.func @transform_0(%arg0: i32) -> (i32, i32, i32) {
    %c0_i32 = arith.constant 0 : i32
    %c0_i32_0 = arith.constant 0 : i32
    %c0_i32_1 = arith.constant 0 : i32
    return %c0_i32, %arg0, %c0_i32_0 : i32, i32, i32
  }
  func.func @transform_1(%arg0: i32) -> (i32, i32) {
    %c0_i32 = arith.constant 0 : i32
    %c0_i32_0 = arith.constant 0 : i32
    return %arg0, %c0_i32 : i32, i32
  }
  func.func @transform_2(%arg0: i32) -> (i32, i32) {
    %c0_i32 = arith.constant 0 : i32
    %c0_i32_0 = arith.constant 0 : i32
    return %arg0, %c0_i32 : i32, i32
  }
}

</mosaic_0001>

<sc_bundles>
// kernel: kernel.15.cloned.1.call-start
scs
__scs_entry_jumppad:
0x0: {  	(pc) =	sbr.rel $0x88, $3  }
0x1: {  	(tag) =	ssettag $0x0;
	lr =	simm.s32 $0x1  }
0x2: {  	[smem:$0x3F97] =	sst lr;
	_ =	strace $0xD0000000  }
0x3: {  	_ = 	snop  }
0x4: {  	_ = 	snop  }
0x5: {  	_ = 	snop  }
0x6: {  	_ = 	snop  }
0x7: {  	_ = 	snop  }
__scs_overlays_trampoline_lowered:
0x8: {  	[smem:$0x3FA6] =	sst s0  }
0x9: {  	[smem:$0x3FA7] =	sst s1  }
0xa: {  	[smem:$0x3FA8] =	sst s2  }
0xb: {  	[smem:$0x3FA9] =	sst s3  }
0xc: {  	[smem:$0x3FAA] =	sst s4  }
0xd: {  	[smem:$0x3FAB] =	sst s5  }
0xe: {  	[smem:$0x3FAC] =	sst s6  }
0xf: {  	[smem:$0x3FAD] =	sst s7  }
0x10: {  	[smem:$0x3FAE] =	sst s8  }
0x11: {  	[smem:$0x3FAF] =	sst s9;
	s0 =	simm.s32 @!p0 $0x0  }
0x12: {  	s1 =	sld [smem:$0x3F95];
	s0 =	simm.s32 @p0 $0x1  }
0x13: {  	[smem:$0x3FB0] =	sst s0;
	s0 =	simm.s32 @!p1 $0x0  }
0x14: {  	s2 =	sld [smem:$0x3F94];
	s0 =	simm.s32 @p1 $0x1  }
0x15: {  	[smem:$0x3FB1] =	sst s0;
	s0 =	simm.s32 @!p2 $0x0  }
0x16: {  	s3 =	sld [smem:$0x3FDB];
	s0 =	simm.s32 @p2 $0x1  }
0x17: {  	s4 =	simm.s32 $0x1BF5;
	[smem:$0x3FB3] =	sst s0  }
0x18: {  	s0 =	sld [smem:$0x3F96];
	_ =	swait.ge [sflag:s4], $0x0  }
0x19: {  	s7 =	sld [smem:$0x3F97]  }
0x1a: {  	s8 =	sadd.s32 $0xFFFFE003, lr  }
0x1b: {  	s9 =	sadd.s32 $0xFFFFFEF7, lr;
	s5 =	simm.s32 $0xFFFFFFFF;
	p2 =	slt.u32 s8, $0xFFFFF086  }
0x1c: {  	p1 =	slt.u32 s9, $0xF7A;
	s5 =	simm.s32 @!p2 $0x0  }
0x1d: {  	s5 =	simm.s32 @p1 $0x1;
	p0 =	seq.s32 s7, s2  }
0x1e: {  	s7 =	smul.u32 @!p0 $0xF7A, s2;
	p2 =	seq.s32 @!p0 s5, $0x0  }
0x1f: {  	s9 =	smul.u32 $0xF7A, s1;
	s8 =	simm.s32 @!p0 $0x1BF5;
	p2 =	por !p2, p0  }
0x20: {  	[sflag:s8] =	ssyncset.s32 @!p0 $0xFFFFF086;
	s6 =	sadd.s32 @!p0 s3, s7;
	s7 =	simm.s32 @!p0 $0x108  }
0x21: {  	s3 =	sadd.s32 s3, s9;
	s6 =	sadd.s32 @!p0 $0x88, s6;
	s7 =	simm.s32 @p2 $0x1082  }
0x22: {  	[simem:s7], [sflag:s8] =	dma.local @!p0 [hbm:s6], $0xF7A  }
0x23: {  	s9 =	sor.u32 $0xD0000000, s2;
	s6 =	simm.s32 $0x108;
	_ =	swait.ge @!p0 [sflag:s8], $0x0  }
0x24: {  	s3 =	sadd.s32 $0x88, s3;
	s6 =	simm.s32 @!p1 $0x1082;
	[sflag:s4] =	ssyncset.s32 $0xFFFFF086  }
0x25: {  	[simem:s6], [sflag:s4] =	dma.local [hbm:s3], $0xF7A  }
0x26: {  	[smem:$0x3F97] =	sst s1;
	(tag) =	ssettag s2;
	_ =	strace s9  }
0x27: {  	s1 =	sld [smem:$0x3FA7]  }
0x28: {  	s2 =	sld [smem:$0x3FA8]  }
0x29: {  	s4 =	sld [smem:$0x3FAA]  }
0x2a: {  	p0 =	seq.s32 s5, $0x0;
	s5 =	sld [smem:$0x3FAB]  }
0x2b: {  	s6 =	sld [smem:$0x3FAC]  }
0x2c: {  	s7 =	sld [smem:$0x3FAD]  }
0x2d: {  	s3 =	simm.s32 $0x108;
	s8 =	sld [smem:$0x3FAE]  }
0x2e: {  	s3 =	simm.s32 @!p0 $0x1082;
	s9 =	sld [smem:$0x3FAF]  }
0x2f: {  	lr =	sadd.s32 s0, s3;
	s0 =	sld [smem:$0x3FA6]  }
0x30: {  	s3 =	sld [smem:$0x3FA9]  }
0x31: {  	[smem:$0x3FB2] =	sst s10  }
0x32: {  	s10 =	sld [smem:$0x3FB0];
	_ =	sdelay $0x3  }
0x33: {  	p0 =	seq.s32 s10, $0x1;
	s10 =	sld [smem:$0x3FB2];
	_ =	sdelay $0x3  }
0x34: {  	[smem:$0x3FB2] =	sst s10  }
0x35: {  	s10 =	sld [smem:$0x3FB1];
	_ =	sdelay $0x3  }
0x36: {  	p1 =	seq.s32 s10, $0x1;
	s10 =	sld [smem:$0x3FB2];
	_ =	sdelay $0x3  }
0x37: {  	[smem:$0x3FB2] =	sst s10  }
0x38: {  	s10 =	sld [smem:$0x3FB3]  }
0x39: {  	_ = 	snop;
	(pc) =	sbr.ind lr, $3  }
0x3a: {  	_ = 	snop  }
0x3b: {  	_ = 	snop  }
0x3c: {  	p2 =	seq.s32 s10, $0x1;
	s10 =	sld [smem:$0x3FB2]  }
0x3d: {  	_ =	shalt  }
0x3e: {  	_ =	shalt  }
0x3f: {  	_ =	shalt  }
0x40: {  	_ =	shalt  }
0x41: {  	_ =	shalt  }
0x42: {  	_ =	shalt  }
0x43: {  	_ =	shalt  }
0x44: {  	_ =	shalt  }
0x45: {  	_ =	shalt  }
0x46: {  	_ =	shalt  }
0x47: {  	_ =	shalt  }
0x48: {  	_ =	shalt  }
0x49: {  	_ =	shalt  }
0x4a: {  	_ =	shalt  }
0x4b: {  	_ =	shalt  }
0x4c: {  	_ =	shalt  }
0x4d: {  	_ =	shalt  }
0x4e: {  	_ =	shalt  }
0x4f: {  	_ =	shalt  }
0x50: {  	_ =	shalt  }
0x51: {  	_ =	shalt  }
0x52: {  	_ =	shalt  }
0x53: {  	_ =	shalt  }
0x54: {  	_ =	shalt  }
0x55: {  	_ =	shalt  }
0x56: {  	_ =	shalt  }
0x57: {  	_ =	shalt  }
0x58: {  	_ =	shalt  }
0x59: {  	_ =	shalt  }
0x5a: {  	_ =	shalt  }
0x5b: {  	_ =	shalt  }
0x5c: {  	_ =	shalt  }
0x5d: {  	_ =	shalt  }
0x5e: {  	_ =	shalt  }
0x5f: {  	_ =	shalt  }
0x60: {  	_ =	shalt  }
0x61: {  	_ =	shalt  }
0x62: {  	_ =	shalt  }
0x63: {  	_ =	shalt  }
0x64: {  	_ =	shalt  }
0x65: {  	_ =	shalt  }
0x66: {  	_ =	shalt  }
0x67: {  	_ =	shalt  }
0x68: {  	_ =	shalt  }
0x69: {  	_ =	shalt  }
0x6a: {  	_ =	shalt  }
0x6b: {  	_ =	shalt  }
0x6c: {  	_ =	shalt  }
0x6d: {  	_ =	shalt  }
0x6e: {  	_ =	shalt  }
0x6f: {  	_ =	shalt  }
0x70: {  	_ =	shalt  }
0x71: {  	_ =	shalt  }
0x72: {  	_ =	shalt  }
0x73: {  	_ =	shalt  }
0x74: {  	_ =	shalt  }
0x75: {  	_ =	shalt  }
0x76: {  	_ =	shalt  }
0x77: {  	_ =	shalt  }
0x78: {  	_ =	shalt  }
0x79: {  	_ =	shalt  }
0x7a: {  	_ =	shalt  }
0x7b: {  	_ =	shalt  }
0x7c: {  	_ =	shalt  }
0x7d: {  	_ =	shalt  }
0x7e: {  	_ =	shalt  }
0x7f: {  	_ =	shalt  }
0x80: {  	_ =	shalt  }
0x81: {  	_ =	shalt  }
0x82: {  	_ =	shalt  }
0x83: {  	_ =	shalt  }
0x84: {  	_ =	shalt  }
0x85: {  	_ =	shalt  }
0x86: {  	_ =	shalt  }
0x87: {  	_ =	shalt  }
.Lfunc_end0:
.L_simem_size_0:
called_computation_lowered:
.L_overlay_start_0:
0x88: {  	s2 =	sld [smem:$0x3FD9]  }
0x89: {  	s3 =	sld [smem:$0x3FFE];
	_ =	sdelay $0x1  }
0x8a: {  	s1 =	srdreg.scid  }
0x8b: {  	s0 =	sand.u32 $0x1, s1  }
0x8c: {  	s17 =	sshll.u32 s0, $0xA;
	s2 =	sadd.s32 s3, s2  }
0x8d: {  	s2 =	sadd.s32 s2, s17  }
0x8e: {  	[smem:$0x3FBE] =	sst s2  }
0x8f: {  	_ = 	snop  }
0x90: {  	s2 =	sld [smem:$0x3FD0];
	(tm) =	ssettm $0x1  }
0x91: {  	s18 =	sld [smem:$0x3FFB];
	_ =	sdelay $0x3  }
0x92: {  	_ =	strace s18  }
0x93: {  	s3 =	sld [smem:$0x3FFC];
	_ =	sdelay $0x3  }
0x94: {  	_ =	strace s3  }
0x95: {  	s3 =	sld [smem:$0x3FFD];
	_ =	sdelay $0x3  }
0x96: {  	_ =	strace s3  }
0x97: {  	_ =	strace $0x8FFFFFFF  }
0x98: {  	s19 =	sld [smem:$0x3FDB];
	_ =	sdelay $0x1  }
0x99: {  	s4 =	simm.s32 $_scs_section_size  }
0x9a: {  	s5 =	simm.s32 $_size__tile_overlayer_lowered;
	s6 =	simm.s32 $_tile_overlayer_lowered  }
0x9b: {  	s22 =	simm.s32 $0x1BFF;
	s21 =	sshll.u32 s6, $0x1;
	s3 =	sadd.s32 s4, s19  }
0x9c: {  	s7 =	simm.s32 $0x0;
	s20 =	sshll.u32 s5, $0x1;
	s5 =	sadd.s32 s21, s3  }
0x9d: {  	[timem:s7], [sflag:s22] =	dma.local [hbm:s5], s20  }
0x9e: {  	_ =	swait.ge [sflag:s22], s20  }
0x9f: {  	s4 =	ssub.s32 $0x0, s20;
	[sflag:s22] =	ssyncset.done $0x0  }
0xa0: {  	[sflag:s22] =	ssyncadd.s32 s4;
	_ =	sdelay $0x1  }
0xa1: {  	s23 =	simm.s32 $0x1B8B  }
0xa2: {  	_ =	swait.ge [sflag:s23], $0x1  }
0xa3: {  	[sflag:s23] =	ssyncset.done $0x0  }
0xa4: {  	s25 =	simm.s32 $0x1B8E;
	s24 =	sld [smem:$0x3FFE];
	[sflag:s23] =	ssyncadd.s32 $0xFFFFFFFF  }
0xa5: {  	s26 =	simm.s32 $execute0_lowered;
	[smem:$0x3FD2] =	sst s25  }
0xa6: {  	s5 =	sshll.u32 s26, $0x1;
	_ =	strace $0x80000046;
	[dreg:$0x1] =	wrdreg $0xFFFFFFFF  }
0xa7: {  	s28 =	simm.s32 $_size_execute0_lowered;
	s3 =	sadd.s32 s3, s5;
	[dreg:$0x0] =	wrdreg $0x0  }
0xa8: {  	s5 =	sshll.u32 s28, $0x1;
	[dreg:$0x2] =	wrdreg s3  }
0xa9: {  	[dreg:$0x3] =	wrdreg s5  }
0xaa: {  	[dreg:$0x4] =	wrdreg $0xC0  }
0xab: {  	_ =	task [dreg:s7], $0x5FFFF  }
0xac: {  	[dreg:$0x1] =	wrdreg $0xFFFFFFFF  }
0xad: {  	[dreg:$0x0] =	wrdreg $0x60  }
0xae: {  	[dreg:$0x2] =	wrdreg s24  }
0xaf: {  	[dreg:$0x3] =	wrdreg s2  }
0xb0: {  	[dreg:$0x4] =	wrdreg $0x58000  }
0xb1: {  	[dreg:$0x5] =	wrdreg $0x80000  }
0xb2: {  	[dreg:$0x6] =	wrdreg $0x9  }
0xb3: {  	_ =	task.clear_ibuf [dreg:s7], $0x7FFFF;
	_ =	strace $0x90000046  }
0xb4: {  	s29 =	simm.s32 $0x9;
	_ =	strace $0x80000048  }
0xb5: {  	_ =	swait.ge [sflag:s29], $0x1  }
0xb6: {  	[sflag:s29] =	ssyncadd.s32 $0xFFFFFFFF  }
0xb7: {  	_ =	strace $0x90000048  }
0xb8: {  	_ =	sfence  }
0xb9: {  	s30 =	sld [smem:$0x0];
	_ =	sdelay $0x2  }
0xba: {  	s31 =	sshll.u32 s1, $0xD;
	s1 =	sshrl.u32 s1, $0x2  }
0xbb: {  	s3 =	sand.u32 $0x4000, s31;
	s1 =	sadd.s32 s1, s30  }
0xbc: {  	s0 =	sor.u32 s3, s0;
	s1 =	sshll.u32 s1, $0x11  }
0xbd: {  	s0 =	sor.u32 s1, s0  }
0xbe: {  	s0 =	sadd.s32 $0x8F2B, s0  }
0xbf: {  	[sflag:s0] =	ssyncadd.remote.s32 $0x1  }
0xc0: {  	_ =	sfence.sel $0xFFFF  }
0xc1: {  	[dreg:$0x0] =	wrdreg $0xFFFFFFFF;
	(pc) =	sbr.abs _section_cstart, $3  }
0xc2: {  	[dreg:$0x1] =	wrdreg $0xFFFFFFFF  }
0xc3: {  	_ =	task.clear_ibuf [dreg:s7], $0x2FFFF;
	_ =	strace $0x9FFFFFFF  }
0xc4: {  	(tm) =	ssettm $0x7FFFFFFF  }
0xc5: {  	_ =	shalt  }
tec
execute0_lowered:
.L_overlay_start_1:
0x0: {  	(tag) =	ssettag $0x1  }
0x1: {  	s7 =	rddreg [dreg:$0x0]  }
0x2: {  	s1 =	srdreg.scid;
	s9 =	rddreg [dreg:$0x1]  }
0x3: {  	s0 =	stileid.u32;
	s2 =	rddreg [dreg:$0x2]  }
0x4: {  	s3 =	rddreg [dreg:$0x3];
	s4 =	simm.s32 $0x0;
	s18 =	simm.s32 $0x80  }
0x5: {  	s19 =	simm.s32 $0x0;
	s6 =	sand.u32 $0x1, s1;
	s30 =	sshll.u32 s0, $0x1  }
0x6: {  	s10 =	smul.u32 $0x2800, s0;
	[smem:$0x7FF] =	sst s4;
	s15 =	sshll.u32 s0, $0x6  }
0x7: {  	s1 =	sor.u32 s6, s30;
	s8 =	smul.u32 $0x28000, s6;
	s12 =	ssub.s32 $0x2, s6  }
0x8: {  	s6 =	sadd.s32 $0x59200, s7;
	s15 =	sor.u32 $0x1C01, s15;
	s5 =	smul.u32 $0x500, s1  }
0x9: {  	s1 =	rddreg [dreg:$0x4];
	_ =	strace $0x80000047;
	s31 =	sshrl.u32 s12, $0x1  }
0xa: {  	s16 =	sadd.s32 s10, s2;
	s17 =	sadd.s32 s10, s3;
	s8 =	sadd.s32 s10, s8  }
0xb: {  	s12 =	ssub.s32 s12, s31;
	s16 =	sshrl.u32 s16, $0x3;
	s17 =	sshrl.u32 s17, $0x3  }
0xc: {  	s11 =	sadd.s32 s5, s7;
	s5 =	sadd.s32 $0x59800, s7;
	s13 =	sshrl.u32 s8, $0x3  }
0xd: {  	s14 =	sadd.s32 s13, s7;
	s7 =	sadd.s32 $0x2F200, s11;
	s8 =	sadd.s32 $0xFA00, s11  }
0xe: {  	s9 =	sadd.s32 s9, s13;
	s11 =	smax.u32 s12, $0x1;
	s12 =	simm.s32 $0x1  }
0xf: {  	s13 =	simm.s32 $0x2800;
	s10 =	sadd.s32 $0x59A00, s14;
	s14 =	simm.s32 $0x5000  }
.LBB2_1:
0x10: {  	[tilespmem:s4], [sflag:$0x1] =	stream.linear.gather [hbm4b:s7+s4], $0x2800, $0x38;
	[tilespmem:$0xA800] =	vst v63  }
0x11: {  	_ =	swait.ge [sflag:s12], $0x2800  }
0x12: {  	[sflag:s12] =	ssyncset.done $0x0  }
0x13: {  	[sflag:s12] =	ssyncadd.s32 $0xFFFFD800  }
0x14: {  	[tilespmem:s13], [sflag:$0x1] =	stream.linear.gather [hbm4b:s8+s4], $0x2800, $0x38;
	[tilespmem:$0xA800] =	vst v63  }
0x15: {  	_ =	swait.ge [sflag:s12], $0x2800  }
0x16: {  	[sflag:s12] =	ssyncset.done $0x0  }
0x17: {  	[sflag:s12] =	ssyncadd.s32 $0xFFFFD800  }
0x18: {  	[tilespmem:s14], [sflag:$0x1] =	stream.linear.gather [hbm4b:s5+s4], $0x800, $0x38;
	[tilespmem:$0xA800] =	vst v63  }
0x19: {  	_ =	swait.ge [sflag:s12], $0x800  }
0x1a: {  	[sflag:s12] =	ssyncset.done $0x0  }
0x1b: {  	[sflag:s12] =	ssyncadd.s32 $0xFFFFF800  }
0x1c: {  	[spmem:s16], [sflag:s15] =	dma.local [hbm:s6], $0x500  }
0x1d: {  	_ =	swait.ge [sflag:s12], $0x500  }
0x1e: {  	[sflag:s12] =	ssyncset.done $0x0  }
0x1f: {  	[sflag:s12] =	ssyncadd.s32 $0xFFFFFB00  }
0x20: {  	[spmem:s17], [sflag:s15] =	dma.local [hbm:s6], $0x500  }
0x21: {  	_ =	swait.ge [sflag:s12], $0x500  }
0x22: {  	[sflag:s12] =	ssyncset.done $0x0  }
0x23: {  	[sflag:s12] =	ssyncadd.s32 $0xFFFFFB00  }
0x24: {  	s20 =	simm.s32 $0x0;
	[bflag:$0x0] =	sbarrier.arrive $0xFFFF  }
0x25: {  	[spmem:s2] =	stream.indirect.scatter.add.f32 [tilespmem:s14], [sflag:$0x1], $0x10, s20, s18, $0xb8;
	[tilespmem:$0xA800] =	vst v63  }
0x26: {  	_ =	swait.ge [sflag:s12], $0x800  }
0x27: {  	[sflag:s12] =	ssyncset.done $0x0  }
0x28: {  	s31 =	simm.s32 $0x2800;
	[sflag:s12] =	ssyncadd.s32 $0xFFFFF800  }
0x29: {  	[spmem:s3] =	stream.indirect.scatter.add.f32 [tilespmem:s14], [sflag:$0x1], $0x10, s31, s18, $0xb8;
	[tilespmem:$0xA800] =	vst v63  }
0x2a: {  	_ =	swait.ge [sflag:s12], $0x800  }
0x2b: {  	s21 =	simm.s32 $0x400;
	s20 =	simm.s32 $0x200;
	[sflag:s12] =	ssyncset.done $0x0  }
.LBB2_2:
0x2c: {  	s22 =	sshra.s32 s20, $0x2  }
0x2d: {  	[sflag:s12] =	ssyncadd.s32 $0xFFFFF800;
	s20 =	smov.u32 s21;
	s23 =	sadd.s32 $0x200, s21  }
0x2e: {  	[spmem:s2] =	stream.indirect.scatter.add.f32 [tilespmem:s14], [sflag:$0x1], $0x10, s22, s18, $0xb8;
	[tilespmem:$0xA800] =	vst v63  }
0x2f: {  	p0 =	sne.s32 s21, $0x9E00;
	_ =	swait.ge [sflag:s12], $0x800  }
.Ltmp0:
0x30: {  	[sflag:s12] =	ssyncset.done $0x0;
	(pc) =	sbr.rel @p0 .LBB2_2-.Ltmp0, $4  }
0x31: {  	s21 =	sadd.s32 $0x2800, s22;
	[sflag:s12] =	ssyncadd.s32 $0xFFFFF800  }
0x32: {  	[spmem:s3] =	stream.indirect.scatter.add.f32 [tilespmem:s14], [sflag:$0x1], $0x10, s21, s18, $0xb8;
	[tilespmem:$0xA800] =	vst v63  }
0x33: {  	_ =	swait.ge [sflag:s12], $0x800  }
0x34: {  	s21 =	smov.u32 s23;
	[sflag:s12] =	ssyncset.done $0x0  }
0x35: {  	s20 =	sshra.s32 s20, $0x2;
	[sflag:s12] =	ssyncadd.s32 $0xFFFFF800  }
0x36: {  	[spmem:s2] =	stream.indirect.scatter.add.f32 [tilespmem:s14], [sflag:$0x1], $0x10, s20, s18, $0xb8;
	[tilespmem:$0xA800] =	vst v63  }
0x37: {  	_ =	swait.ge [sflag:s12], $0x800  }
0x38: {  	[sflag:s12] =	ssyncset.done $0x0  }
0x39: {  	s20 =	sadd.s32 $0x2800, s20;
	[sflag:s12] =	ssyncadd.s32 $0xFFFFF800  }
0x3a: {  	[spmem:s3] =	stream.indirect.scatter.add.f32 [tilespmem:s14], [sflag:$0x1], $0x10, s20, s18, $0xb8;
	[tilespmem:$0xA800] =	vst v63  }
0x3b: {  	_ =	swait.ge [sflag:s12], $0x800  }
0x3c: {  	[sflag:s12] =	ssyncset.done $0x0  }
0x3d: {  	[sflag:s12] =	ssyncadd.s32 $0xFFFFF800  }
0x3e: {  	[bflag:$0x0] =	sbarrier.arrive $0xFFFF  }
0x3f: {  	[hbm:s9], [sflag:s15] =	dma.local [spmem:s16], $0x500  }
0x40: {  	s19 =	sadd.s32 $0x1, s19;
	_ =	swait.ge [sflag:s12], $0x500  }
0x41: {  	p0 =	sne.s32 s19, s11;
	[sflag:s12] =	ssyncset.done $0x0  }
.Ltmp1:
0x42: {  	[sflag:s12] =	ssyncadd.s32 $0xFFFFFB00;
	(pc) =	sbr.rel @p0 .LBB2_1-.Ltmp1, $4  }
0x43: {  	[hbm:s10], [sflag:s15] =	dma.local [spmem:s17], $0x500  }
0x44: {  	_ =	swait.ge [sflag:s12], $0x500  }
0x45: {  	[sflag:s12] =	ssyncset.done $0x0  }
0x46: {  	[sflag:s12] =	ssyncadd.s32 $0xFFFFFB00  }
0x47: {  	_ =	sfence.sel $0x180000  }
0x48: {  	[bflag:$0x0] =	sbarrier.arrive $0xFFFF  }
0x49: {  	p0 =	sne.s32 s0, $0x0;
	_ =	strace $0x90000047  }
0x4a: {  	s0 =	sadd.s32 @!p0 $0x100000, s1;
	[bflag:$0x2] =	sbarrier.arrive $0xFFFF  }
0x4b: {  	[sflag:s0] =	ssyncadd.tile.s32 @!p0 $0x1;
	_ =	shalt  }
.Lfunc_end2:
_tile_overlayer_lowered:
.L_overlay_start_2:
0x4c: {  	(tag) =	ssettag $0x2  }
0x4d: {  	s0 =	rddreg [dreg:$0x0];
	s2 =	stileid.u32  }
0x4e: {  	s1 =	rddreg [dreg:$0x1];
	p0 =	sne.s32 s2, $0x0  }
0x4f: {  	s3 =	rddreg [dreg:$0x2];
	[bflag:$0x3] =	sbarrier.arrive $0xFFFF;
	s2 =	simm.s32 @!p0 $0x1C01  }
0x50: {  	[timem:s3], [sflag:s2] =	dma.local @!p0 [hbm:s0], s1  }
0x51: {  	s0 =	simm.s32 @!p0 $0x1  }
0x52: {  	_ =	swait.ge @!p0 [sflag:s0], s1  }
0x53: {  	s1 =	ssub.s32 @!p0 $0x0, s1;
	[sflag:s0] =	ssyncset.done @!p0 $0x0  }
0x54: {  	[sflag:s0] =	ssyncadd.s32 @!p0 s1  }
0x55: {  	[bflag:$0x3] =	sbarrier.arrive $0xFFFF  }
0x56: {  	_ =	shalt  }

// kernel: kernel.18.cloned.1.call-start
scs
__scs_entry_jumppad:
0x0: {  	(pc) =	sbr.rel $0x88, $3  }
0x1: {  	(tag) =	ssettag $0x0;
	lr =	simm.s32 $0x1  }
0x2: {  	[smem:$0x3F97] =	sst lr;
	_ =	strace $0xD0000000  }
0x3: {  	_ = 	snop  }
0x4: {  	_ = 	snop  }
0x5: {  	_ = 	snop  }
0x6: {  	_ = 	snop  }
0x7: {  	_ = 	snop  }
__scs_overlays_trampoline_lowered:
0x8: {  	[smem:$0x3FA6] =	sst s0  }
0x9: {  	[smem:$0x3FA7] =	sst s1  }
0xa: {  	[smem:$0x3FA8] =	sst s2  }
0xb: {  	[smem:$0x3FA9] =	sst s3  }
0xc: {  	[smem:$0x3FAA] =	sst s4  }
0xd: {  	[smem:$0x3FAB] =	sst s5  }
0xe: {  	[smem:$0x3FAC] =	sst s6  }
0xf: {  	[smem:$0x3FAD] =	sst s7  }
0x10: {  	[smem:$0x3FAE] =	sst s8  }
0x11: {  	[smem:$0x3FAF] =	sst s9;
	s0 =	simm.s32 @!p0 $0x0  }
0x12: {  	s1 =	sld [smem:$0x3F95];
	s0 =	simm.s32 @p0 $0x1  }
0x13: {  	[smem:$0x3FB0] =	sst s0;
	s0 =	simm.s32 @!p1 $0x0  }
0x14: {  	s2 =	sld [smem:$0x3F94];
	s0 =	simm.s32 @p1 $0x1  }
0x15: {  	[smem:$0x3FB1] =	sst s0;
	s0 =	simm.s32 @!p2 $0x0  }
0x16: {  	s3 =	sld [smem:$0x3FDB];
	s0 =	simm.s32 @p2 $0x1  }
0x17: {  	s4 =	simm.s32 $0x1BF5;
	[smem:$0x3FB3] =	sst s0  }
0x18: {  	s0 =	sld [smem:$0x3F96];
	_ =	swait.ge [sflag:s4], $0x0  }
0x19: {  	s7 =	sld [smem:$0x3F97]  }
0x1a: {  	s8 =	sadd.s32 $0xFFFFE003, lr  }
0x1b: {  	s9 =	sadd.s32 $0xFFFFFEF7, lr;
	s5 =	simm.s32 $0xFFFFFFFF;
	p2 =	slt.u32 s8, $0xFFFFF086  }
0x1c: {  	p1 =	slt.u32 s9, $0xF7A;
	s5 =	simm.s32 @!p2 $0x0  }
0x1d: {  	s5 =	simm.s32 @p1 $0x1;
	p0 =	seq.s32 s7, s2  }
0x1e: {  	s7 =	smul.u32 @!p0 $0xF7A, s2;
	p2 =	seq.s32 @!p0 s5, $0x0  }
0x1f: {  	s9 =	smul.u32 $0xF7A, s1;
	s8 =	simm.s32 @!p0 $0x1BF5;
	p2 =	por !p2, p0  }
0x20: {  	[sflag:s8] =	ssyncset.s32 @!p0 $0xFFFFF086;
	s6 =	sadd.s32 @!p0 s3, s7;
	s7 =	simm.s32 @!p0 $0x108  }
0x21: {  	s3 =	sadd.s32 s3, s9;
	s6 =	sadd.s32 @!p0 $0x88, s6;
	s7 =	simm.s32 @p2 $0x1082  }
0x22: {  	[simem:s7], [sflag:s8] =	dma.local @!p0 [hbm:s6], $0xF7A  }
0x23: {  	s9 =	sor.u32 $0xD0000000, s2;
	s6 =	simm.s32 $0x108;
	_ =	swait.ge @!p0 [sflag:s8], $0x0  }
0x24: {  	s3 =	sadd.s32 $0x88, s3;
	s6 =	simm.s32 @!p1 $0x1082;
	[sflag:s4] =	ssyncset.s32 $0xFFFFF086  }
0x25: {  	[simem:s6], [sflag:s4] =	dma.local [hbm:s3], $0xF7A  }
0x26: {  	[smem:$0x3F97] =	sst s1;
	(tag) =	ssettag s2;
	_ =	strace s9  }
0x27: {  	s1 =	sld [smem:$0x3FA7]  }
0x28: {  	s2 =	sld [smem:$0x3FA8]  }
0x29: {  	s4 =	sld [smem:$0x3FAA]  }
0x2a: {  	p0 =	seq.s32 s5, $0x0;
	s5 =	sld [smem:$0x3FAB]  }
0x2b: {  	s6 =	sld [smem:$0x3FAC]  }
0x2c: {  	s7 =	sld [smem:$0x3FAD]  }
0x2d: {  	s3 =	simm.s32 $0x108;
	s8 =	sld [smem:$0x3FAE]  }
0x2e: {  	s3 =	simm.s32 @!p0 $0x1082;
	s9 =	sld [smem:$0x3FAF]  }
0x2f: {  	lr =	sadd.s32 s0, s3;
	s0 =	sld [smem:$0x3FA6]  }
0x30: {  	s3 =	sld [smem:$0x3FA9]  }
0x31: {  	[smem:$0x3FB2] =	sst s10  }
0x32: {  	s10 =	sld [smem:$0x3FB0];
	_ =	sdelay $0x3  }
0x33: {  	p0 =	seq.s32 s10, $0x1;
	s10 =	sld [smem:$0x3FB2];
	_ =	sdelay $0x3  }
0x34: {  	[smem:$0x3FB2] =	sst s10  }
0x35: {  	s10 =	sld [smem:$0x3FB1];
	_ =	sdelay $0x3  }
0x36: {  	p1 =	seq.s32 s10, $0x1;
	s10 =	sld [smem:$0x3FB2];
	_ =	sdelay $0x3  }
0x37: {  	[smem:$0x3FB2] =	sst s10  }
0x38: {  	s10 =	sld [smem:$0x3FB3]  }
0x39: {  	_ = 	snop;
	(pc) =	sbr.ind lr, $3  }
0x3a: {  	_ = 	snop  }
0x3b: {  	_ = 	snop  }
0x3c: {  	p2 =	seq.s32 s10, $0x1;
	s10 =	sld [smem:$0x3FB2]  }
0x3d: {  	_ =	shalt  }
0x3e: {  	_ =	shalt  }
0x3f: {  	_ =	shalt  }
0x40: {  	_ =	shalt  }
0x41: {  	_ =	shalt  }
0x42: {  	_ =	shalt  }
0x43: {  	_ =	shalt  }
0x44: {  	_ =	shalt  }
0x45: {  	_ =	shalt  }
0x46: {  	_ =	shalt  }
0x47: {  	_ =	shalt  }
0x48: {  	_ =	shalt  }
0x49: {  	_ =	shalt  }
0x4a: {  	_ =	shalt  }
0x4b: {  	_ =	shalt  }
0x4c: {  	_ =	shalt  }
0x4d: {  	_ =	shalt  }
0x4e: {  	_ =	shalt  }
0x4f: {  	_ =	shalt  }
0x50: {  	_ =	shalt  }
0x51: {  	_ =	shalt  }
0x52: {  	_ =	shalt  }
0x53: {  	_ =	shalt  }
0x54: {  	_ =	shalt  }
0x55: {  	_ =	shalt  }
0x56: {  	_ =	shalt  }
0x57: {  	_ =	shalt  }
0x58: {  	_ =	shalt  }
0x59: {  	_ =	shalt  }
0x5a: {  	_ =	shalt  }
0x5b: {  	_ =	shalt  }
0x5c: {  	_ =	shalt  }
0x5d: {  	_ =	shalt  }
0x5e: {  	_ =	shalt  }
0x5f: {  	_ =	shalt  }
0x60: {  	_ =	shalt  }
0x61: {  	_ =	shalt  }
0x62: {  	_ =	shalt  }
0x63: {  	_ =	shalt  }
0x64: {  	_ =	shalt  }
0x65: {  	_ =	shalt  }
0x66: {  	_ =	shalt  }
0x67: {  	_ =	shalt  }
0x68: {  	_ =	shalt  }
0x69: {  	_ =	shalt  }
0x6a: {  	_ =	shalt  }
0x6b: {  	_ =	shalt  }
0x6c: {  	_ =	shalt  }
0x6d: {  	_ =	shalt  }
0x6e: {  	_ =	shalt  }
0x6f: {  	_ =	shalt  }
0x70: {  	_ =	shalt  }
0x71: {  	_ =	shalt  }
0x72: {  	_ =	shalt  }
0x73: {  	_ =	shalt  }
0x74: {  	_ =	shalt  }
0x75: {  	_ =	shalt  }
0x76: {  	_ =	shalt  }
0x77: {  	_ =	shalt  }
0x78: {  	_ =	shalt  }
0x79: {  	_ =	shalt  }
0x7a: {  	_ =	shalt  }
0x7b: {  	_ =	shalt  }
0x7c: {  	_ =	shalt  }
0x7d: {  	_ =	shalt  }
0x7e: {  	_ =	shalt  }
0x7f: {  	_ =	shalt  }
0x80: {  	_ =	shalt  }
0x81: {  	_ =	shalt  }
0x82: {  	_ =	shalt  }
0x83: {  	_ =	shalt  }
0x84: {  	_ =	shalt  }
0x85: {  	_ =	shalt  }
0x86: {  	_ =	shalt  }
0x87: {  	_ =	shalt  }
.Lfunc_end0:
.L_simem_size_0:
called_computation.1_lowered:
.L_overlay_start_0:
0x88: {  	s2 =	sld [smem:$0x3FD9]  }
0x89: {  	s3 =	sld [smem:$0x3FFE];
	_ =	sdelay $0x1  }
0x8a: {  	s1 =	srdreg.scid  }
0x8b: {  	s0 =	sand.u32 $0x1, s1  }
0x8c: {  	s16 =	sshll.u32 s0, $0xA;
	s2 =	sadd.s32 s3, s2  }
0x8d: {  	s2 =	sadd.s32 s2, s16  }
0x8e: {  	[smem:$0x3FBE] =	sst s2  }
0x8f: {  	_ = 	snop  }
0x90: {  	(tm) =	ssettm $0x1  }
0x91: {  	s17 =	sld [smem:$0x3FFB];
	_ =	sdelay $0x3  }
0x92: {  	_ =	strace s17  }
0x93: {  	s2 =	sld [smem:$0x3FFC];
	_ =	sdelay $0x3  }
0x94: {  	_ =	strace s2  }
0x95: {  	s2 =	sld [smem:$0x3FFD];
	_ =	sdelay $0x3  }
0x96: {  	_ =	strace s2  }
0x97: {  	_ =	strace $0x8FFFFFFF  }
0x98: {  	s18 =	sld [smem:$0x3FDB];
	_ =	sdelay $0x1  }
0x99: {  	s19 =	simm.s32 $_scs_section_size  }
0x9a: {  	s4 =	simm.s32 $_size__tile_overlayer_lowered;
	s5 =	simm.s32 $_tile_overlayer_lowered  }
0x9b: {  	s22 =	simm.s32 $0x1BFF;
	s21 =	sshll.u32 s5, $0x1;
	s2 =	sadd.s32 s19, s18  }
0x9c: {  	s6 =	simm.s32 $0x0;
	s20 =	sshll.u32 s4, $0x1;
	s4 =	sadd.s32 s21, s2  }
0x9d: {  	[timem:s6], [sflag:s22] =	dma.local [hbm:s4], s20  }
0x9e: {  	_ =	swait.ge [sflag:s22], s20  }
0x9f: {  	s3 =	ssub.s32 $0x0, s20;
	[sflag:s22] =	ssyncset.done $0x0  }
0xa0: {  	[sflag:s22] =	ssyncadd.s32 s3;
	_ =	sdelay $0x1  }
0xa1: {  	s23 =	simm.s32 $0x1B8B  }
0xa2: {  	_ =	swait.ge [sflag:s23], $0x1  }
0xa3: {  	[sflag:s23] =	ssyncset.done $0x0  }
0xa4: {  	s25 =	simm.s32 $0x1B8E;
	s24 =	sld [smem:$0x3FFE];
	[sflag:s23] =	ssyncadd.s32 $0xFFFFFFFF  }
0xa5: {  	s26 =	simm.s32 $execute0_lowered;
	[smem:$0x3FD2] =	sst s25  }
0xa6: {  	s4 =	sshll.u32 s26, $0x1;
	_ =	strace $0x80000049;
	[dreg:$0x1] =	wrdreg $0xFFFFFFFF  }
0xa7: {  	s28 =	simm.s32 $_size_execute0_lowered;
	s2 =	sadd.s32 s2, s4;
	[dreg:$0x0] =	wrdreg $0x0  }
0xa8: {  	s4 =	sshll.u32 s28, $0x1;
	[dreg:$0x2] =	wrdreg s2  }
0xa9: {  	[dreg:$0x3] =	wrdreg s4  }
0xaa: {  	[dreg:$0x4] =	wrdreg $0xC0  }
0xab: {  	_ =	task [dreg:s6], $0x5FFFF  }
0xac: {  	[dreg:$0x1] =	wrdreg $0xFFFFFFFF  }
0xad: {  	[dreg:$0x0] =	wrdreg $0x60  }
0xae: {  	[dreg:$0x2] =	wrdreg s24  }
0xaf: {  	[dreg:$0x3] =	wrdreg $0xA8000  }
0xb0: {  	[dreg:$0x4] =	wrdreg $0xD0000  }
0xb1: {  	[dreg:$0x5] =	wrdreg $0x9  }
0xb2: {  	_ =	task.clear_ibuf [dreg:s6], $0x6FFFF;
	_ =	strace $0x90000049  }
0xb3: {  	s29 =	simm.s32 $0x9;
	_ =	strace $0x8000004B  }
0xb4: {  	_ =	swait.ge [sflag:s29], $0x1  }
0xb5: {  	[sflag:s29] =	ssyncadd.s32 $0xFFFFFFFF  }
0xb6: {  	_ =	strace $0x9000004B  }
0xb7: {  	_ =	sfence  }
0xb8: {  	s30 =	sld [smem:$0x0];
	_ =	sdelay $0x2  }
0xb9: {  	s31 =	sshll.u32 s1, $0xD;
	s1 =	sshrl.u32 s1, $0x2  }
0xba: {  	s3 =	sand.u32 $0x4000, s31;
	s1 =	sadd.s32 s1, s30  }
0xbb: {  	s0 =	sor.u32 s3, s0;
	s1 =	sshll.u32 s1, $0x11  }
0xbc: {  	s0 =	sor.u32 s1, s0  }
0xbd: {  	s0 =	sadd.s32 $0x8F2B, s0  }
0xbe: {  	[sflag:s0] =	ssyncadd.remote.s32 $0x1  }
0xbf: {  	_ =	sfence.sel $0xFFFF  }
0xc0: {  	[dreg:$0x0] =	wrdreg $0xFFFFFFFF;
	(pc) =	sbr.abs _section_cstart, $3  }
0xc1: {  	[dreg:$0x1] =	wrdreg $0xFFFFFFFF  }
0xc2: {  	_ =	task.clear_ibuf [dreg:s6], $0x2FFFF;
	_ =	strace $0x9FFFFFFF  }
0xc3: {  	(tm) =	ssettm $0x7FFFFFFF  }
tec
execute0_lowered:
.L_overlay_start_1:
0x0: {  	(tag) =	ssettag $0x1  }
0x1: {  	s8 =	rddreg [dreg:$0x0]  }
0x2: {  	s1 =	rddreg [dreg:$0x1]  }
0x3: {  	s3 =	rddreg [dreg:$0x2]  }
0x4: {  	s0 =	rddreg [dreg:$0x3]  }
0x5: {  	s4 =	simm.s32 $0x0;
	s5 =	srdreg.scid;
	s2 =	stileid.u32  }
0x6: {  	s16 =	simm.s32 $0x2800;
	s17 =	simm.s32 $0x5000;
	s18 =	simm.s32 $0x7800  }
0x7: {  	s22 =	simm.s32 $0x80;
	s23 =	simm.s32 $0xA000;
	s24 =	simm.s32 $0x1  }
0x8: {  	s25 =	simm.s32 $0x0;
	s7 =	sand.u32 $0x1, s5;
	s30 =	sshll.u32 s2, $0x1  }
0x9: {  	s12 =	smul.u32 $0x2800, s2;
	[smem:$0x7FF] =	sst s4;
	s5 =	sadd.s32 $0x5E800, s8  }
0xa: {  	s19 =	sshll.u32 s2, $0x6;
	s6 =	sor.u32 s7, s30;
	s9 =	smul.u32 $0x28000, s7  }
0xb: {  	_ =	strace $0x8000004A;
	s11 =	ssub.s32 $0x2, s7;
	s7 =	sadd.s32 $0x59200, s8  }
0xc: {  	s19 =	sor.u32 $0x1C02, s19;
	s10 =	smul.u32 $0x500, s6;
	s6 =	sadd.s32 $0x59800, s8  }
0xd: {  	s31 =	sshrl.u32 s11, $0x1;
	s20 =	sadd.s32 s12, s1;
	s21 =	sadd.s32 s12, s3  }
0xe: {  	s9 =	sadd.s32 s12, s9;
	s15 =	ssub.s32 s11, s31;
	s20 =	sshrl.u32 s20, $0x3  }
0xf: {  	s21 =	sshrl.u32 s21, $0x3;
	s13 =	sadd.s32 s10, s8;
	s9 =	sshrl.u32 s9, $0x3  }
0x10: {  	s14 =	sadd.s32 s9, s8;
	s8 =	sadd.s32 $0x39A00, s13;
	s9 =	sadd.s32 $0x2F200, s13  }
0x11: {  	s10 =	sadd.s32 $0x5200, s13;
	s11 =	sadd.s32 $0xFA00, s13;
	s12 =	sadd.s32 $0x6D800, s14  }
0x12: {  	s13 =	sadd.s32 $0x63800, s14;
	s14 =	smax.u32 s15, $0x1;
	s15 =	simm.s32 $0x2  }
.LBB2_1:
0x13: {  	[tilespmem:s4], [sflag:$0x2] =	stream.linear.gather [hbm4b:s8+s4], $0x2800, $0x38;
	[tilespmem:$0xF800] =	vst v63  }
0x14: {  	_ =	swait.ge [sflag:s15], $0x2800  }
0x15: {  	[sflag:s15] =	ssyncset.done $0x0  }
0x16: {  	[sflag:s15] =	ssyncadd.s32 $0xFFFFD800  }
0x17: {  	[tilespmem:s16], [sflag:$0x2] =	stream.linear.gather [hbm4b:s9+s4], $0x2800, $0x38;
	[tilespmem:$0xF800] =	vst v63  }
0x18: {  	_ =	swait.ge [sflag:s15], $0x2800  }
0x19: {  	[sflag:s15] =	ssyncset.done $0x0  }
0x1a: {  	[sflag:s15] =	ssyncadd.s32 $0xFFFFD800  }
0x1b: {  	[tilespmem:s17], [sflag:$0x2] =	stream.linear.gather [hbm4b:s10+s4], $0x2800, $0x38;
	[tilespmem:$0xF800] =	vst v63  }
0x1c: {  	_ =	swait.ge [sflag:s15], $0x2800  }
0x1d: {  	[sflag:s15] =	ssyncset.done $0x0  }
0x1e: {  	[sflag:s15] =	ssyncadd.s32 $0xFFFFD800  }
0x1f: {  	[tilespmem:s18], [sflag:$0x2] =	stream.linear.gather [hbm4b:s11+s4], $0x2800, $0x38;
	[tilespmem:$0xF800] =	vst v63  }
0x20: {  	_ =	swait.ge [sflag:s15], $0x2800  }
0x21: {  	[sflag:s15] =	ssyncset.done $0x0  }
0x22: {  	[sflag:s15] =	ssyncadd.s32 $0xFFFFD800  }
0x23: {  	[spmem:s20], [sflag:s19] =	dma.local [hbm:s7], $0x500  }
0x24: {  	_ =	swait.ge [sflag:s15], $0x500  }
0x25: {  	[sflag:s15] =	ssyncset.done $0x0  }
0x26: {  	[sflag:s15] =	ssyncadd.s32 $0xFFFFFB00  }
0x27: {  	[spmem:s21], [sflag:s19] =	dma.local [hbm:s7], $0x500  }
0x28: {  	_ =	swait.ge [sflag:s15], $0x500  }
0x29: {  	[sflag:s15] =	ssyncset.done $0x0  }
0x2a: {  	[sflag:s15] =	ssyncadd.s32 $0xFFFFFB00  }
0x2b: {  	s26 =	simm.s32 $0x0;
	[bflag:$0x0] =	sbarrier.arrive $0xFFFF  }
0x2c: {  	[tilespmem:s23], [sflag:$0x1] =	stream.indirect.gather [hbm4b:s5+s22], $0x10, s26, s22, $0xb8;
	[tilespmem:$0xF800] =	vst v63  }
0x2d: {  	_ =	swait.ge [sflag:s24], $0x800  }
0x2e: {  	[sflag:s24] =	ssyncset.done $0x0  }
0x2f: {  	s29 =	simm.s32 $0x7800;
	[sflag:s24] =	ssyncadd.s32 $0xFFFFF800  }
0x30: {  	[spmem:s3] =	stream.indirect.scatter.add.f32 [tilespmem:s23], [sflag:$0x2], $0x10, s29, s22, $0xb8;
	[tilespmem:$0xF800] =	vst v63  }
0x31: {  	_ =	swait.ge [sflag:s15], $0x800  }
0x32: {  	[sflag:s15] =	ssyncset.done $0x0  }
0x33: {  	s30 =	simm.s32 $0x5000;
	[sflag:s15] =	ssyncadd.s32 $0xFFFFF800  }
0x34: {  	[tilespmem:s23], [sflag:$0x1] =	stream.indirect.gather [hbm4b:s6+s22], $0x10, s30, s22, $0xb8;
	[tilespmem:$0xF800] =	vst v63  }
0x35: {  	_ =	swait.ge [sflag:s24], $0x800  }
0x36: {  	[sflag:s24] =	ssyncset.done $0x0  }
0x37: {  	s31 =	simm.s32 $0x2800;
	[sflag:s24] =	ssyncadd.s32 $0xFFFFF800  }
0x38: {  	[spmem:s1] =	stream.indirect.scatter.add.f32 [tilespmem:s23], [sflag:$0x2], $0x10, s31, s22, $0xb8;
	[tilespmem:$0xF800] =	vst v63  }
0x39: {  	_ =	swait.ge [sflag:s15], $0x800  }
0x3a: {  	s28 =	simm.s32 $0x400;
	s26 =	simm.s32 $0x200;
	[sflag:s15] =	ssyncset.done $0x0  }
.LBB2_2:
0x3b: {  	s29 =	sshra.s32 s26, $0x2  }
0x3c: {  	[sflag:s15] =	ssyncadd.s32 $0xFFFFF800;
	s26 =	smov.u32 s28;
	s30 =	sadd.s32 $0x200, s28  }
0x3d: {  	[tilespmem:s23], [sflag:$0x1] =	stream.indirect.gather [hbm4b:s5+s22], $0x10, s29, s22, $0xb8;
	[tilespmem:$0xF800] =	vst v63  }
0x3e: {  	p0 =	sne.s32 s28, $0x9E00;
	_ =	swait.ge [sflag:s24], $0x800  }
0x3f: {  	[sflag:s24] =	ssyncset.done $0x0  }
0x40: {  	s28 =	sadd.s32 $0x7800, s29;
	[sflag:s24] =	ssyncadd.s32 $0xFFFFF800  }
0x41: {  	[spmem:s3] =	stream.indirect.scatter.add.f32 [tilespmem:s23], [sflag:$0x2], $0x10, s28, s22, $0xb8;
	[tilespmem:$0xF800] =	vst v63  }
0x42: {  	_ =	swait.ge [sflag:s15], $0x800  }
0x43: {  	[sflag:s15] =	ssyncset.done $0x0  }
0x44: {  	s28 =	sadd.s32 $0x5000, s29;
	[sflag:s15] =	ssyncadd.s32 $0xFFFFF800  }
0x45: {  	[tilespmem:s23], [sflag:$0x1] =	stream.indirect.gather [hbm4b:s6+s22], $0x10, s28, s22, $0xb8;
	[tilespmem:$0xF800] =	vst v63  }
0x46: {  	_ =	swait.ge [sflag:s24], $0x800  }
.Ltmp0:
0x47: {  	[sflag:s24] =	ssyncset.done $0x0;
	(pc) =	sbr.rel @p0 .LBB2_2-.Ltmp0, $4  }
0x48: {  	s28 =	sadd.s32 $0x2800, s29;
	[sflag:s24] =	ssyncadd.s32 $0xFFFFF800  }
0x49: {  	[spmem:s1] =	stream.indirect.scatter.add.f32 [tilespmem:s23], [sflag:$0x2], $0x10, s28, s22, $0xb8;
	[tilespmem:$0xF800] =	vst v63  }
0x4a: {  	_ =	swait.ge [sflag:s15], $0x800  }
0x4b: {  	s28 =	smov.u32 s30;
	[sflag:s15] =	ssyncset.done $0x0  }
0x4c: {  	s26 =	sshra.s32 s26, $0x2;
	[sflag:s15] =	ssyncadd.s32 $0xFFFFF800  }
0x4d: {  	[tilespmem:s23], [sflag:$0x1] =	stream.indirect.gather [hbm4b:s5+s22], $0x10, s26, s22, $0xb8;
	[tilespmem:$0xF800] =	vst v63  }
0x4e: {  	_ =	swait.ge [sflag:s24], $0x800  }
0x4f: {  	[sflag:s24] =	ssyncset.done $0x0  }
0x50: {  	s28 =	sadd.s32 $0x7800, s26;
	[sflag:s24] =	ssyncadd.s32 $0xFFFFF800  }
0x51: {  	[spmem:s3] =	stream.indirect.scatter.add.f32 [tilespmem:s23], [sflag:$0x2], $0x10, s28, s22, $0xb8;
	[tilespmem:$0xF800] =	vst v63  }
0x52: {  	_ =	swait.ge [sflag:s15], $0x800  }
0x53: {  	[sflag:s15] =	ssyncset.done $0x0  }
0x54: {  	s31 =	sadd.s32 $0x5000, s26;
	[sflag:s15] =	ssyncadd.s32 $0xFFFFF800  }
0x55: {  	[tilespmem:s23], [sflag:$0x1] =	stream.indirect.gather [hbm4b:s6+s22], $0x10, s31, s22, $0xb8;
	[tilespmem:$0xF800] =	vst v63  }
0x56: {  	_ =	swait.ge [sflag:s24], $0x800  }
0x57: {  	[sflag:s24] =	ssyncset.done $0x0  }
0x58: {  	s26 =	sadd.s32 $0x2800, s26;
	[sflag:s24] =	ssyncadd.s32 $0xFFFFF800  }
0x59: {  	[spmem:s1] =	stream.indirect.scatter.add.f32 [tilespmem:s23], [sflag:$0x2], $0x10, s26, s22, $0xb8;
	[tilespmem:$0xF800] =	vst v63  }
0x5a: {  	_ =	swait.ge [sflag:s15], $0x800  }
0x5b: {  	[sflag:s15] =	ssyncset.done $0x0  }
0x5c: {  	[sflag:s15] =	ssyncadd.s32 $0xFFFFF800  }
0x5d: {  	[bflag:$0x0] =	sbarrier.arrive $0xFFFF  }
0x5e: {  	[hbm:s12], [sflag:s19] =	dma.local [spmem:s21], $0x500  }
0x5f: {  	s25 =	sadd.s32 $0x1, s25;
	_ =	swait.ge [sflag:s15], $0x500  }
0x60: {  	p0 =	sne.s32 s25, s14;
	[sflag:s15] =	ssyncset.done $0x0  }
.Ltmp1:
0x61: {  	[sflag:s15] =	ssyncadd.s32 $0xFFFFFB00;
	(pc) =	sbr.rel @p0 .LBB2_1-.Ltmp1, $4  }
0x62: {  	[hbm:s13], [sflag:s19] =	dma.local [spmem:s20], $0x500  }
0x63: {  	_ =	swait.ge [sflag:s15], $0x500  }
0x64: {  	[sflag:s15] =	ssyncset.done $0x0  }
0x65: {  	[sflag:s15] =	ssyncadd.s32 $0xFFFFFB00  }
0x66: {  	_ =	sfence.sel $0x180000  }
0x67: {  	[bflag:$0x0] =	sbarrier.arrive $0xFFFF  }
0x68: {  	p0 =	sne.s32 s2, $0x0;
	_ =	strace $0x9000004A  }
0x69: {  	s0 =	sadd.s32 @!p0 $0x100000, s0;
	[bflag:$0x2] =	sbarrier.arrive $0xFFFF  }
0x6a: {  	[sflag:s0] =	ssyncadd.tile.s32 @!p0 $0x1;
	_ =	shalt  }
.Lfunc_end2:
_tile_overlayer_lowered:
.L_overlay_start_2:
0x6b: {  	(tag) =	ssettag $0x2  }
0x6c: {  	s0 =	rddreg [dreg:$0x0];
	s2 =	stileid.u32  }
0x6d: {  	s1 =	rddreg [dreg:$0x1];
	p0 =	sne.s32 s2, $0x0  }
0x6e: {  	s3 =	rddreg [dreg:$0x2];
	[bflag:$0x3] =	sbarrier.arrive $0xFFFF;
	s2 =	simm.s32 @!p0 $0x1C02  }
0x6f: {  	[timem:s3], [sflag:s2] =	dma.local @!p0 [hbm:s0], s1  }
0x70: {  	s0 =	simm.s32 @!p0 $0x2  }
0x71: {  	_ =	swait.ge @!p0 [sflag:s0], s1  }
0x72: {  	s1 =	ssub.s32 @!p0 $0x0, s1;
	[sflag:s0] =	ssyncset.done @!p0 $0x0  }
0x73: {  	[sflag:s0] =	ssyncadd.s32 @!p0 s1  }
0x74: {  	[bflag:$0x3] =	sbarrier.arrive $0xFFFF  }
0x75: {  	_ =	shalt  }

// kernel: kernel.21.cloned.1.call-start
scs
__scs_entry_jumppad:
0x0: {  	(pc) =	sbr.rel $0x88, $3  }
0x1: {  	(tag) =	ssettag $0x0;
	lr =	simm.s32 $0x1  }
0x2: {  	[smem:$0x3F97] =	sst lr;
	_ =	strace $0xD0000000  }
0x3: {  	_ = 	snop  }
0x4: {  	_ = 	snop  }
0x5: {  	_ = 	snop  }
0x6: {  	_ = 	snop  }
0x7: {  	_ = 	snop  }
__scs_overlays_trampoline_lowered:
0x8: {  	[smem:$0x3FA6] =	sst s0  }
0x9: {  	[smem:$0x3FA7] =	sst s1  }
0xa: {  	[smem:$0x3FA8] =	sst s2  }
0xb: {  	[smem:$0x3FA9] =	sst s3  }
0xc: {  	[smem:$0x3FAA] =	sst s4  }
0xd: {  	[smem:$0x3FAB] =	sst s5  }
0xe: {  	[smem:$0x3FAC] =	sst s6  }
0xf: {  	[smem:$0x3FAD] =	sst s7  }
0x10: {  	[smem:$0x3FAE] =	sst s8  }
0x11: {  	[smem:$0x3FAF] =	sst s9;
	s0 =	simm.s32 @!p0 $0x0  }
0x12: {  	s1 =	sld [smem:$0x3F95];
	s0 =	simm.s32 @p0 $0x1  }
0x13: {  	[smem:$0x3FB0] =	sst s0;
	s0 =	simm.s32 @!p1 $0x0  }
0x14: {  	s2 =	sld [smem:$0x3F94];
	s0 =	simm.s32 @p1 $0x1  }
0x15: {  	[smem:$0x3FB1] =	sst s0;
	s0 =	simm.s32 @!p2 $0x0  }
0x16: {  	s3 =	sld [smem:$0x3FDB];
	s0 =	simm.s32 @p2 $0x1  }
0x17: {  	s4 =	simm.s32 $0x1BF5;
	[smem:$0x3FB3] =	sst s0  }
0x18: {  	s0 =	sld [smem:$0x3F96];
	_ =	swait.ge [sflag:s4], $0x0  }
0x19: {  	s7 =	sld [smem:$0x3F97]  }
0x1a: {  	s8 =	sadd.s32 $0xFFFFE003, lr  }
0x1b: {  	s9 =	sadd.s32 $0xFFFFFEF7, lr;
	s5 =	simm.s32 $0xFFFFFFFF;
	p2 =	slt.u32 s8, $0xFFFFF086  }
0x1c: {  	p1 =	slt.u32 s9, $0xF7A;
	s5 =	simm.s32 @!p2 $0x0  }
0x1d: {  	s5 =	simm.s32 @p1 $0x1;
	p0 =	seq.s32 s7, s2  }
0x1e: {  	s7 =	smul.u32 @!p0 $0xF7A, s2;
	p2 =	seq.s32 @!p0 s5, $0x0  }
0x1f: {  	s9 =	smul.u32 $0xF7A, s1;
	s8 =	simm.s32 @!p0 $0x1BF5;
	p2 =	por !p2, p0  }
0x20: {  	[sflag:s8] =	ssyncset.s32 @!p0 $0xFFFFF086;
	s6 =	sadd.s32 @!p0 s3, s7;
	s7 =	simm.s32 @!p0 $0x108  }
0x21: {  	s3 =	sadd.s32 s3, s9;
	s6 =	sadd.s32 @!p0 $0x88, s6;
	s7 =	simm.s32 @p2 $0x1082  }
0x22: {  	[simem:s7], [sflag:s8] =	dma.local @!p0 [hbm:s6], $0xF7A  }
0x23: {  	s9 =	sor.u32 $0xD0000000, s2;
	s6 =	simm.s32 $0x108;
	_ =	swait.ge @!p0 [sflag:s8], $0x0  }
0x24: {  	s3 =	sadd.s32 $0x88, s3;
	s6 =	simm.s32 @!p1 $0x1082;
	[sflag:s4] =	ssyncset.s32 $0xFFFFF086  }
0x25: {  	[simem:s6], [sflag:s4] =	dma.local [hbm:s3], $0xF7A  }
0x26: {  	[smem:$0x3F97] =	sst s1;
	(tag) =	ssettag s2;
	_ =	strace s9  }
0x27: {  	s1 =	sld [smem:$0x3FA7]  }
0x28: {  	s2 =	sld [smem:$0x3FA8]  }
0x29: {  	s4 =	sld [smem:$0x3FAA]  }
0x2a: {  	p0 =	seq.s32 s5, $0x0;
	s5 =	sld [smem:$0x3FAB]  }
0x2b: {  	s6 =	sld [smem:$0x3FAC]  }
0x2c: {  	s7 =	sld [smem:$0x3FAD]  }
0x2d: {  	s3 =	simm.s32 $0x108;
	s8 =	sld [smem:$0x3FAE]  }
0x2e: {  	s3 =	simm.s32 @!p0 $0x1082;
	s9 =	sld [smem:$0x3FAF]  }
0x2f: {  	lr =	sadd.s32 s0, s3;
	s0 =	sld [smem:$0x3FA6]  }
0x30: {  	s3 =	sld [smem:$0x3FA9]  }
0x31: {  	[smem:$0x3FB2] =	sst s10  }
0x32: {  	s10 =	sld [smem:$0x3FB0];
	_ =	sdelay $0x3  }
0x33: {  	p0 =	seq.s32 s10, $0x1;
	s10 =	sld [smem:$0x3FB2];
	_ =	sdelay $0x3  }
0x34: {  	[smem:$0x3FB2] =	sst s10  }
0x35: {  	s10 =	sld [smem:$0x3FB1];
	_ =	sdelay $0x3  }
0x36: {  	p1 =	seq.s32 s10, $0x1;
	s10 =	sld [smem:$0x3FB2];
	_ =	sdelay $0x3  }
0x37: {  	[smem:$0x3FB2] =	sst s10  }
0x38: {  	s10 =	sld [smem:$0x3FB3]  }
0x39: {  	_ = 	snop;
	(pc) =	sbr.ind lr, $3  }
0x3a: {  	_ = 	snop  }
0x3b: {  	_ = 	snop  }
0x3c: {  	p2 =	seq.s32 s10, $0x1;
	s10 =	sld [smem:$0x3FB2]  }
0x3d: {  	_ =	shalt  }
0x3e: {  	_ =	shalt  }
0x3f: {  	_ =	shalt  }
0x40: {  	_ =	shalt  }
0x41: {  	_ =	shalt  }
0x42: {  	_ =	shalt  }
0x43: {  	_ =	shalt  }
0x44: {  	_ =	shalt  }
0x45: {  	_ =	shalt  }
0x46: {  	_ =	shalt  }
0x47: {  	_ =	shalt  }
0x48: {  	_ =	shalt  }
0x49: {  	_ =	shalt  }
0x4a: {  	_ =	shalt  }
0x4b: {  	_ =	shalt  }
0x4c: {  	_ =	shalt  }
0x4d: {  	_ =	shalt  }
0x4e: {  	_ =	shalt  }
0x4f: {  	_ =	shalt  }
0x50: {  	_ =	shalt  }
0x51: {  	_ =	shalt  }
0x52: {  	_ =	shalt  }
0x53: {  	_ =	shalt  }
0x54: {  	_ =	shalt  }
0x55: {  	_ =	shalt  }
0x56: {  	_ =	shalt  }
0x57: {  	_ =	shalt  }
0x58: {  	_ =	shalt  }
0x59: {  	_ =	shalt  }
0x5a: {  	_ =	shalt  }
0x5b: {  	_ =	shalt  }
0x5c: {  	_ =	shalt  }
0x5d: {  	_ =	shalt  }
0x5e: {  	_ =	shalt  }
0x5f: {  	_ =	shalt  }
0x60: {  	_ =	shalt  }
0x61: {  	_ =	shalt  }
0x62: {  	_ =	shalt  }
0x63: {  	_ =	shalt  }
0x64: {  	_ =	shalt  }
0x65: {  	_ =	shalt  }
0x66: {  	_ =	shalt  }
0x67: {  	_ =	shalt  }
0x68: {  	_ =	shalt  }
0x69: {  	_ =	shalt  }
0x6a: {  	_ =	shalt  }
0x6b: {  	_ =	shalt  }
0x6c: {  	_ =	shalt  }
0x6d: {  	_ =	shalt  }
0x6e: {  	_ =	shalt  }
0x6f: {  	_ =	shalt  }
0x70: {  	_ =	shalt  }
0x71: {  	_ =	shalt  }
0x72: {  	_ =	shalt  }
0x73: {  	_ =	shalt  }
0x74: {  	_ =	shalt  }
0x75: {  	_ =	shalt  }
0x76: {  	_ =	shalt  }
0x77: {  	_ =	shalt  }
0x78: {  	_ =	shalt  }
0x79: {  	_ =	shalt  }
0x7a: {  	_ =	shalt  }
0x7b: {  	_ =	shalt  }
0x7c: {  	_ =	shalt  }
0x7d: {  	_ =	shalt  }
0x7e: {  	_ =	shalt  }
0x7f: {  	_ =	shalt  }
0x80: {  	_ =	shalt  }
0x81: {  	_ =	shalt  }
0x82: {  	_ =	shalt  }
0x83: {  	_ =	shalt  }
0x84: {  	_ =	shalt  }
0x85: {  	_ =	shalt  }
0x86: {  	_ =	shalt  }
0x87: {  	_ =	shalt  }
.Lfunc_end0:
.L_simem_size_0:
called_computation.2_lowered:
.L_overlay_start_0:
0x88: {  	s2 =	sld [smem:$0x3FD9]  }
0x89: {  	s3 =	sld [smem:$0x3FFE];
	_ =	sdelay $0x1  }
0x8a: {  	s1 =	srdreg.scid  }
0x8b: {  	s0 =	sand.u32 $0x1, s1  }
0x8c: {  	s17 =	sshll.u32 s0, $0xA;
	s2 =	sadd.s32 s3, s2  }
0x8d: {  	s2 =	sadd.s32 s2, s17  }
0x8e: {  	[smem:$0x3FBE] =	sst s2  }
0x8f: {  	_ = 	snop  }
0x90: {  	s18 =	sld [smem:$0x3FD0];
	(tm) =	ssettm $0x1  }
0x91: {  	s19 =	sld [smem:$0x3FFB];
	_ =	sdelay $0x3  }
0x92: {  	_ =	strace s19  }
0x93: {  	s2 =	sld [smem:$0x3FFC];
	_ =	sdelay $0x3  }
0x94: {  	_ =	strace s2  }
0x95: {  	s2 =	sld [smem:$0x3FFD];
	_ =	sdelay $0x3  }
0x96: {  	_ =	strace s2  }
0x97: {  	_ =	strace $0x8FFFFFFF  }
0x98: {  	s20 =	sld [smem:$0x3FDB];
	_ =	sdelay $0x1  }
0x99: {  	s4 =	simm.s32 $_scs_section_size  }
0x9a: {  	s5 =	simm.s32 $_size__tile_overlayer_lowered;
	s6 =	simm.s32 $_tile_overlayer_lowered  }
0x9b: {  	s7 =	simm.s32 $0x1BFF;
	s21 =	sshll.u32 s6, $0x1;
	s4 =	sadd.s32 s4, s20  }
0x9c: {  	s22 =	simm.s32 $0x0;
	s5 =	sshll.u32 s5, $0x1;
	s6 =	sadd.s32 s21, s4  }
0x9d: {  	[timem:s22], [sflag:s7] =	dma.local [hbm:s6], s5  }
0x9e: {  	_ =	swait.ge [sflag:s7], s5  }
0x9f: {  	s5 =	ssub.s32 $0x0, s5;
	[sflag:s7] =	ssyncset.done $0x0  }
0xa0: {  	[sflag:s7] =	ssyncadd.s32 s5;
	_ =	sdelay $0x1  }
0xa1: {  	s23 =	simm.s32 $0x1B8B  }
0xa2: {  	_ =	swait.ge [sflag:s23], $0x1  }
0xa3: {  	[sflag:s23] =	ssyncset.done $0x0  }
0xa4: {  	[sflag:s23] =	ssyncadd.s32 $0xFFFFFFFF  }
0xa5: {  	s5 =	sld [smem:$0x0]  }
0xa6: {  	s6 =	sand.u32 $0xFFFFFFFE, s1  }
0xa7: {  	p0 =	sne.s32 s1, s6  }
0xa8: {  	s6 =	sshll.u32 @p0 s6, $0xE  }
0xa9: {  	s6 =	sadd.s32 @p0 $0x11B8D, s6;
	s7 =	sshll.u32 @p0 s5, $0x11  }
0xaa: {  	s6 =	sor.u32 @p0 s7, s6  }
0xab: {  	[sflag:s6] =	ssyncadd.remote.s32 @p0 $0x1;
	_ =	sdelay $0x1  }
0xac: {  	s6 =	simm.s32 @p0 $0x1B8D  }
0xad: {  	_ =	swait.eq @p0 [sflag:s6], $0x1  }
0xae: {  	[sflag:s6] =	ssyncadd.s32 @p0 $0xFFFFFFFF  }
0xaf: {  	s7 =	sshll.u32 @!p0 s1, $0xE  }
0xb0: {  	s7 =	sor.u32 @!p0 $0x4000, s7;
	s6 =	simm.s32 @!p0 $0x1B8D  }
0xb1: {  	s5 =	sshll.u32 @!p0 s5, $0x11;
	s7 =	sadd.s32 @!p0 $0x11B8D, s7;
	_ =	swait.eq @!p0 [sflag:s6], $0x1  }
0xb2: {  	s5 =	sor.u32 @!p0 s5, s7;
	[sflag:s6] =	ssyncadd.s32 @!p0 $0xFFFFFFFF  }
0xb3: {  	s25 =	simm.s32 $0x1B8E;
	s24 =	sld [smem:$0x3FFE];
	[sflag:s5] =	ssyncadd.remote.s32 @!p0 $0x1  }
0xb4: {  	s26 =	simm.s32 $execute0_lowered;
	[smem:$0x3FD2] =	sst s25  }
0xb5: {  	s6 =	sshll.u32 s26, $0x1;
	_ =	strace $0x8000004C;
	[dreg:$0x1] =	wrdreg $0xFFFFFFFF  }
0xb6: {  	s28 =	simm.s32 $_size_execute0_lowered;
	s4 =	sadd.s32 s4, s6;
	[dreg:$0x0] =	wrdreg $0x0  }
0xb7: {  	s6 =	sshll.u32 s28, $0x1;
	[dreg:$0x2] =	wrdreg s4  }
0xb8: {  	[dreg:$0x3] =	wrdreg s6  }
0xb9: {  	[dreg:$0x4] =	wrdreg $0xC0  }
0xba: {  	_ =	task [dreg:s22], $0x5FFFF  }
0xbb: {  	[dreg:$0x1] =	wrdreg $0xFFFFFFFF  }
0xbc: {  	[dreg:$0x0] =	wrdreg $0x60  }
0xbd: {  	[dreg:$0x2] =	wrdreg s18  }
0xbe: {  	[dreg:$0x3] =	wrdreg s24  }
0xbf: {  	[dreg:$0x4] =	wrdreg $0xB8000  }
0xc0: {  	[dreg:$0x5] =	wrdreg $0xA  }
0xc1: {  	_ =	task.clear_ibuf [dreg:s22], $0x6FFFF;
	_ =	strace $0x9000004C  }
0xc2: {  	s29 =	simm.s32 $0xA;
	_ =	strace $0x8000004E  }
0xc3: {  	_ =	swait.ge [sflag:s29], $0x1  }
0xc4: {  	[sflag:s29] =	ssyncadd.s32 $0xFFFFFFFF  }
0xc5: {  	_ =	strace $0x9000004E  }
0xc6: {  	_ =	sfence  }
0xc7: {  	s30 =	sld [smem:$0x0];
	_ =	sdelay $0x2  }
0xc8: {  	s31 =	sshll.u32 s1, $0xD;
	s1 =	sshrl.u32 s1, $0x2  }
0xc9: {  	s4 =	sand.u32 $0x4000, s31;
	s1 =	sadd.s32 s1, s30  }
0xca: {  	s0 =	sor.u32 s4, s0;
	s1 =	sshll.u32 s1, $0x11  }
0xcb: {  	s0 =	sor.u32 s1, s0  }
0xcc: {  	s0 =	sadd.s32 $0x8F2B, s0  }
0xcd: {  	[sflag:s0] =	ssyncadd.remote.s32 $0x1  }
0xce: {  	_ =	sfence.sel $0xFFFF  }
0xcf: {  	[dreg:$0x0] =	wrdreg $0xFFFFFFFF;
	(pc) =	sbr.abs _section_cstart, $3  }
0xd0: {  	[dreg:$0x1] =	wrdreg $0xFFFFFFFF  }
0xd1: {  	_ =	task.clear_ibuf [dreg:s22], $0x2FFFF;
	_ =	strace $0x9FFFFFFF  }
0xd2: {  	(tm) =	ssettm $0x7FFFFFFF  }
0xd3: {  	_ =	shalt  }
tec
execute0_lowered:
.L_overlay_start_1:
0x0: {  	(tag) =	ssettag $0x1  }
0x1: {  	s1 =	rddreg [dreg:$0x0]  }
0x2: {  	s7 =	rddreg [dreg:$0x1]  }
0x3: {  	s4 =	rddreg [dreg:$0x2]  }
0x4: {  	s0 =	srdreg.scid;
	s3 =	simm.s32 $0x78;
	s2 =	rddreg [dreg:$0x3]  }
0x5: {  	s5 =	simm.s32 $0x0;
	s14 =	simm.s32 $0x80;
	s6 =	sand.u32 $0x1, s0  }
0x6: {  	s15 =	simm.s32 $0x7800;
	s16 =	simm.s32 $0x1;
	s8 =	smul.u32 $0x780, s6  }
0x7: {  	s17 =	simm.s32 $0x0;
	s0 =	stileid.u32;
	s10 =	smul.u32 $0x140000, s6  }
0x8: {  	[smem:$0x7FF] =	sst s5;
	p0 =	seq.s32 s6, $0x0;
	s29 =	smul.u32 $0x14000, s0  }
0x9: {  	_ =	strace $0x8000004D;
	s30 =	ssub.s32 $0x2, s6;
	s11 =	smul.u32 $0x50000, s0  }
0xa: {  	s6 =	sadd.s32 $0x77800, s7;
	s12 =	sshll.u32 s0, $0x6;
	s3 =	simm.s32 @!p0 $0x28  }
0xb: {  	s31 =	sshrl.u32 s30, $0x1;
	s9 =	smul.u32 s0, s3;
	s11 =	sshrl.u32 s11, $0x2  }
0xc: {  	s12 =	sor.u32 $0x1C02, s12;
	s13 =	sadd.s32 s11, s4;
	s11 =	simm.s32 $0x2  }
0xd: {  	s8 =	sadd.s32 s8, s9;
	s9 =	sadd.s32 s29, s10;
	s10 =	ssub.s32 s30, s31  }
0xe: {  	s13 =	sshrl.u32 s13, $0x3;
	s8 =	sshll.u32 s8, $0x4;
	s9 =	sshrl.u32 s9, $0x3  }
0xf: {  	s10 =	smax.u32 s10, $0x1;
	s8 =	sadd.s32 s8, s7;
	s9 =	sadd.s32 s9, s7  }
0x10: {  	s7 =	sadd.s32 $0x44200, s8;
	s8 =	sadd.s32 $0x1A200, s8;
	s9 =	sadd.s32 $0x7A000, s9  }
.LBB2_1:
0x11: {  	[tilespmem:s5], [sflag:$0x2] =	stream.linear.gather [hbm4b:s7+s5], $0x3C00, $0x38;
	[tilespmem:$0x1F800] =	vst v63  }
0x12: {  	_ =	swait.ge [sflag:s11], $0x3C00  }
0x13: {  	[sflag:s11] =	ssyncset.done $0x0  }
0x14: {  	s18 =	simm.s32 $0x3C00;
	[sflag:s11] =	ssyncadd.s32 $0xFFFFC400  }
0x15: {  	[tilespmem:s18], [sflag:$0x2] =	stream.linear.gather [hbm4b:s8+s5], $0x3C00, $0x38;
	[tilespmem:$0x1F800] =	vst v63  }
0x16: {  	_ =	swait.ge [sflag:s11], $0x3C00  }
0x17: {  	[sflag:s11] =	ssyncset.done $0x0  }
0x18: {  	[sflag:s11] =	ssyncadd.s32 $0xFFFFC400  }
0x19: {  	[spmem:s13], [sflag:s12] =	dma.local [hbm:s6], $0x2800  }
0x1a: {  	_ =	swait.ge [sflag:s11], $0x2800  }
0x1b: {  	[sflag:s11] =	ssyncset.done $0x0  }
0x1c: {  	[sflag:s11] =	ssyncadd.s32 $0xFFFFD800  }
0x1d: {  	[bflag:$0x0] =	sbarrier.arrive $0xFFFF  }
0x1e: {  	[tilespmem:s15], [sflag:$0x1] =	stream.indirect.gather [hbm4b:s1+s14], $0x80, s5, s14, $0xb8;
	[tilespmem:$0x1F800] =	vst v63  }
0x1f: {  	p0 =	sne.s32 s3, $0x1;
	_ =	swait.ge [sflag:s16], $0x4000  }
.Ltmp0:
0x20: {  	[sflag:s16] =	ssyncset.done $0x0;
	(pc) =	sbr.rel @!p0 .LBB2_3-.Ltmp0, $4  }
0x21: {  	[sflag:s16] =	ssyncadd.s32 $0xFFFFC000  }
0x22: {  	[spmem:s4] =	stream.indirect.scatter.add.f32 [tilespmem:s15], [sflag:$0x2], $0x80, s18, s14, $0xb8;
	[tilespmem:$0x1F800] =	vst v63  }
0x23: {  	_ =	swait.ge [sflag:s11], $0x4000  }
0x24: {  	s19 =	sadd.s32 $0xFFFFFFFF, s3;
	s20 =	simm.s32 $0x0;
	[sflag:s11] =	ssyncset.done $0x0  }
.LBB2_2:
0x25: {  	[sflag:s11] =	ssyncadd.s32 $0xFFFFC000;
	s20 =	sadd.s32 $0x80, s20;
	s18 =	sadd.s32 $0x80, s18  }
0x26: {  	[tilespmem:s15], [sflag:$0x1] =	stream.indirect.gather [hbm4b:s1+s14], $0x80, s20, s14, $0xb8;
	[tilespmem:$0x1F800] =	vst v63  }
0x27: {  	p0 =	sne.s32 s19, $0x1;
	s19 =	sadd.s32 $0xFFFFFFFF, s19;
	_ =	swait.ge [sflag:s16], $0x4000  }
.Ltmp1:
0x28: {  	[sflag:s16] =	ssyncset.done $0x0;
	(pc) =	sbr.rel @p0 .LBB2_2-.Ltmp1, $4  }
0x29: {  	[sflag:s16] =	ssyncadd.s32 $0xFFFFC000  }
0x2a: {  	[spmem:s4] =	stream.indirect.scatter.add.f32 [tilespmem:s15], [sflag:$0x2], $0x80, s18, s14, $0xb8;
	[tilespmem:$0x1F800] =	vst v63  }
0x2b: {  	_ =	swait.ge [sflag:s11], $0x4000  }
0x2c: {  	[sflag:s11] =	ssyncset.done $0x0  }
.LBB2_3:
0x2d: {  	s17 =	sadd.s32 $0x1, s17  }
0x2e: {  	[sflag:s11] =	ssyncadd.s32 $0xFFFFC000;
	p0 =	sne.s32 s17, s10  }
.Ltmp2:
0x2f: {  	[bflag:$0x0] =	sbarrier.arrive $0xFFFF;
	(pc) =	sbr.rel @p0 .LBB2_1-.Ltmp2, $4  }
0x30: {  	[hbm:s9], [sflag:s12] =	dma.local [spmem:s13], $0x2800  }
0x31: {  	_ =	swait.ge [sflag:s11], $0x2800  }
0x32: {  	[sflag:s11] =	ssyncset.done $0x0  }
0x33: {  	[sflag:s11] =	ssyncadd.s32 $0xFFFFD800  }
0x34: {  	_ =	sfence.sel $0x180000  }
0x35: {  	[bflag:$0x0] =	sbarrier.arrive $0xFFFF  }
0x36: {  	p0 =	sne.s32 s0, $0x0;
	_ =	strace $0x9000004D  }
0x37: {  	s0 =	sadd.s32 @!p0 $0x100000, s2;
	[bflag:$0x2] =	sbarrier.arrive $0xFFFF  }
0x38: {  	[sflag:s0] =	ssyncadd.tile.s32 @!p0 $0x1;
	_ =	shalt  }
.Lfunc_end2:
_tile_overlayer_lowered:
.L_overlay_start_2:
0x39: {  	(tag) =	ssettag $0x2  }
0x3a: {  	s0 =	rddreg [dreg:$0x0];
	s2 =	stileid.u32  }
0x3b: {  	s1 =	rddreg [dreg:$0x1];
	p0 =	sne.s32 s2, $0x0  }
0x3c: {  	s3 =	rddreg [dreg:$0x2];
	[bflag:$0x3] =	sbarrier.arrive $0xFFFF;
	s2 =	simm.s32 @!p0 $0x1C02  }
0x3d: {  	[timem:s3], [sflag:s2] =	dma.local @!p0 [hbm:s0], s1  }
0x3e: {  	s0 =	simm.s32 @!p0 $0x2  }
0x3f: {  	_ =	swait.ge @!p0 [sflag:s0], s1  }
0x40: {  	s1 =	ssub.s32 @!p0 $0x0, s1;
	[sflag:s0] =	ssyncset.done @!p0 $0x0  }
0x41: {  	[sflag:s0] =	ssyncadd.s32 @!p0 s1  }
0x42: {  	[bflag:$0x3] =	sbarrier.arrive $0xFFFF  }
0x43: {  	_ =	shalt  }

// kernel: kernel.24.cloned.1.call-start
scs
__scs_entry_jumppad:
0x0: {  	(pc) =	sbr.rel $0x88, $3  }
0x1: {  	(tag) =	ssettag $0x0;
	lr =	simm.s32 $0x1  }
0x2: {  	[smem:$0x3F97] =	sst lr;
	_ =	strace $0xD0000000  }
0x3: {  	_ = 	snop  }
0x4: {  	_ = 	snop  }
0x5: {  	_ = 	snop  }
0x6: {  	_ = 	snop  }
0x7: {  	_ = 	snop  }
__scs_overlays_trampoline_lowered:
0x8: {  	[smem:$0x3FA6] =	sst s0  }
0x9: {  	[smem:$0x3FA7] =	sst s1  }
0xa: {  	[smem:$0x3FA8] =	sst s2  }
0xb: {  	[smem:$0x3FA9] =	sst s3  }
0xc: {  	[smem:$0x3FAA] =	sst s4  }
0xd: {  	[smem:$0x3FAB] =	sst s5  }
0xe: {  	[smem:$0x3FAC] =	sst s6  }
0xf: {  	[smem:$0x3FAD] =	sst s7  }
0x10: {  	[smem:$0x3FAE] =	sst s8  }
0x11: {  	[smem:$0x3FAF] =	sst s9;
	s0 =	simm.s32 @!p0 $0x0  }
0x12: {  	s1 =	sld [smem:$0x3F95];
	s0 =	simm.s32 @p0 $0x1  }
0x13: {  	[smem:$0x3FB0] =	sst s0;
	s0 =	simm.s32 @!p1 $0x0  }
0x14: {  	s2 =	sld [smem:$0x3F94];
	s0 =	simm.s32 @p1 $0x1  }
0x15: {  	[smem:$0x3FB1] =	sst s0;
	s0 =	simm.s32 @!p2 $0x0  }
0x16: {  	s3 =	sld [smem:$0x3FDB];
	s0 =	simm.s32 @p2 $0x1  }
0x17: {  	s4 =	simm.s32 $0x1BF5;
	[smem:$0x3FB3] =	sst s0  }
0x18: {  	s0 =	sld [smem:$0x3F96];
	_ =	swait.ge [sflag:s4], $0x0  }
0x19: {  	s7 =	sld [smem:$0x3F97]  }
0x1a: {  	s8 =	sadd.s32 $0xFFFFE003, lr  }
0x1b: {  	s9 =	sadd.s32 $0xFFFFFEF7, lr;
	s5 =	simm.s32 $0xFFFFFFFF;
	p2 =	slt.u32 s8, $0xFFFFF086  }
0x1c: {  	p1 =	slt.u32 s9, $0xF7A;
	s5 =	simm.s32 @!p2 $0x0  }
0x1d: {  	s5 =	simm.s32 @p1 $0x1;
	p0 =	seq.s32 s7, s2  }
0x1e: {  	s7 =	smul.u32 @!p0 $0xF7A, s2;
	p2 =	seq.s32 @!p0 s5, $0x0  }
0x1f: {  	s9 =	smul.u32 $0xF7A, s1;
	s8 =	simm.s32 @!p0 $0x1BF5;
	p2 =	por !p2, p0  }
0x20: {  	[sflag:s8] =	ssyncset.s32 @!p0 $0xFFFFF086;
	s6 =	sadd.s32 @!p0 s3, s7;
	s7 =	simm.s32 @!p0 $0x108  }
0x21: {  	s3 =	sadd.s32 s3, s9;
	s6 =	sadd.s32 @!p0 $0x88, s6;
	s7 =	simm.s32 @p2 $0x1082  }
0x22: {  	[simem:s7], [sflag:s8] =	dma.local @!p0 [hbm:s6], $0xF7A  }
0x23: {  	s9 =	sor.u32 $0xD0000000, s2;
	s6 =	simm.s32 $0x108;
	_ =	swait.ge @!p0 [sflag:s8], $0x0  }
0x24: {  	s3 =	sadd.s32 $0x88, s3;
	s6 =	simm.s32 @!p1 $0x1082;
	[sflag:s4] =	ssyncset.s32 $0xFFFFF086  }
0x25: {  	[simem:s6], [sflag:s4] =	dma.local [hbm:s3], $0xF7A  }
0x26: {  	[smem:$0x3F97] =	sst s1;
	(tag) =	ssettag s2;
	_ =	strace s9  }
0x27: {  	s1 =	sld [smem:$0x3FA7]  }
0x28: {  	s2 =	sld [smem:$0x3FA8]  }
0x29: {  	s4 =	sld [smem:$0x3FAA]  }
0x2a: {  	p0 =	seq.s32 s5, $0x0;
	s5 =	sld [smem:$0x3FAB]  }
0x2b: {  	s6 =	sld [smem:$0x3FAC]  }
0x2c: {  	s7 =	sld [smem:$0x3FAD]  }
0x2d: {  	s3 =	simm.s32 $0x108;
	s8 =	sld [smem:$0x3FAE]  }
0x2e: {  	s3 =	simm.s32 @!p0 $0x1082;
	s9 =	sld [smem:$0x3FAF]  }
0x2f: {  	lr =	sadd.s32 s0, s3;
	s0 =	sld [smem:$0x3FA6]  }
0x30: {  	s3 =	sld [smem:$0x3FA9]  }
0x31: {  	[smem:$0x3FB2] =	sst s10  }
0x32: {  	s10 =	sld [smem:$0x3FB0];
	_ =	sdelay $0x3  }
0x33: {  	p0 =	seq.s32 s10, $0x1;
	s10 =	sld [smem:$0x3FB2];
	_ =	sdelay $0x3  }
0x34: {  	[smem:$0x3FB2] =	sst s10  }
0x35: {  	s10 =	sld [smem:$0x3FB1];
	_ =	sdelay $0x3  }
0x36: {  	p1 =	seq.s32 s10, $0x1;
	s10 =	sld [smem:$0x3FB2];
	_ =	sdelay $0x3  }
0x37: {  	[smem:$0x3FB2] =	sst s10  }
0x38: {  	s10 =	sld [smem:$0x3FB3]  }
0x39: {  	_ = 	snop;
	(pc) =	sbr.ind lr, $3  }
0x3a: {  	_ = 	snop  }
0x3b: {  	_ = 	snop  }
0x3c: {  	p2 =	seq.s32 s10, $0x1;
	s10 =	sld [smem:$0x3FB2]  }
0x3d: {  	_ =	shalt  }
0x3e: {  	_ =	shalt  }
0x3f: {  	_ =	shalt  }
0x40: {  	_ =	shalt  }
0x41: {  	_ =	shalt  }
0x42: {  	_ =	shalt  }
0x43: {  	_ =	shalt  }
0x44: {  	_ =	shalt  }
0x45: {  	_ =	shalt  }
0x46: {  	_ =	shalt  }
0x47: {  	_ =	shalt  }
0x48: {  	_ =	shalt  }
0x49: {  	_ =	shalt  }
0x4a: {  	_ =	shalt  }
0x4b: {  	_ =	shalt  }
0x4c: {  	_ =	shalt  }
0x4d: {  	_ =	shalt  }
0x4e: {  	_ =	shalt  }
0x4f: {  	_ =	shalt  }
0x50: {  	_ =	shalt  }
0x51: {  	_ =	shalt  }
0x52: {  	_ =	shalt  }
0x53: {  	_ =	shalt  }
0x54: {  	_ =	shalt  }
0x55: {  	_ =	shalt  }
0x56: {  	_ =	shalt  }
0x57: {  	_ =	shalt  }
0x58: {  	_ =	shalt  }
0x59: {  	_ =	shalt  }
0x5a: {  	_ =	shalt  }
0x5b: {  	_ =	shalt  }
0x5c: {  	_ =	shalt  }
0x5d: {  	_ =	shalt  }
0x5e: {  	_ =	shalt  }
0x5f: {  	_ =	shalt  }
0x60: {  	_ =	shalt  }
0x61: {  	_ =	shalt  }
0x62: {  	_ =	shalt  }
0x63: {  	_ =	shalt  }
0x64: {  	_ =	shalt  }
0x65: {  	_ =	shalt  }
0x66: {  	_ =	shalt  }
0x67: {  	_ =	shalt  }
0x68: {  	_ =	shalt  }
0x69: {  	_ =	shalt  }
0x6a: {  	_ =	shalt  }
0x6b: {  	_ =	shalt  }
0x6c: {  	_ =	shalt  }
0x6d: {  	_ =	shalt  }
0x6e: {  	_ =	shalt  }
0x6f: {  	_ =	shalt  }
0x70: {  	_ =	shalt  }
0x71: {  	_ =	shalt  }
0x72: {  	_ =	shalt  }
0x73: {  	_ =	shalt  }
0x74: {  	_ =	shalt  }
0x75: {  	_ =	shalt  }
0x76: {  	_ =	shalt  }
0x77: {  	_ =	shalt  }
0x78: {  	_ =	shalt  }
0x79: {  	_ =	shalt  }
0x7a: {  	_ =	shalt  }
0x7b: {  	_ =	shalt  }
0x7c: {  	_ =	shalt  }
0x7d: {  	_ =	shalt  }
0x7e: {  	_ =	shalt  }
0x7f: {  	_ =	shalt  }
0x80: {  	_ =	shalt  }
0x81: {  	_ =	shalt  }
0x82: {  	_ =	shalt  }
0x83: {  	_ =	shalt  }
0x84: {  	_ =	shalt  }
0x85: {  	_ =	shalt  }
0x86: {  	_ =	shalt  }
0x87: {  	_ =	shalt  }
.Lfunc_end0:
.L_simem_size_0:
called_computation.3_lowered:
.L_overlay_start_0:
0x88: {  	s2 =	sld [smem:$0x3FD9]  }
0x89: {  	s3 =	sld [smem:$0x3FFE];
	_ =	sdelay $0x1  }
0x8a: {  	s1 =	srdreg.scid  }
0x8b: {  	s0 =	sand.u32 $0x1, s1  }
0x8c: {  	s17 =	sshll.u32 s0, $0xA;
	s2 =	sadd.s32 s3, s2  }
0x8d: {  	s2 =	sadd.s32 s2, s17  }
0x8e: {  	[smem:$0x3FBE] =	sst s2  }
0x8f: {  	_ = 	snop  }
0x90: {  	s2 =	sld [smem:$0x3FD0];
	(tm) =	ssettm $0x1  }
0x91: {  	s18 =	sld [smem:$0x3FFB];
	_ =	sdelay $0x3  }
0x92: {  	_ =	strace s18  }
0x93: {  	s3 =	sld [smem:$0x3FFC];
	_ =	sdelay $0x3  }
0x94: {  	_ =	strace s3  }
0x95: {  	s3 =	sld [smem:$0x3FFD];
	_ =	sdelay $0x3  }
0x96: {  	_ =	strace s3  }
0x97: {  	_ =	strace $0x8FFFFFFF  }
0x98: {  	s19 =	sld [smem:$0x3FDB];
	_ =	sdelay $0x1  }
0x99: {  	s4 =	simm.s32 $_scs_section_size  }
0x9a: {  	s5 =	simm.s32 $_size__tile_overlayer_lowered;
	s6 =	simm.s32 $_tile_overlayer_lowered  }
0x9b: {  	s22 =	simm.s32 $0x1BFF;
	s21 =	sshll.u32 s6, $0x1;
	s3 =	sadd.s32 s4, s19  }
0x9c: {  	s7 =	simm.s32 $0x0;
	s20 =	sshll.u32 s5, $0x1;
	s5 =	sadd.s32 s21, s3  }
0x9d: {  	[timem:s7], [sflag:s22] =	dma.local [hbm:s5], s20  }
0x9e: {  	_ =	swait.ge [sflag:s22], s20  }
0x9f: {  	s4 =	ssub.s32 $0x0, s20;
	[sflag:s22] =	ssyncset.done $0x0  }
0xa0: {  	[sflag:s22] =	ssyncadd.s32 s4;
	_ =	sdelay $0x1  }
0xa1: {  	s23 =	simm.s32 $0x1B8B  }
0xa2: {  	_ =	swait.ge [sflag:s23], $0x1  }
0xa3: {  	[sflag:s23] =	ssyncset.done $0x0  }
0xa4: {  	s25 =	simm.s32 $0x1B8E;
	s24 =	sld [smem:$0x3FFE];
	[sflag:s23] =	ssyncadd.s32 $0xFFFFFFFF  }
0xa5: {  	s26 =	simm.s32 $execute0_lowered;
	[smem:$0x3FD2] =	sst s25  }
0xa6: {  	s5 =	sshll.u32 s26, $0x1;
	_ =	strace $0x8000004F;
	[dreg:$0x1] =	wrdreg $0xFFFFFFFF  }
0xa7: {  	s28 =	simm.s32 $_size_execute0_lowered;
	s3 =	sadd.s32 s3, s5;
	[dreg:$0x0] =	wrdreg $0x0  }
0xa8: {  	s5 =	sshll.u32 s28, $0x1;
	[dreg:$0x2] =	wrdreg s3  }
0xa9: {  	[dreg:$0x3] =	wrdreg s5  }
0xaa: {  	[dreg:$0x4] =	wrdreg $0xC0  }
0xab: {  	_ =	task [dreg:s7], $0x5FFFF  }
0xac: {  	[dreg:$0x1] =	wrdreg $0xFFFFFFFF  }
0xad: {  	[dreg:$0x0] =	wrdreg $0x60  }
0xae: {  	[dreg:$0x2] =	wrdreg s2  }
0xaf: {  	[dreg:$0x3] =	wrdreg s24  }
0xb0: {  	[dreg:$0x4] =	wrdreg $0xB8000  }
0xb1: {  	[dreg:$0x5] =	wrdreg $0x9  }
0xb2: {  	_ =	task.clear_ibuf [dreg:s7], $0x6FFFF;
	_ =	strace $0x9000004F  }
0xb3: {  	s29 =	simm.s32 $0x9;
	_ =	strace $0x80000051  }
0xb4: {  	_ =	swait.ge [sflag:s29], $0x1  }
0xb5: {  	[sflag:s29] =	ssyncadd.s32 $0xFFFFFFFF  }
0xb6: {  	_ =	strace $0x90000051  }
0xb7: {  	_ =	sfence  }
0xb8: {  	s30 =	sld [smem:$0x0];
	_ =	sdelay $0x2  }
0xb9: {  	s31 =	sshll.u32 s1, $0xD;
	s1 =	sshrl.u32 s1, $0x2  }
0xba: {  	s3 =	sand.u32 $0x4000, s31;
	s1 =	sadd.s32 s1, s30  }
0xbb: {  	s0 =	sor.u32 s3, s0;
	s1 =	sshll.u32 s1, $0x11  }
0xbc: {  	s0 =	sor.u32 s1, s0  }
0xbd: {  	s0 =	sadd.s32 $0x8F2B, s0  }
0xbe: {  	[sflag:s0] =	ssyncadd.remote.s32 $0x1  }
0xbf: {  	_ =	sfence.sel $0xFFFF  }
0xc0: {  	[dreg:$0x0] =	wrdreg $0xFFFFFFFF;
	(pc) =	sbr.abs _section_cstart, $3  }
0xc1: {  	[dreg:$0x1] =	wrdreg $0xFFFFFFFF  }
0xc2: {  	_ =	task.clear_ibuf [dreg:s7], $0x2FFFF;
	_ =	strace $0x9FFFFFFF  }
0xc3: {  	(tm) =	ssettm $0x7FFFFFFF  }
tec
execute0_lowered:
.L_overlay_start_1:
0x0: {  	(tag) =	ssettag $0x1  }
0x1: {  	s1 =	rddreg [dreg:$0x0]  }
0x2: {  	s7 =	rddreg [dreg:$0x1]  }
0x3: {  	s4 =	rddreg [dreg:$0x2]  }
0x4: {  	s0 =	srdreg.scid;
	s3 =	simm.s32 $0x78;
	s2 =	rddreg [dreg:$0x3]  }
0x5: {  	s5 =	simm.s32 $0x0;
	s14 =	simm.s32 $0x80;
	s6 =	sand.u32 $0x1, s0  }
0x6: {  	s15 =	simm.s32 $0x7800;
	s16 =	simm.s32 $0x1;
	s8 =	smul.u32 $0x780, s6  }
0x7: {  	s17 =	simm.s32 $0x0;
	s0 =	stileid.u32;
	s10 =	smul.u32 $0x140000, s6  }
0x8: {  	[smem:$0x7FF] =	sst s5;
	p0 =	seq.s32 s6, $0x0;
	s29 =	smul.u32 $0x14000, s0  }
0x9: {  	_ =	strace $0x80000050;
	s30 =	ssub.s32 $0x2, s6;
	s11 =	smul.u32 $0x50000, s0  }
0xa: {  	s6 =	sadd.s32 $0x77800, s7;
	s12 =	sshll.u32 s0, $0x6;
	s3 =	simm.s32 @!p0 $0x28  }
0xb: {  	s31 =	sshrl.u32 s30, $0x1;
	s9 =	smul.u32 s0, s3;
	s11 =	sshrl.u32 s11, $0x2  }
0xc: {  	s12 =	sor.u32 $0x1C02, s12;
	s13 =	sadd.s32 s11, s4;
	s11 =	simm.s32 $0x2  }
0xd: {  	s8 =	sadd.s32 s8, s9;
	s9 =	sadd.s32 s29, s10;
	s10 =	ssub.s32 s30, s31  }
0xe: {  	s13 =	sshrl.u32 s13, $0x3;
	s8 =	sshll.u32 s8, $0x4;
	s9 =	sshrl.u32 s9, $0x3  }
0xf: {  	s10 =	smax.u32 s10, $0x1;
	s8 =	sadd.s32 s8, s7;
	s9 =	sadd.s32 s9, s7  }
0x10: {  	s7 =	sadd.s32 $0x24A00, s8;
	s8 =	sadd.s32 $0x4EA00, s8;
	s9 =	sadd.s32 $0x7A000, s9  }
.LBB2_1:
0x11: {  	[tilespmem:s5], [sflag:$0x2] =	stream.linear.gather [hbm4b:s7+s5], $0x3C00, $0x38;
	[tilespmem:$0x1F800] =	vst v63  }
0x12: {  	_ =	swait.ge [sflag:s11], $0x3C00  }
0x13: {  	[sflag:s11] =	ssyncset.done $0x0  }
0x14: {  	s18 =	simm.s32 $0x3C00;
	[sflag:s11] =	ssyncadd.s32 $0xFFFFC400  }
0x15: {  	[tilespmem:s18], [sflag:$0x2] =	stream.linear.gather [hbm4b:s8+s5], $0x3C00, $0x38;
	[tilespmem:$0x1F800] =	vst v63  }
0x16: {  	_ =	swait.ge [sflag:s11], $0x3C00  }
0x17: {  	[sflag:s11] =	ssyncset.done $0x0  }
0x18: {  	[sflag:s11] =	ssyncadd.s32 $0xFFFFC400  }
0x19: {  	[spmem:s13], [sflag:s12] =	dma.local [hbm:s6], $0x2800  }
0x1a: {  	_ =	swait.ge [sflag:s11], $0x2800  }
0x1b: {  	[sflag:s11] =	ssyncset.done $0x0  }
0x1c: {  	[sflag:s11] =	ssyncadd.s32 $0xFFFFD800  }
0x1d: {  	[bflag:$0x0] =	sbarrier.arrive $0xFFFF  }
0x1e: {  	[tilespmem:s15], [sflag:$0x1] =	stream.indirect.gather [hbm4b:s1+s14], $0x80, s5, s14, $0xb8;
	[tilespmem:$0x1F800] =	vst v63  }
0x1f: {  	p0 =	sne.s32 s3, $0x1;
	_ =	swait.ge [sflag:s16], $0x4000  }
.Ltmp0:
0x20: {  	[sflag:s16] =	ssyncset.done $0x0;
	(pc) =	sbr.rel @!p0 .LBB2_3-.Ltmp0, $4  }
0x21: {  	[sflag:s16] =	ssyncadd.s32 $0xFFFFC000  }
0x22: {  	[spmem:s4] =	stream.indirect.scatter.add.f32 [tilespmem:s15], [sflag:$0x2], $0x80, s18, s14, $0xb8;
	[tilespmem:$0x1F800] =	vst v63  }
0x23: {  	_ =	swait.ge [sflag:s11], $0x4000  }
0x24: {  	s19 =	sadd.s32 $0xFFFFFFFF, s3;
	s20 =	simm.s32 $0x0;
	[sflag:s11] =	ssyncset.done $0x0  }
.LBB2_2:
0x25: {  	[sflag:s11] =	ssyncadd.s32 $0xFFFFC000;
	s20 =	sadd.s32 $0x80, s20;
	s18 =	sadd.s32 $0x80, s18  }
0x26: {  	[tilespmem:s15], [sflag:$0x1] =	stream.indirect.gather [hbm4b:s1+s14], $0x80, s20, s14, $0xb8;
	[tilespmem:$0x1F800] =	vst v63  }
0x27: {  	p0 =	sne.s32 s19, $0x1;
	s19 =	sadd.s32 $0xFFFFFFFF, s19;
	_ =	swait.ge [sflag:s16], $0x4000  }
.Ltmp1:
0x28: {  	[sflag:s16] =	ssyncset.done $0x0;
	(pc) =	sbr.rel @p0 .LBB2_2-.Ltmp1, $4  }
0x29: {  	[sflag:s16] =	ssyncadd.s32 $0xFFFFC000  }
0x2a: {  	[spmem:s4] =	stream.indirect.scatter.add.f32 [tilespmem:s15], [sflag:$0x2], $0x80, s18, s14, $0xb8;
	[tilespmem:$0x1F800] =	vst v63  }
0x2b: {  	_ =	swait.ge [sflag:s11], $0x4000  }
0x2c: {  	[sflag:s11] =	ssyncset.done $0x0  }
.LBB2_3:
0x2d: {  	s17 =	sadd.s32 $0x1, s17  }
0x2e: {  	[sflag:s11] =	ssyncadd.s32 $0xFFFFC000;
	p0 =	sne.s32 s17, s10  }
.Ltmp2:
0x2f: {  	[bflag:$0x0] =	sbarrier.arrive $0xFFFF;
	(pc) =	sbr.rel @p0 .LBB2_1-.Ltmp2, $4  }
0x30: {  	[hbm:s9], [sflag:s12] =	dma.local [spmem:s13], $0x2800  }
0x31: {  	_ =	swait.ge [sflag:s11], $0x2800  }
0x32: {  	[sflag:s11] =	ssyncset.done $0x0  }
0x33: {  	[sflag:s11] =	ssyncadd.s32 $0xFFFFD800  }
0x34: {  	_ =	sfence.sel $0x180000  }
0x35: {  	[bflag:$0x0] =	sbarrier.arrive $0xFFFF  }
0x36: {  	p0 =	sne.s32 s0, $0x0;
	_ =	strace $0x90000050  }
0x37: {  	s0 =	sadd.s32 @!p0 $0x100000, s2;
	[bflag:$0x2] =	sbarrier.arrive $0xFFFF  }
0x38: {  	[sflag:s0] =	ssyncadd.tile.s32 @!p0 $0x1;
	_ =	shalt  }
.Lfunc_end2:
_tile_overlayer_lowered:
.L_overlay_start_2:
0x39: {  	(tag) =	ssettag $0x2  }
0x3a: {  	s0 =	rddreg [dreg:$0x0];
	s2 =	stileid.u32  }
0x3b: {  	s1 =	rddreg [dreg:$0x1];
	p0 =	sne.s32 s2, $0x0  }
0x3c: {  	s3 =	rddreg [dreg:$0x2];
	[bflag:$0x3] =	sbarrier.arrive $0xFFFF;
	s2 =	simm.s32 @!p0 $0x1C02  }
0x3d: {  	[timem:s3], [sflag:s2] =	dma.local @!p0 [hbm:s0], s1  }
0x3e: {  	s0 =	simm.s32 @!p0 $0x2  }
0x3f: {  	_ =	swait.ge @!p0 [sflag:s0], s1  }
0x40: {  	s1 =	ssub.s32 @!p0 $0x0, s1;
	[sflag:s0] =	ssyncset.done @!p0 $0x0  }
0x41: {  	[sflag:s0] =	ssyncadd.s32 @!p0 s1  }
0x42: {  	[bflag:$0x3] =	sbarrier.arrive $0xFFFF  }
0x43: {  	_ =	shalt  }

// kernel: kernel.27.cloned.1.call-start
scs
__scs_entry_jumppad:
0x0: {  	(pc) =	sbr.rel $0x88, $3  }
0x1: {  	(tag) =	ssettag $0x0;
	lr =	simm.s32 $0x1  }
0x2: {  	[smem:$0x3F97] =	sst lr;
	_ =	strace $0xD0000000  }
0x3: {  	_ = 	snop  }
0x4: {  	_ = 	snop  }
0x5: {  	_ = 	snop  }
0x6: {  	_ = 	snop  }
0x7: {  	_ = 	snop  }
__scs_overlays_trampoline_lowered:
0x8: {  	[smem:$0x3FA6] =	sst s0  }
0x9: {  	[smem:$0x3FA7] =	sst s1  }
0xa: {  	[smem:$0x3FA8] =	sst s2  }
0xb: {  	[smem:$0x3FA9] =	sst s3  }
0xc: {  	[smem:$0x3FAA] =	sst s4  }
0xd: {  	[smem:$0x3FAB] =	sst s5  }
0xe: {  	[smem:$0x3FAC] =	sst s6  }
0xf: {  	[smem:$0x3FAD] =	sst s7  }
0x10: {  	[smem:$0x3FAE] =	sst s8  }
0x11: {  	[smem:$0x3FAF] =	sst s9;
	s0 =	simm.s32 @!p0 $0x0  }
0x12: {  	s1 =	sld [smem:$0x3F95];
	s0 =	simm.s32 @p0 $0x1  }
0x13: {  	[smem:$0x3FB0] =	sst s0;
	s0 =	simm.s32 @!p1 $0x0  }
0x14: {  	s2 =	sld [smem:$0x3F94];
	s0 =	simm.s32 @p1 $0x1  }
0x15: {  	[smem:$0x3FB1] =	sst s0;
	s0 =	simm.s32 @!p2 $0x0  }
0x16: {  	s3 =	sld [smem:$0x3FDB];
	s0 =	simm.s32 @p2 $0x1  }
0x17: {  	s4 =	simm.s32 $0x1BF5;
	[smem:$0x3FB3] =	sst s0  }
0x18: {  	s0 =	sld [smem:$0x3F96];
	_ =	swait.ge [sflag:s4], $0x0  }
0x19: {  	s7 =	sld [smem:$0x3F97]  }
0x1a: {  	s8 =	sadd.s32 $0xFFFFE003, lr  }
0x1b: {  	s9 =	sadd.s32 $0xFFFFFEF7, lr;
	s5 =	simm.s32 $0xFFFFFFFF;
	p2 =	slt.u32 s8, $0xFFFFF086  }
0x1c: {  	p1 =	slt.u32 s9, $0xF7A;
	s5 =	simm.s32 @!p2 $0x0  }
0x1d: {  	s5 =	simm.s32 @p1 $0x1;
	p0 =	seq.s32 s7, s2  }
0x1e: {  	s7 =	smul.u32 @!p0 $0xF7A, s2;
	p2 =	seq.s32 @!p0 s5, $0x0  }
0x1f: {  	s9 =	smul.u32 $0xF7A, s1;
	s8 =	simm.s32 @!p0 $0x1BF5;
	p2 =	por !p2, p0  }
0x20: {  	[sflag:s8] =	ssyncset.s32 @!p0 $0xFFFFF086;
	s6 =	sadd.s32 @!p0 s3, s7;
	s7 =	simm.s32 @!p0 $0x108  }
0x21: {  	s3 =	sadd.s32 s3, s9;
	s6 =	sadd.s32 @!p0 $0x88, s6;
	s7 =	simm.s32 @p2 $0x1082  }
0x22: {  	[simem:s7], [sflag:s8] =	dma.local @!p0 [hbm:s6], $0xF7A  }
0x23: {  	s9 =	sor.u32 $0xD0000000, s2;
	s6 =	simm.s32 $0x108;
	_ =	swait.ge @!p0 [sflag:s8], $0x0  }
0x24: {  	s3 =	sadd.s32 $0x88, s3;
	s6 =	simm.s32 @!p1 $0x1082;
	[sflag:s4] =	ssyncset.s32 $0xFFFFF086  }
0x25: {  	[simem:s6], [sflag:s4] =	dma.local [hbm:s3], $0xF7A  }
0x26: {  	[smem:$0x3F97] =	sst s1;
	(tag) =	ssettag s2;
	_ =	strace s9  }
0x27: {  	s1 =	sld [smem:$0x3FA7]  }
0x28: {  	s2 =	sld [smem:$0x3FA8]  }
0x29: {  	s4 =	sld [smem:$0x3FAA]  }
0x2a: {  	p0 =	seq.s32 s5, $0x0;
	s5 =	sld [smem:$0x3FAB]  }
0x2b: {  	s6 =	sld [smem:$0x3FAC]  }
0x2c: {  	s7 =	sld [smem:$0x3FAD]  }
0x2d: {  	s3 =	simm.s32 $0x108;
	s8 =	sld [smem:$0x3FAE]  }
0x2e: {  	s3 =	simm.s32 @!p0 $0x1082;
	s9 =	sld [smem:$0x3FAF]  }
0x2f: {  	lr =	sadd.s32 s0, s3;
	s0 =	sld [smem:$0x3FA6]  }
0x30: {  	s3 =	sld [smem:$0x3FA9]  }
0x31: {  	[smem:$0x3FB2] =	sst s10  }
0x32: {  	s10 =	sld [smem:$0x3FB0];
	_ =	sdelay $0x3  }
0x33: {  	p0 =	seq.s32 s10, $0x1;
	s10 =	sld [smem:$0x3FB2];
	_ =	sdelay $0x3  }
0x34: {  	[smem:$0x3FB2] =	sst s10  }
0x35: {  	s10 =	sld [smem:$0x3FB1];
	_ =	sdelay $0x3  }
0x36: {  	p1 =	seq.s32 s10, $0x1;
	s10 =	sld [smem:$0x3FB2];
	_ =	sdelay $0x3  }
0x37: {  	[smem:$0x3FB2] =	sst s10  }
0x38: {  	s10 =	sld [smem:$0x3FB3]  }
0x39: {  	_ = 	snop;
	(pc) =	sbr.ind lr, $3  }
0x3a: {  	_ = 	snop  }
0x3b: {  	_ = 	snop  }
0x3c: {  	p2 =	seq.s32 s10, $0x1;
	s10 =	sld [smem:$0x3FB2]  }
0x3d: {  	_ =	shalt  }
0x3e: {  	_ =	shalt  }
0x3f: {  	_ =	shalt  }
0x40: {  	_ =	shalt  }
0x41: {  	_ =	shalt  }
0x42: {  	_ =	shalt  }
0x43: {  	_ =	shalt  }
0x44: {  	_ =	shalt  }
0x45: {  	_ =	shalt  }
0x46: {  	_ =	shalt  }
0x47: {  	_ =	shalt  }
0x48: {  	_ =	shalt  }
0x49: {  	_ =	shalt  }
0x4a: {  	_ =	shalt  }
0x4b: {  	_ =	shalt  }
0x4c: {  	_ =	shalt  }
0x4d: {  	_ =	shalt  }
0x4e: {  	_ =	shalt  }
0x4f: {  	_ =	shalt  }
0x50: {  	_ =	shalt  }
0x51: {  	_ =	shalt  }
0x52: {  	_ =	shalt  }
0x53: {  	_ =	shalt  }
0x54: {  	_ =	shalt  }
0x55: {  	_ =	shalt  }
0x56: {  	_ =	shalt  }
0x57: {  	_ =	shalt  }
0x58: {  	_ =	shalt  }
0x59: {  	_ =	shalt  }
0x5a: {  	_ =	shalt  }
0x5b: {  	_ =	shalt  }
0x5c: {  	_ =	shalt  }
0x5d: {  	_ =	shalt  }
0x5e: {  	_ =	shalt  }
0x5f: {  	_ =	shalt  }
0x60: {  	_ =	shalt  }
0x61: {  	_ =	shalt  }
0x62: {  	_ =	shalt  }
0x63: {  	_ =	shalt  }
0x64: {  	_ =	shalt  }
0x65: {  	_ =	shalt  }
0x66: {  	_ =	shalt  }
0x67: {  	_ =	shalt  }
0x68: {  	_ =	shalt  }
0x69: {  	_ =	shalt  }
0x6a: {  	_ =	shalt  }
0x6b: {  	_ =	shalt  }
0x6c: {  	_ =	shalt  }
0x6d: {  	_ =	shalt  }
0x6e: {  	_ =	shalt  }
0x6f: {  	_ =	shalt  }
0x70: {  	_ =	shalt  }
0x71: {  	_ =	shalt  }
0x72: {  	_ =	shalt  }
0x73: {  	_ =	shalt  }
0x74: {  	_ =	shalt  }
0x75: {  	_ =	shalt  }
0x76: {  	_ =	shalt  }
0x77: {  	_ =	shalt  }
0x78: {  	_ =	shalt  }
0x79: {  	_ =	shalt  }
0x7a: {  	_ =	shalt  }
0x7b: {  	_ =	shalt  }
0x7c: {  	_ =	shalt  }
0x7d: {  	_ =	shalt  }
0x7e: {  	_ =	shalt  }
0x7f: {  	_ =	shalt  }
0x80: {  	_ =	shalt  }
0x81: {  	_ =	shalt  }
0x82: {  	_ =	shalt  }
0x83: {  	_ =	shalt  }
0x84: {  	_ =	shalt  }
0x85: {  	_ =	shalt  }
0x86: {  	_ =	shalt  }
0x87: {  	_ =	shalt  }
.Lfunc_end0:
.L_simem_size_0:
called_computation.4_lowered:
.L_overlay_start_0:
0x88: {  	s2 =	sld [smem:$0x3FD9]  }
0x89: {  	s3 =	sld [smem:$0x3FFE];
	_ =	sdelay $0x1  }
0x8a: {  	s1 =	srdreg.scid  }
0x8b: {  	s0 =	sand.u32 $0x1, s1  }
0x8c: {  	s17 =	sshll.u32 s0, $0xA;
	s2 =	sadd.s32 s3, s2  }
0x8d: {  	s2 =	sadd.s32 s2, s17  }
0x8e: {  	[smem:$0x3FBE] =	sst s2  }
0x8f: {  	_ = 	snop  }
0x90: {  	s2 =	sld [smem:$0x3FD0];
	(tm) =	ssettm $0x1  }
0x91: {  	s18 =	sld [smem:$0x3FFB];
	_ =	sdelay $0x3  }
0x92: {  	_ =	strace s18  }
0x93: {  	s3 =	sld [smem:$0x3FFC];
	_ =	sdelay $0x3  }
0x94: {  	_ =	strace s3  }
0x95: {  	s3 =	sld [smem:$0x3FFD];
	_ =	sdelay $0x3  }
0x96: {  	_ =	strace s3  }
0x97: {  	_ =	strace $0x8FFFFFFF  }
0x98: {  	s19 =	sld [smem:$0x3FDB];
	_ =	sdelay $0x1  }
0x99: {  	s4 =	simm.s32 $_scs_section_size  }
0x9a: {  	s5 =	simm.s32 $_size__tile_overlayer_lowered;
	s6 =	simm.s32 $_tile_overlayer_lowered  }
0x9b: {  	s22 =	simm.s32 $0x1BFF;
	s21 =	sshll.u32 s6, $0x1;
	s3 =	sadd.s32 s4, s19  }
0x9c: {  	s7 =	simm.s32 $0x0;
	s20 =	sshll.u32 s5, $0x1;
	s5 =	sadd.s32 s21, s3  }
0x9d: {  	[timem:s7], [sflag:s22] =	dma.local [hbm:s5], s20  }
0x9e: {  	_ =	swait.ge [sflag:s22], s20  }
0x9f: {  	s4 =	ssub.s32 $0x0, s20;
	[sflag:s22] =	ssyncset.done $0x0  }
0xa0: {  	[sflag:s22] =	ssyncadd.s32 s4;
	_ =	sdelay $0x1  }
0xa1: {  	s23 =	simm.s32 $0x1B8B  }
0xa2: {  	_ =	swait.ge [sflag:s23], $0x1  }
0xa3: {  	[sflag:s23] =	ssyncset.done $0x0  }
0xa4: {  	s25 =	simm.s32 $0x1B8E;
	s24 =	sld [smem:$0x3FFE];
	[sflag:s23] =	ssyncadd.s32 $0xFFFFFFFF  }
0xa5: {  	s26 =	simm.s32 $execute0_lowered;
	[smem:$0x3FD2] =	sst s25  }
0xa6: {  	s5 =	sshll.u32 s26, $0x1;
	_ =	strace $0x80000052;
	[dreg:$0x1] =	wrdreg $0xFFFFFFFF  }
0xa7: {  	s28 =	simm.s32 $_size_execute0_lowered;
	s3 =	sadd.s32 s3, s5;
	[dreg:$0x0] =	wrdreg $0x0  }
0xa8: {  	s5 =	sshll.u32 s28, $0x1;
	[dreg:$0x2] =	wrdreg s3  }
0xa9: {  	[dreg:$0x3] =	wrdreg s5  }
0xaa: {  	[dreg:$0x4] =	wrdreg $0xC0  }
0xab: {  	_ =	task [dreg:s7], $0x5FFFF  }
0xac: {  	[dreg:$0x1] =	wrdreg $0xFFFFFFFF  }
0xad: {  	[dreg:$0x0] =	wrdreg $0x60  }
0xae: {  	[dreg:$0x2] =	wrdreg s2  }
0xaf: {  	[dreg:$0x3] =	wrdreg s24  }
0xb0: {  	[dreg:$0x4] =	wrdreg $0xB8000  }
0xb1: {  	[dreg:$0x5] =	wrdreg $0x9  }
0xb2: {  	_ =	task.clear_ibuf [dreg:s7], $0x6FFFF;
	_ =	strace $0x90000052  }
0xb3: {  	s29 =	simm.s32 $0x9;
	_ =	strace $0x80000054  }
0xb4: {  	_ =	swait.ge [sflag:s29], $0x1  }
0xb5: {  	[sflag:s29] =	ssyncadd.s32 $0xFFFFFFFF  }
0xb6: {  	_ =	strace $0x90000054  }
0xb7: {  	_ =	sfence  }
0xb8: {  	s30 =	sld [smem:$0x0];
	_ =	sdelay $0x2  }
0xb9: {  	s31 =	sshll.u32 s1, $0xD;
	s1 =	sshrl.u32 s1, $0x2  }
0xba: {  	s3 =	sand.u32 $0x4000, s31;
	s1 =	sadd.s32 s1, s30  }
0xbb: {  	s0 =	sor.u32 s3, s0;
	s1 =	sshll.u32 s1, $0x11  }
0xbc: {  	s0 =	sor.u32 s1, s0  }
0xbd: {  	s0 =	sadd.s32 $0x8F2B, s0  }
0xbe: {  	[sflag:s0] =	ssyncadd.remote.s32 $0x1  }
0xbf: {  	_ =	sfence.sel $0xFFFF  }
0xc0: {  	[dreg:$0x0] =	wrdreg $0xFFFFFFFF;
	(pc) =	sbr.abs _section_cstart, $3  }
0xc1: {  	[dreg:$0x1] =	wrdreg $0xFFFFFFFF  }
0xc2: {  	_ =	task.clear_ibuf [dreg:s7], $0x2FFFF;
	_ =	strace $0x9FFFFFFF  }
0xc3: {  	(tm) =	ssettm $0x7FFFFFFF  }
tec
execute0_lowered:
.L_overlay_start_1:
0x0: {  	(tag) =	ssettag $0x1  }
0x1: {  	s1 =	rddreg [dreg:$0x0]  }
0x2: {  	s7 =	rddreg [dreg:$0x1]  }
0x3: {  	s4 =	rddreg [dreg:$0x2]  }
0x4: {  	s0 =	srdreg.scid;
	s3 =	simm.s32 $0x78;
	s2 =	rddreg [dreg:$0x3]  }
0x5: {  	s5 =	simm.s32 $0x0;
	s14 =	simm.s32 $0x80;
	s6 =	sand.u32 $0x1, s0  }
0x6: {  	s15 =	simm.s32 $0x7800;
	s16 =	simm.s32 $0x1;
	s8 =	smul.u32 $0x780, s6  }
0x7: {  	s17 =	simm.s32 $0x0;
	s0 =	stileid.u32;
	s10 =	smul.u32 $0x140000, s6  }
0x8: {  	[smem:$0x7FF] =	sst s5;
	p0 =	seq.s32 s6, $0x0;
	s29 =	smul.u32 $0x14000, s0  }
0x9: {  	_ =	strace $0x80000053;
	s30 =	ssub.s32 $0x2, s6;
	s11 =	smul.u32 $0x50000, s0  }
0xa: {  	s6 =	sadd.s32 $0x77800, s7;
	s12 =	sshll.u32 s0, $0x6;
	s3 =	simm.s32 @!p0 $0x28  }
0xb: {  	s31 =	sshrl.u32 s30, $0x1;
	s9 =	smul.u32 s0, s3;
	s11 =	sshrl.u32 s11, $0x2  }
0xc: {  	s12 =	sor.u32 $0x1C02, s12;
	s13 =	sadd.s32 s11, s4;
	s11 =	simm.s32 $0x2  }
0xd: {  	s8 =	sadd.s32 s8, s9;
	s9 =	sadd.s32 s29, s10;
	s10 =	ssub.s32 s30, s31  }
0xe: {  	s13 =	sshrl.u32 s13, $0x3;
	s8 =	sshll.u32 s8, $0x4;
	s9 =	sshrl.u32 s9, $0x3  }
0xf: {  	s10 =	smax.u32 s10, $0x1;
	s8 =	sadd.s32 s8, s7;
	s9 =	sadd.s32 s9, s7  }
0x10: {  	s7 =	sadd.s32 $0x44200, s8;
	s8 =	sadd.s32 $0x1A200, s8;
	s9 =	sadd.s32 $0x7A000, s9  }
.LBB2_1:
0x11: {  	[tilespmem:s5], [sflag:$0x2] =	stream.linear.gather [hbm4b:s7+s5], $0x3C00, $0x38;
	[tilespmem:$0x1F800] =	vst v63  }
0x12: {  	_ =	swait.ge [sflag:s11], $0x3C00  }
0x13: {  	[sflag:s11] =	ssyncset.done $0x0  }
0x14: {  	s18 =	simm.s32 $0x3C00;
	[sflag:s11] =	ssyncadd.s32 $0xFFFFC400  }
0x15: {  	[tilespmem:s18], [sflag:$0x2] =	stream.linear.gather [hbm4b:s8+s5], $0x3C00, $0x38;
	[tilespmem:$0x1F800] =	vst v63  }
0x16: {  	_ =	swait.ge [sflag:s11], $0x3C00  }
0x17: {  	[sflag:s11] =	ssyncset.done $0x0  }
0x18: {  	[sflag:s11] =	ssyncadd.s32 $0xFFFFC400  }
0x19: {  	[spmem:s13], [sflag:s12] =	dma.local [hbm:s6], $0x2800  }
0x1a: {  	_ =	swait.ge [sflag:s11], $0x2800  }
0x1b: {  	[sflag:s11] =	ssyncset.done $0x0  }
0x1c: {  	[sflag:s11] =	ssyncadd.s32 $0xFFFFD800  }
0x1d: {  	[bflag:$0x0] =	sbarrier.arrive $0xFFFF  }
0x1e: {  	[tilespmem:s15], [sflag:$0x1] =	stream.indirect.gather [hbm4b:s1+s14], $0x80, s5, s14, $0xb8;
	[tilespmem:$0x1F800] =	vst v63  }
0x1f: {  	p0 =	sne.s32 s3, $0x1;
	_ =	swait.ge [sflag:s16], $0x4000  }
.Ltmp0:
0x20: {  	[sflag:s16] =	ssyncset.done $0x0;
	(pc) =	sbr.rel @!p0 .LBB2_3-.Ltmp0, $4  }
0x21: {  	[sflag:s16] =	ssyncadd.s32 $0xFFFFC000  }
0x22: {  	[spmem:s4] =	stream.indirect.scatter.add.f32 [tilespmem:s15], [sflag:$0x2], $0x80, s18, s14, $0xb8;
	[tilespmem:$0x1F800] =	vst v63  }
0x23: {  	_ =	swait.ge [sflag:s11], $0x4000  }
0x24: {  	s19 =	sadd.s32 $0xFFFFFFFF, s3;
	s20 =	simm.s32 $0x0;
	[sflag:s11] =	ssyncset.done $0x0  }
.LBB2_2:
0x25: {  	[sflag:s11] =	ssyncadd.s32 $0xFFFFC000;
	s20 =	sadd.s32 $0x80, s20;
	s18 =	sadd.s32 $0x80, s18  }
0x26: {  	[tilespmem:s15], [sflag:$0x1] =	stream.indirect.gather [hbm4b:s1+s14], $0x80, s20, s14, $0xb8;
	[tilespmem:$0x1F800] =	vst v63  }
0x27: {  	p0 =	sne.s32 s19, $0x1;
	s19 =	sadd.s32 $0xFFFFFFFF, s19;
	_ =	swait.ge [sflag:s16], $0x4000  }
.Ltmp1:
0x28: {  	[sflag:s16] =	ssyncset.done $0x0;
	(pc) =	sbr.rel @p0 .LBB2_2-.Ltmp1, $4  }
0x29: {  	[sflag:s16] =	ssyncadd.s32 $0xFFFFC000  }
0x2a: {  	[spmem:s4] =	stream.indirect.scatter.add.f32 [tilespmem:s15], [sflag:$0x2], $0x80, s18, s14, $0xb8;
	[tilespmem:$0x1F800] =	vst v63  }
0x2b: {  	_ =	swait.ge [sflag:s11], $0x4000  }
0x2c: {  	[sflag:s11] =	ssyncset.done $0x0  }
.LBB2_3:
0x2d: {  	s17 =	sadd.s32 $0x1, s17  }
0x2e: {  	[sflag:s11] =	ssyncadd.s32 $0xFFFFC000;
	p0 =	sne.s32 s17, s10  }
.Ltmp2:
0x2f: {  	[bflag:$0x0] =	sbarrier.arrive $0xFFFF;
	(pc) =	sbr.rel @p0 .LBB2_1-.Ltmp2, $4  }
0x30: {  	[hbm:s9], [sflag:s12] =	dma.local [spmem:s13], $0x2800  }
0x31: {  	_ =	swait.ge [sflag:s11], $0x2800  }
0x32: {  	[sflag:s11] =	ssyncset.done $0x0  }
0x33: {  	[sflag:s11] =	ssyncadd.s32 $0xFFFFD800  }
0x34: {  	_ =	sfence.sel $0x180000  }
0x35: {  	[bflag:$0x0] =	sbarrier.arrive $0xFFFF  }
0x36: {  	p0 =	sne.s32 s0, $0x0;
	_ =	strace $0x90000053  }
0x37: {  	s0 =	sadd.s32 @!p0 $0x100000, s2;
	[bflag:$0x2] =	sbarrier.arrive $0xFFFF  }
0x38: {  	[sflag:s0] =	ssyncadd.tile.s32 @!p0 $0x1;
	_ =	shalt  }
.Lfunc_end2:
_tile_overlayer_lowered:
.L_overlay_start_2:
0x39: {  	(tag) =	ssettag $0x2  }
0x3a: {  	s0 =	rddreg [dreg:$0x0];
	s2 =	stileid.u32  }
0x3b: {  	s1 =	rddreg [dreg:$0x1];
	p0 =	sne.s32 s2, $0x0  }
0x3c: {  	s3 =	rddreg [dreg:$0x2];
	[bflag:$0x3] =	sbarrier.arrive $0xFFFF;
	s2 =	simm.s32 @!p0 $0x1C02  }
0x3d: {  	[timem:s3], [sflag:s2] =	dma.local @!p0 [hbm:s0], s1  }
0x3e: {  	s0 =	simm.s32 @!p0 $0x2  }
0x3f: {  	_ =	swait.ge @!p0 [sflag:s0], s1  }
0x40: {  	s1 =	ssub.s32 @!p0 $0x0, s1;
	[sflag:s0] =	ssyncset.done @!p0 $0x0  }
0x41: {  	[sflag:s0] =	ssyncadd.s32 @!p0 s1  }
0x42: {  	[bflag:$0x3] =	sbarrier.arrive $0xFFFF  }
0x43: {  	_ =	shalt  }

// kernel: kernel.30.cloned.1.call-start
scs
__scs_entry_jumppad:
0x0: {  	(pc) =	sbr.rel $0x88, $3  }
0x1: {  	(tag) =	ssettag $0x0;
	lr =	simm.s32 $0x1  }
0x2: {  	[smem:$0x3F97] =	sst lr;
	_ =	strace $0xD0000000  }
0x3: {  	_ = 	snop  }
0x4: {  	_ = 	snop  }
0x5: {  	_ = 	snop  }
0x6: {  	_ = 	snop  }
0x7: {  	_ = 	snop  }
__scs_overlays_trampoline_lowered:
0x8: {  	[smem:$0x3FA6] =	sst s0  }
0x9: {  	[smem:$0x3FA7] =	sst s1  }
0xa: {  	[smem:$0x3FA8] =	sst s2  }
0xb: {  	[smem:$0x3FA9] =	sst s3  }
0xc: {  	[smem:$0x3FAA] =	sst s4  }
0xd: {  	[smem:$0x3FAB] =	sst s5  }
0xe: {  	[smem:$0x3FAC] =	sst s6  }
0xf: {  	[smem:$0x3FAD] =	sst s7  }
0x10: {  	[smem:$0x3FAE] =	sst s8  }
0x11: {  	[smem:$0x3FAF] =	sst s9;
	s0 =	simm.s32 @!p0 $0x0  }
0x12: {  	s1 =	sld [smem:$0x3F95];
	s0 =	simm.s32 @p0 $0x1  }
0x13: {  	[smem:$0x3FB0] =	sst s0;
	s0 =	simm.s32 @!p1 $0x0  }
0x14: {  	s2 =	sld [smem:$0x3F94];
	s0 =	simm.s32 @p1 $0x1  }
0x15: {  	[smem:$0x3FB1] =	sst s0;
	s0 =	simm.s32 @!p2 $0x0  }
0x16: {  	s3 =	sld [smem:$0x3FDB];
	s0 =	simm.s32 @p2 $0x1  }
0x17: {  	s4 =	simm.s32 $0x1BF5;
	[smem:$0x3FB3] =	sst s0  }
0x18: {  	s0 =	sld [smem:$0x3F96];
	_ =	swait.ge [sflag:s4], $0x0  }
0x19: {  	s7 =	sld [smem:$0x3F97]  }
0x1a: {  	s8 =	sadd.s32 $0xFFFFE003, lr  }
0x1b: {  	s9 =	sadd.s32 $0xFFFFFEF7, lr;
	s5 =	simm.s32 $0xFFFFFFFF;
	p2 =	slt.u32 s8, $0xFFFFF086  }
0x1c: {  	p1 =	slt.u32 s9, $0xF7A;
	s5 =	simm.s32 @!p2 $0x0  }
0x1d: {  	s5 =	simm.s32 @p1 $0x1;
	p0 =	seq.s32 s7, s2  }
0x1e: {  	s7 =	smul.u32 @!p0 $0xF7A, s2;
	p2 =	seq.s32 @!p0 s5, $0x0  }
0x1f: {  	s9 =	smul.u32 $0xF7A, s1;
	s8 =	simm.s32 @!p0 $0x1BF5;
	p2 =	por !p2, p0  }
0x20: {  	[sflag:s8] =	ssyncset.s32 @!p0 $0xFFFFF086;
	s6 =	sadd.s32 @!p0 s3, s7;
	s7 =	simm.s32 @!p0 $0x108  }
0x21: {  	s3 =	sadd.s32 s3, s9;
	s6 =	sadd.s32 @!p0 $0x88, s6;
	s7 =	simm.s32 @p2 $0x1082  }
0x22: {  	[simem:s7], [sflag:s8] =	dma.local @!p0 [hbm:s6], $0xF7A  }
0x23: {  	s9 =	sor.u32 $0xD0000000, s2;
	s6 =	simm.s32 $0x108;
	_ =	swait.ge @!p0 [sflag:s8], $0x0  }
0x24: {  	s3 =	sadd.s32 $0x88, s3;
	s6 =	simm.s32 @!p1 $0x1082;
	[sflag:s4] =	ssyncset.s32 $0xFFFFF086  }
0x25: {  	[simem:s6], [sflag:s4] =	dma.local [hbm:s3], $0xF7A  }
0x26: {  	[smem:$0x3F97] =	sst s1;
	(tag) =	ssettag s2;
	_ =	strace s9  }
0x27: {  	s1 =	sld [smem:$0x3FA7]  }
0x28: {  	s2 =	sld [smem:$0x3FA8]  }
0x29: {  	s4 =	sld [smem:$0x3FAA]  }
0x2a: {  	p0 =	seq.s32 s5, $0x0;
	s5 =	sld [smem:$0x3FAB]  }
0x2b: {  	s6 =	sld [smem:$0x3FAC]  }
0x2c: {  	s7 =	sld [smem:$0x3FAD]  }
0x2d: {  	s3 =	simm.s32 $0x108;
	s8 =	sld [smem:$0x3FAE]  }
0x2e: {  	s3 =	simm.s32 @!p0 $0x1082;
	s9 =	sld [smem:$0x3FAF]  }
0x2f: {  	lr =	sadd.s32 s0, s3;
	s0 =	sld [smem:$0x3FA6]  }
0x30: {  	s3 =	sld [smem:$0x3FA9]  }
0x31: {  	[smem:$0x3FB2] =	sst s10  }
0x32: {  	s10 =	sld [smem:$0x3FB0];
	_ =	sdelay $0x3  }
0x33: {  	p0 =	seq.s32 s10, $0x1;
	s10 =	sld [smem:$0x3FB2];
	_ =	sdelay $0x3  }
0x34: {  	[smem:$0x3FB2] =	sst s10  }
0x35: {  	s10 =	sld [smem:$0x3FB1];
	_ =	sdelay $0x3  }
0x36: {  	p1 =	seq.s32 s10, $0x1;
	s10 =	sld [smem:$0x3FB2];
	_ =	sdelay $0x3  }
0x37: {  	[smem:$0x3FB2] =	sst s10  }
0x38: {  	s10 =	sld [smem:$0x3FB3]  }
0x39: {  	_ = 	snop;
	(pc) =	sbr.ind lr, $3  }
0x3a: {  	_ = 	snop  }
0x3b: {  	_ = 	snop  }
0x3c: {  	p2 =	seq.s32 s10, $0x1;
	s10 =	sld [smem:$0x3FB2]  }
0x3d: {  	_ =	shalt  }
0x3e: {  	_ =	shalt  }
0x3f: {  	_ =	shalt  }
0x40: {  	_ =	shalt  }
0x41: {  	_ =	shalt  }
0x42: {  	_ =	shalt  }
0x43: {  	_ =	shalt  }
0x44: {  	_ =	shalt  }
0x45: {  	_ =	shalt  }
0x46: {  	_ =	shalt  }
0x47: {  	_ =	shalt  }
0x48: {  	_ =	shalt  }
0x49: {  	_ =	shalt  }
0x4a: {  	_ =	shalt  }
0x4b: {  	_ =	shalt  }
0x4c: {  	_ =	shalt  }
0x4d: {  	_ =	shalt  }
0x4e: {  	_ =	shalt  }
0x4f: {  	_ =	shalt  }
0x50: {  	_ =	shalt  }
0x51: {  	_ =	shalt  }
0x52: {  	_ =	shalt  }
0x53: {  	_ =	shalt  }
0x54: {  	_ =	shalt  }
0x55: {  	_ =	shalt  }
0x56: {  	_ =	shalt  }
0x57: {  	_ =	shalt  }
0x58: {  	_ =	shalt  }
0x59: {  	_ =	shalt  }
0x5a: {  	_ =	shalt  }
0x5b: {  	_ =	shalt  }
0x5c: {  	_ =	shalt  }
0x5d: {  	_ =	shalt  }
0x5e: {  	_ =	shalt  }
0x5f: {  	_ =	shalt  }
0x60: {  	_ =	shalt  }
0x61: {  	_ =	shalt  }
0x62: {  	_ =	shalt  }
0x63: {  	_ =	shalt  }
0x64: {  	_ =	shalt  }
0x65: {  	_ =	shalt  }
0x66: {  	_ =	shalt  }
0x67: {  	_ =	shalt  }
0x68: {  	_ =	shalt  }
0x69: {  	_ =	shalt  }
0x6a: {  	_ =	shalt  }
0x6b: {  	_ =	shalt  }
0x6c: {  	_ =	shalt  }
0x6d: {  	_ =	shalt  }
0x6e: {  	_ =	shalt  }
0x6f: {  	_ =	shalt  }
0x70: {  	_ =	shalt  }
0x71: {  	_ =	shalt  }
0x72: {  	_ =	shalt  }
0x73: {  	_ =	shalt  }
0x74: {  	_ =	shalt  }
0x75: {  	_ =	shalt  }
0x76: {  	_ =	shalt  }
0x77: {  	_ =	shalt  }
0x78: {  	_ =	shalt  }
0x79: {  	_ =	shalt  }
0x7a: {  	_ =	shalt  }
0x7b: {  	_ =	shalt  }
0x7c: {  	_ =	shalt  }
0x7d: {  	_ =	shalt  }
0x7e: {  	_ =	shalt  }
0x7f: {  	_ =	shalt  }
0x80: {  	_ =	shalt  }
0x81: {  	_ =	shalt  }
0x82: {  	_ =	shalt  }
0x83: {  	_ =	shalt  }
0x84: {  	_ =	shalt  }
0x85: {  	_ =	shalt  }
0x86: {  	_ =	shalt  }
0x87: {  	_ =	shalt  }
.Lfunc_end0:
.L_simem_size_0:
called_computation.5_lowered:
.L_overlay_start_0:
0x88: {  	s2 =	sld [smem:$0x3FD9]  }
0x89: {  	s3 =	sld [smem:$0x3FFE];
	_ =	sdelay $0x1  }
0x8a: {  	s1 =	srdreg.scid  }
0x8b: {  	s0 =	sand.u32 $0x1, s1  }
0x8c: {  	s17 =	sshll.u32 s0, $0xA;
	s2 =	sadd.s32 s3, s2  }
0x8d: {  	s2 =	sadd.s32 s2, s17  }
0x8e: {  	[smem:$0x3FBE] =	sst s2  }
0x8f: {  	_ = 	snop  }
0x90: {  	s2 =	sld [smem:$0x3FD0];
	(tm) =	ssettm $0x1  }
0x91: {  	s18 =	sld [smem:$0x3FFB];
	_ =	sdelay $0x3  }
0x92: {  	_ =	strace s18  }
0x93: {  	s3 =	sld [smem:$0x3FFC];
	_ =	sdelay $0x3  }
0x94: {  	_ =	strace s3  }
0x95: {  	s3 =	sld [smem:$0x3FFD];
	_ =	sdelay $0x3  }
0x96: {  	_ =	strace s3  }
0x97: {  	_ =	strace $0x8FFFFFFF  }
0x98: {  	s19 =	sld [smem:$0x3FDB];
	_ =	sdelay $0x1  }
0x99: {  	s4 =	simm.s32 $_scs_section_size  }
0x9a: {  	s5 =	simm.s32 $_size__tile_overlayer_lowered;
	s6 =	simm.s32 $_tile_overlayer_lowered  }
0x9b: {  	s22 =	simm.s32 $0x1BFF;
	s21 =	sshll.u32 s6, $0x1;
	s3 =	sadd.s32 s4, s19  }
0x9c: {  	s7 =	simm.s32 $0x0;
	s20 =	sshll.u32 s5, $0x1;
	s5 =	sadd.s32 s21, s3  }
0x9d: {  	[timem:s7], [sflag:s22] =	dma.local [hbm:s5], s20  }
0x9e: {  	_ =	swait.ge [sflag:s22], s20  }
0x9f: {  	s4 =	ssub.s32 $0x0, s20;
	[sflag:s22] =	ssyncset.done $0x0  }
0xa0: {  	[sflag:s22] =	ssyncadd.s32 s4;
	_ =	sdelay $0x1  }
0xa1: {  	s23 =	simm.s32 $0x1B8B  }
0xa2: {  	_ =	swait.ge [sflag:s23], $0x1  }
0xa3: {  	[sflag:s23] =	ssyncset.done $0x0  }
0xa4: {  	s25 =	simm.s32 $0x1B8E;
	s24 =	sld [smem:$0x3FFE];
	[sflag:s23] =	ssyncadd.s32 $0xFFFFFFFF  }
0xa5: {  	s26 =	simm.s32 $execute0_lowered;
	[smem:$0x3FD2] =	sst s25  }
0xa6: {  	s5 =	sshll.u32 s26, $0x1;
	_ =	strace $0x80000055;
	[dreg:$0x1] =	wrdreg $0xFFFFFFFF  }
0xa7: {  	s28 =	simm.s32 $_size_execute0_lowered;
	s3 =	sadd.s32 s3, s5;
	[dreg:$0x0] =	wrdreg $0x0  }
0xa8: {  	s5 =	sshll.u32 s28, $0x1;
	[dreg:$0x2] =	wrdreg s3  }
0xa9: {  	[dreg:$0x3] =	wrdreg s5  }
0xaa: {  	[dreg:$0x4] =	wrdreg $0xC0  }
0xab: {  	_ =	task [dreg:s7], $0x5FFFF  }
0xac: {  	[dreg:$0x1] =	wrdreg $0xFFFFFFFF  }
0xad: {  	[dreg:$0x0] =	wrdreg $0x60  }
0xae: {  	[dreg:$0x2] =	wrdreg s2  }
0xaf: {  	[dreg:$0x3] =	wrdreg s24  }
0xb0: {  	[dreg:$0x4] =	wrdreg $0xB8000  }
0xb1: {  	[dreg:$0x5] =	wrdreg $0x9  }
0xb2: {  	_ =	task.clear_ibuf [dreg:s7], $0x6FFFF;
	_ =	strace $0x90000055  }
0xb3: {  	s29 =	simm.s32 $0x9;
	_ =	strace $0x80000057  }
0xb4: {  	_ =	swait.ge [sflag:s29], $0x1  }
0xb5: {  	[sflag:s29] =	ssyncadd.s32 $0xFFFFFFFF  }
0xb6: {  	_ =	strace $0x90000057  }
0xb7: {  	_ =	sfence  }
0xb8: {  	s30 =	sld [smem:$0x0];
	_ =	sdelay $0x2  }
0xb9: {  	s31 =	sshll.u32 s1, $0xD;
	s1 =	sshrl.u32 s1, $0x2  }
0xba: {  	s3 =	sand.u32 $0x4000, s31;
	s1 =	sadd.s32 s1, s30  }
0xbb: {  	s0 =	sor.u32 s3, s0;
	s1 =	sshll.u32 s1, $0x11  }
0xbc: {  	s0 =	sor.u32 s1, s0  }
0xbd: {  	s0 =	sadd.s32 $0x8F2B, s0  }
0xbe: {  	[sflag:s0] =	ssyncadd.remote.s32 $0x1  }
0xbf: {  	_ =	sfence.sel $0xFFFF  }
0xc0: {  	[dreg:$0x0] =	wrdreg $0xFFFFFFFF;
	(pc) =	sbr.abs _section_cstart, $3  }
0xc1: {  	[dreg:$0x1] =	wrdreg $0xFFFFFFFF  }
0xc2: {  	_ =	task.clear_ibuf [dreg:s7], $0x2FFFF;
	_ =	strace $0x9FFFFFFF  }
0xc3: {  	(tm) =	ssettm $0x7FFFFFFF  }
tec
execute0_lowered:
.L_overlay_start_1:
0x0: {  	(tag) =	ssettag $0x1  }
0x1: {  	s1 =	rddreg [dreg:$0x0]  }
0x2: {  	s7 =	rddreg [dreg:$0x1]  }
0x3: {  	s4 =	rddreg [dreg:$0x2]  }
0x4: {  	s0 =	srdreg.scid;
	s3 =	simm.s32 $0x78;
	s2 =	rddreg [dreg:$0x3]  }
0x5: {  	s5 =	simm.s32 $0x0;
	s14 =	simm.s32 $0x80;
	s6 =	sand.u32 $0x1, s0  }
0x6: {  	s15 =	simm.s32 $0x7800;
	s16 =	simm.s32 $0x1;
	s8 =	smul.u32 $0x780, s6  }
0x7: {  	s17 =	simm.s32 $0x0;
	s0 =	stileid.u32;
	s10 =	smul.u32 $0x140000, s6  }
0x8: {  	[smem:$0x7FF] =	sst s5;
	p0 =	seq.s32 s6, $0x0;
	s29 =	smul.u32 $0x14000, s0  }
0x9: {  	_ =	strace $0x80000056;
	s30 =	ssub.s32 $0x2, s6;
	s11 =	smul.u32 $0x50000, s0  }
0xa: {  	s6 =	sadd.s32 $0x77800, s7;
	s12 =	sshll.u32 s0, $0x6;
	s3 =	simm.s32 @!p0 $0x28  }
0xb: {  	s31 =	sshrl.u32 s30, $0x1;
	s9 =	smul.u32 s0, s3;
	s11 =	sshrl.u32 s11, $0x2  }
0xc: {  	s12 =	sor.u32 $0x1C02, s12;
	s13 =	sadd.s32 s11, s4;
	s11 =	simm.s32 $0x2  }
0xd: {  	s8 =	sadd.s32 s8, s9;
	s9 =	sadd.s32 s29, s10;
	s10 =	ssub.s32 s30, s31  }
0xe: {  	s13 =	sshrl.u32 s13, $0x3;
	s8 =	sshll.u32 s8, $0x4;
	s9 =	sshrl.u32 s9, $0x3  }
0xf: {  	s10 =	smax.u32 s10, $0x1;
	s8 =	sadd.s32 s8, s7;
	s9 =	sadd.s32 s9, s7  }
0x10: {  	s7 =	sadd.s32 $0x24A00, s8;
	s8 =	sadd.s32 $0x4EA00, s8;
	s9 =	sadd.s32 $0x7A000, s9  }
.LBB2_1:
0x11: {  	[tilespmem:s5], [sflag:$0x2] =	stream.linear.gather [hbm4b:s7+s5], $0x3C00, $0x38;
	[tilespmem:$0x1F800] =	vst v63  }
0x12: {  	_ =	swait.ge [sflag:s11], $0x3C00  }
0x13: {  	[sflag:s11] =	ssyncset.done $0x0  }
0x14: {  	s18 =	simm.s32 $0x3C00;
	[sflag:s11] =	ssyncadd.s32 $0xFFFFC400  }
0x15: {  	[tilespmem:s18], [sflag:$0x2] =	stream.linear.gather [hbm4b:s8+s5], $0x3C00, $0x38;
	[tilespmem:$0x1F800] =	vst v63  }
0x16: {  	_ =	swait.ge [sflag:s11], $0x3C00  }
0x17: {  	[sflag:s11] =	ssyncset.done $0x0  }
0x18: {  	[sflag:s11] =	ssyncadd.s32 $0xFFFFC400  }
0x19: {  	[spmem:s13], [sflag:s12] =	dma.local [hbm:s6], $0x2800  }
0x1a: {  	_ =	swait.ge [sflag:s11], $0x2800  }
0x1b: {  	[sflag:s11] =	ssyncset.done $0x0  }
0x1c: {  	[sflag:s11] =	ssyncadd.s32 $0xFFFFD800  }
0x1d: {  	[bflag:$0x0] =	sbarrier.arrive $0xFFFF  }
0x1e: {  	[tilespmem:s15], [sflag:$0x1] =	stream.indirect.gather [hbm4b:s1+s14], $0x80, s5, s14, $0xb8;
	[tilespmem:$0x1F800] =	vst v63  }
0x1f: {  	p0 =	sne.s32 s3, $0x1;
	_ =	swait.ge [sflag:s16], $0x4000  }
.Ltmp0:
0x20: {  	[sflag:s16] =	ssyncset.done $0x0;
	(pc) =	sbr.rel @!p0 .LBB2_3-.Ltmp0, $4  }
0x21: {  	[sflag:s16] =	ssyncadd.s32 $0xFFFFC000  }
0x22: {  	[spmem:s4] =	stream.indirect.scatter.add.f32 [tilespmem:s15], [sflag:$0x2], $0x80, s18, s14, $0xb8;
	[tilespmem:$0x1F800] =	vst v63  }
0x23: {  	_ =	swait.ge [sflag:s11], $0x4000  }
0x24: {  	s19 =	sadd.s32 $0xFFFFFFFF, s3;
	s20 =	simm.s32 $0x0;
	[sflag:s11] =	ssyncset.done $0x0  }
.LBB2_2:
0x25: {  	[sflag:s11] =	ssyncadd.s32 $0xFFFFC000;
	s20 =	sadd.s32 $0x80, s20;
	s18 =	sadd.s32 $0x80, s18  }
0x26: {  	[tilespmem:s15], [sflag:$0x1] =	stream.indirect.gather [hbm4b:s1+s14], $0x80, s20, s14, $0xb8;
	[tilespmem:$0x1F800] =	vst v63  }
0x27: {  	p0 =	sne.s32 s19, $0x1;
	s19 =	sadd.s32 $0xFFFFFFFF, s19;
	_ =	swait.ge [sflag:s16], $0x4000  }
.Ltmp1:
0x28: {  	[sflag:s16] =	ssyncset.done $0x0;
	(pc) =	sbr.rel @p0 .LBB2_2-.Ltmp1, $4  }
0x29: {  	[sflag:s16] =	ssyncadd.s32 $0xFFFFC000  }
0x2a: {  	[spmem:s4] =	stream.indirect.scatter.add.f32 [tilespmem:s15], [sflag:$0x2], $0x80, s18, s14, $0xb8;
	[tilespmem:$0x1F800] =	vst v63  }
0x2b: {  	_ =	swait.ge [sflag:s11], $0x4000  }
0x2c: {  	[sflag:s11] =	ssyncset.done $0x0  }
.LBB2_3:
0x2d: {  	s17 =	sadd.s32 $0x1, s17  }
0x2e: {  	[sflag:s11] =	ssyncadd.s32 $0xFFFFC000;
	p0 =	sne.s32 s17, s10  }
.Ltmp2:
0x2f: {  	[bflag:$0x0] =	sbarrier.arrive $0xFFFF;
	(pc) =	sbr.rel @p0 .LBB2_1-.Ltmp2, $4  }
0x30: {  	[hbm:s9], [sflag:s12] =	dma.local [spmem:s13], $0x2800  }
0x31: {  	_ =	swait.ge [sflag:s11], $0x2800  }
0x32: {  	[sflag:s11] =	ssyncset.done $0x0  }
0x33: {  	[sflag:s11] =	ssyncadd.s32 $0xFFFFD800  }
0x34: {  	_ =	sfence.sel $0x180000  }
0x35: {  	[bflag:$0x0] =	sbarrier.arrive $0xFFFF  }
0x36: {  	p0 =	sne.s32 s0, $0x0;
	_ =	strace $0x90000056  }
0x37: {  	s0 =	sadd.s32 @!p0 $0x100000, s2;
	[bflag:$0x2] =	sbarrier.arrive $0xFFFF  }
0x38: {  	[sflag:s0] =	ssyncadd.tile.s32 @!p0 $0x1;
	_ =	shalt  }
.Lfunc_end2:
_tile_overlayer_lowered:
.L_overlay_start_2:
0x39: {  	(tag) =	ssettag $0x2  }
0x3a: {  	s0 =	rddreg [dreg:$0x0];
	s2 =	stileid.u32  }
0x3b: {  	s1 =	rddreg [dreg:$0x1];
	p0 =	sne.s32 s2, $0x0  }
0x3c: {  	s3 =	rddreg [dreg:$0x2];
	[bflag:$0x3] =	sbarrier.arrive $0xFFFF;
	s2 =	simm.s32 @!p0 $0x1C02  }
0x3d: {  	[timem:s3], [sflag:s2] =	dma.local @!p0 [hbm:s0], s1  }
0x3e: {  	s0 =	simm.s32 @!p0 $0x2  }
0x3f: {  	_ =	swait.ge @!p0 [sflag:s0], s1  }
0x40: {  	s1 =	ssub.s32 @!p0 $0x0, s1;
	[sflag:s0] =	ssyncset.done @!p0 $0x0  }
0x41: {  	[sflag:s0] =	ssyncadd.s32 @!p0 s1  }
0x42: {  	[bflag:$0x3] =	sbarrier.arrive $0xFFFF  }
0x43: {  	_ =	shalt  }

</sc_bundles>
